<compile_context>
chip_gen: v7x
topology: tpu7x:2x2x1
jax: 0.10.2.dev20260603
libtpu: 0.0.44.dev20260713+nightly
codegen_flags: <defaults>
</compile_context>

<pallas_src>
import dataclasses
import functools

import jax
import jax.numpy as jnp
from jax import lax
from jax.experimental import pallas as pl
from jax.experimental.pallas import tpu as pltpu
from jax.experimental.pallas import tpu_sc as plsc

N = 10000
D = 128
DOUT = 40
E = 320000

NC = 2
NS = 16
NW = NC * NS
CK = 128
CH = 80
TPW = CH * CK
E_PAD = NW * TPW
TOT_CH = NW * CH
NPAD = 10240
RPT = NPAD // NS
IG = 40
HK = CK // 2

BLK = 2000
NBLK = N // BLK
EPS = 1e-5


def _sc_compiler_params():
    cp = pltpu.CompilerParams()
    if "needs_layout_passes" in pltpu.CompilerParams.__dataclass_fields__:
        cp = dataclasses.replace(cp, needs_layout_passes=False)
    return cp


@functools.cache
def _sc_hist_fn():
    mesh = plsc.VectorSubcoreMesh(core_axis_name="c", subcore_axis_name="s")

    @functools.partial(
        pl.kernel,
        out_type=jax.ShapeDtypeStruct((NW, NPAD), jnp.float32),
        mesh=mesh,
        compiler_params=_sc_compiler_params(),
        scratch_types=[
            pltpu.VMEM((TPW,), jnp.int32),
            pltpu.VMEM((NPAD,), jnp.float32),
        ],
    )
    def _sc_hist(dst_hbm, out_hbm, idxv, hist):
        c = lax.axis_index("c")
        s = lax.axis_index("s")
        wid = s * NC + c
        pltpu.sync_copy(dst_hbm.at[wid], idxv)
        zero = jnp.zeros((16,), jnp.float32)

        @pl.loop(0, NPAD, step=16)
        def _(i):
            hist[pl.ds(i, 16)] = zero

        ones = jnp.ones((16,), jnp.float32)

        @pl.loop(0, TPW, step=16)
        def _(i):
            idx = idxv[pl.ds(i, 16)]
            plsc.addupdate_scatter(hist, [idx], ones)

        pltpu.sync_copy(hist, out_hbm.at[wid])

    return _sc_hist


@functools.cache
def _sc_agg_fn():
    mesh = plsc.VectorSubcoreMesh(core_axis_name="c", subcore_axis_name="s")

    @functools.partial(
        pl.kernel,
        out_type=jax.ShapeDtypeStruct((NC, NPAD, D), jnp.float32),
        mesh=mesh,
        scratch_types=[
            pltpu.VMEM((IG, CK), jnp.int32),
            pltpu.VMEM((IG, CK), jnp.int32),
            pltpu.VMEM((CK, D), jnp.float32),
            pltpu.VMEM((CK, D), jnp.float32),
            pltpu.VMEM_SHARED((NPAD, D), jnp.float32),
            pltpu.SemaphoreType.DMA,
            pltpu.SemaphoreType.DMA,
            pltpu.SemaphoreType.DMA,
            pltpu.SemaphoreType.DMA,
        ],
    )
    def _sc_agg(z_hbm, src_hbm, dst_hbm, zer_hbm, out_hbm,
                srcv, dstv, rows_a, rows_b, acc, sem_a, sem_b, sem_a2, sem_b2):

        def gather_start(j, buf, s1, s2):
            pltpu.make_async_copy(z_hbm.at[srcv.at[j, pl.ds(0, HK)]],
                                  buf.at[pl.ds(0, HK)], s1).start()
            pltpu.make_async_copy(z_hbm.at[srcv.at[j, pl.ds(HK, HK)]],
                                  buf.at[pl.ds(HK, HK)], s2).start()

        def gather_wait(j, buf, s1, s2):
            pltpu.make_async_copy(z_hbm.at[srcv.at[j, pl.ds(0, HK)]],
                                  buf.at[pl.ds(0, HK)], s1).wait()
            pltpu.make_async_copy(z_hbm.at[srcv.at[j, pl.ds(HK, HK)]],
                                  buf.at[pl.ds(HK, HK)], s2).wait()
        c = lax.axis_index("c")
        s = lax.axis_index("s")
        base = (s * NC + c) * CH
        nch = CH

        pltpu.sync_copy(src_hbm.at[pl.ds(base, IG)], srcv)
        pltpu.sync_copy(dst_hbm.at[pl.ds(base, IG)], dstv)
        gather_start(0, rows_a, sem_a, sem_a2)

        pltpu.sync_copy(zer_hbm, rows_b)

        @pl.loop(0, RPT, step=16)
        def _(i):
            pltpu.sync_copy(rows_b.at[pl.ds(0, 16)], acc.at[pl.ds(s * RPT + i, 16)])

        plsc.subcore_barrier()

        @pl.loop(0, nch, step=IG)
        def _(g):
            @pl.when(g > 0)
            def _():
                pltpu.sync_copy(src_hbm.at[pl.ds(base + g, IG)], srcv)
                pltpu.sync_copy(dst_hbm.at[pl.ds(base + g, IG)], dstv)
                gather_start(0, rows_a, sem_a, sem_a2)

            @pl.loop(0, IG, step=2)
            def _(j):
                gather_wait(j, rows_a, sem_a, sem_a2)
                gather_start(j + 1, rows_b, sem_b, sem_b2)
                pltpu.sync_copy(rows_a, acc.at[dstv.at[j]], add=True)
                gather_wait(j + 1, rows_b, sem_b, sem_b2)

                @pl.when(j + 2 < IG)
                def _():
                    gather_start(j + 2, rows_a, sem_a, sem_a2)

                pltpu.sync_copy(rows_b, acc.at[dstv.at[j + 1]], add=True)

        plsc.subcore_barrier()
        pltpu.sync_copy(acc.at[pl.ds(s * RPT, RPT)],
                        out_hbm.at[c, pl.ds(s * RPT, RPT)])

    return _sc_agg



def _mmscale_body(d_ref, x_ref, w_ref, o_ref):
    o_ref[...] = d_ref[...] * jnp.dot(x_ref[...], w_ref[...],
                                      preferred_element_type=jnp.float32,
                                      precision=lax.Precision.HIGHEST)


def _tc_mmscale(d, x, w):
    m, k = x.shape
    n = w.shape[1]
    return pl.pallas_call(
        _mmscale_body,
        grid=(m // BLK,),
        in_specs=[pl.BlockSpec((BLK, 1), lambda i: (i, 0)),
                  pl.BlockSpec((BLK, k), lambda i: (i, 0)),
                  pl.BlockSpec((k, n), lambda i: (0, 0))],
        out_specs=pl.BlockSpec((BLK, n), lambda i: (i, 0)),
        out_shape=jax.ShapeDtypeStruct((m, n), jnp.float32),
    )(d, x, w)


def _prep_body(hp_ref, o_ref):
    o_ref[...] = lax.rsqrt(1.0 + jnp.sum(hp_ref[...], axis=0, keepdims=True))


def _tc_prep(hp):
    return pl.pallas_call(
        _prep_body,
        out_shape=jax.ShapeDtypeStruct((1, NPAD), jnp.float32),
    )(hp)


def _postagg_body(a_ref, z_ref, d_ref, b_ref, p_ref, s_ref, q_ref):
    agg = a_ref[0] + a_ref[1]
    p = d_ref[...] * (agg + z_ref[...]) + b_ref[...]
    p_ref[...] = p

    @pl.when(pl.program_id(0) == 0)
    def _():
        s_ref[...] = jnp.zeros_like(s_ref)
        q_ref[...] = jnp.zeros_like(q_ref)

    s_ref[...] += jnp.sum(p, axis=0, keepdims=True)
    q_ref[...] += jnp.sum(p * p, axis=0, keepdims=True)


def _tc_postagg(a, z, d, b):
    return pl.pallas_call(
        _postagg_body,
        grid=(NBLK,),
        in_specs=[pl.BlockSpec((2, BLK, D), lambda i: (0, i, 0)),
                  pl.BlockSpec((BLK, D), lambda i: (i, 0)),
                  pl.BlockSpec((BLK, 1), lambda i: (i, 0)),
                  pl.BlockSpec((1, D), lambda i: (0, 0))],
        out_specs=[pl.BlockSpec((BLK, D), lambda i: (i, 0)),
                   pl.BlockSpec((1, D), lambda i: (0, 0)),
                   pl.BlockSpec((1, D), lambda i: (0, 0))],
        out_shape=[jax.ShapeDtypeStruct((N, D), jnp.float32),
                   jax.ShapeDtypeStruct((1, D), jnp.float32),
                   jax.ShapeDtypeStruct((1, D), jnp.float32)],
    )(a, z, d, b)


def _bn_core(p_ref, s_ref, q_ref, g_ref, be_ref):
    mu = s_ref[...] * (1.0 / N)
    var = q_ref[...] * (1.0 / N) - mu * mu
    a = g_ref[...] * lax.rsqrt(var + EPS)
    return jnp.maximum((p_ref[...] - mu) * a + be_ref[...], 0.0)


def _bnmm_body(p_ref, s_ref, q_ref, g_ref, be_ref, d_ref, w_ref, o_ref):
    h = _bn_core(p_ref, s_ref, q_ref, g_ref, be_ref)
    o_ref[...] = d_ref[...] * jnp.dot(h, w_ref[...],
                                      preferred_element_type=jnp.float32,
                                      precision=lax.Precision.HIGHEST)


def _tc_bnmm(p, s, q, g, be, d, w):
    return pl.pallas_call(
        _bnmm_body,
        grid=(NBLK,),
        in_specs=[pl.BlockSpec((BLK, D), lambda i: (i, 0)),
                  pl.BlockSpec((1, D), lambda i: (0, 0)),
                  pl.BlockSpec((1, D), lambda i: (0, 0)),
                  pl.BlockSpec((1, D), lambda i: (0, 0)),
                  pl.BlockSpec((1, D), lambda i: (0, 0)),
                  pl.BlockSpec((BLK, 1), lambda i: (i, 0)),
                  pl.BlockSpec((D, D), lambda i: (0, 0))],
        out_specs=pl.BlockSpec((BLK, D), lambda i: (i, 0)),
        out_shape=jax.ShapeDtypeStruct((N, D), jnp.float32),
    )(p, s, q, g, be, d, w)


def _bn_body(p_ref, s_ref, q_ref, g_ref, be_ref, d_ref, o_ref):
    o_ref[...] = d_ref[...] * _bn_core(p_ref, s_ref, q_ref, g_ref, be_ref)


def _tc_bn(p, s, q, g, be, d):
    return pl.pallas_call(
        _bn_body,
        grid=(NBLK,),
        in_specs=[pl.BlockSpec((BLK, D), lambda i: (i, 0)),
                  pl.BlockSpec((1, D), lambda i: (0, 0)),
                  pl.BlockSpec((1, D), lambda i: (0, 0)),
                  pl.BlockSpec((1, D), lambda i: (0, 0)),
                  pl.BlockSpec((1, D), lambda i: (0, 0)),
                  pl.BlockSpec((BLK, 1), lambda i: (i, 0))],
        out_specs=pl.BlockSpec((BLK, D), lambda i: (i, 0)),
        out_shape=jax.ShapeDtypeStruct((N, D), jnp.float32),
    )(p, s, q, g, be, d)


def _final_body(a_ref, z_ref, d_ref, w_ref, b_ref, o_ref):
    u = d_ref[...] * (a_ref[0] + a_ref[1] + z_ref[...])
    h = jnp.dot(u, w_ref[...], preferred_element_type=jnp.float32,
                precision=lax.Precision.HIGHEST) + b_ref[...]
    m = jnp.max(h, axis=1, keepdims=True)
    sh = h - m
    o_ref[...] = sh - jnp.log(jnp.sum(jnp.exp(sh), axis=1, keepdims=True))


def _tc_final(a, z, d, w, b):
    return pl.pallas_call(
        _final_body,
        grid=(NBLK,),
        in_specs=[pl.BlockSpec((2, BLK, D), lambda i: (0, i, 0)),
                  pl.BlockSpec((BLK, D), lambda i: (i, 0)),
                  pl.BlockSpec((BLK, 1), lambda i: (i, 0)),
                  pl.BlockSpec((D, DOUT), lambda i: (0, 0)),
                  pl.BlockSpec((1, DOUT), lambda i: (0, 0))],
        out_specs=pl.BlockSpec((BLK, DOUT), lambda i: (i, 0)),
        out_shape=jax.ShapeDtypeStruct((N, DOUT), jnp.float32),
    )(a, z, d, w, b)



def kernel(x, edge_index, W0, b0, g0, be0, W1, b1, g1, be1, W2, b2):
    pad = E_PAD - E
    junk = N + jnp.arange(pad, dtype=jnp.int32) % (NPAD - N)
    jsrc = jnp.arange(pad, dtype=jnp.int32) % N
    srcp = jnp.concatenate([edge_index[0], jsrc])
    dstp = jnp.concatenate([edge_index[1], junk])
    src_g = srcp.reshape(TOT_CH, CK)
    dst_g = dstp.reshape(TOT_CH, CK)
    dst_h = dstp.reshape(NW, TPW)
    zer = jnp.zeros((CK, D), jnp.float32)

    sc_hist = _sc_hist_fn()
    sc_agg = _sc_agg_fn()

    hp = sc_hist(dst_h)
    dinv = _tc_prep(hp).reshape(NPAD, 1)[:N]

    z0 = _tc_mmscale(dinv, x, W0)
    a0 = sc_agg(z0, src_g, dst_g, zer)
    p1, s1, q1 = _tc_postagg(a0, z0, dinv, b0.reshape(1, D))
    z1 = _tc_bnmm(p1, s1, q1, g0.reshape(1, D), be0.reshape(1, D), dinv, W1)

    a1 = sc_agg(z1, src_g, dst_g, zer)
    p2, s2, q2 = _tc_postagg(a1, z1, dinv, b1.reshape(1, D))
    z2 = _tc_bn(p2, s2, q2, g1.reshape(1, D), be1.reshape(1, D), dinv)

    a2 = sc_agg(z2, src_g, dst_g, zer)
    return _tc_final(a2, z2, dinv, W2, b2.reshape(1, DOUT))

# --- scband reference (transcript-rebuilt; emitter-appended) ---
"""Pipeline reference for scband-gcn-24086176595969 (READ-ONLY COPY).

The authoritative reference and input builder live on the scoring server;
editing this copy changes nothing except your own understanding.
"""

import jax, jax.numpy as jnp
import numpy as np

N = 10000
E = 320000
D_IN = 128
D_H = 128
D_OUT = 40


def setup_inputs(seed: int = 0) -> dict:
    key = jax.random.key(seed)
    ks = jax.random.split(key, 13)
    x = jax.random.normal(ks[0], (N, D_IN), dtype=jnp.float32)
    edge_index = jax.random.randint(ks[1], (2, E), 0, N, dtype=jnp.int32)
    # GCNConv params (glorot-style scale), layers: in->h, h->h, h->out
    W0 = jax.random.normal(ks[2], (D_IN, D_H), dtype=jnp.float32) * (1.0 / np.sqrt(D_IN))
    b0 = jnp.zeros((D_H,), dtype=jnp.float32)
    g0 = jnp.ones((D_H,), dtype=jnp.float32)
    be0 = jnp.zeros((D_H,), dtype=jnp.float32)
    W1 = jax.random.normal(ks[3], (D_H, D_H), dtype=jnp.float32) * (1.0 / np.sqrt(D_H))
    b1 = jnp.zeros((D_H,), dtype=jnp.float32)
    g1 = jnp.ones((D_H,), dtype=jnp.float32)
    be1 = jnp.zeros((D_H,), dtype=jnp.float32)
    W2 = jax.random.normal(ks[4], (D_H, D_OUT), dtype=jnp.float32) * (1.0 / np.sqrt(D_H))
    b2 = jnp.zeros((D_OUT,), dtype=jnp.float32)
    return {"x": x, "edge_index": edge_index, "W0": W0, "b0": b0, "g0": g0, "be0": be0,
            "W1": W1, "b1": b1, "g1": g1, "be1": be1, "W2": W2, "b2": b2}


def gcn_conv(x, edge_index, W, b):
    # PyG GCNConv: add self-loops, symmetric normalization, linear, sum-aggregate, bias
    n = x.shape[0]
    xw = x @ W
    loops = jnp.arange(n, dtype=edge_index.dtype)
    src = jnp.concatenate([edge_index[0], loops])
    dst = jnp.concatenate([edge_index[1], loops])
    ones = jnp.ones(src.shape[0], dtype=xw.dtype)
    deg = jnp.zeros((n,), dtype=xw.dtype).at[dst].add(ones)
    dinv = jnp.where(deg > 0, 1.0 / jnp.sqrt(deg), 0.0)
    norm = dinv[src] * dinv[dst]
    msg = xw[src] * norm[:, None]
    out = jnp.zeros((n, xw.shape[1]), dtype=xw.dtype).at[dst].add(msg)
    return out + b


def batch_norm(x, gamma, beta, eps=1e-5):
    mu = jnp.mean(x, axis=0)
    var = jnp.var(x, axis=0)
    return (x - mu) / jnp.sqrt(var + eps) * gamma + beta


def reference(x, edge_index, W0, b0, g0, be0, W1, b1, g1, be1, W2, b2):
    h = gcn_conv(x, edge_index, W0, b0)
    h = jax.nn.relu(batch_norm(h, g0, be0))
    h = gcn_conv(h, edge_index, W1, b1)
    h = jax.nn.relu(batch_norm(h, g1, be1))
    h = gcn_conv(h, edge_index, W2, b2)
    return jax.nn.log_softmax(h, axis=-1)

if __name__ == "__main__":
    import jax
    _d = setup_inputs()
    print(jax.jit(kernel)(*tuple(_d.values())))

</pallas_src>

<mosaic_0001>
#map = affine_map<(d0, d1) -> (0, 0)>
#map1 = affine_map<(d0, d1) -> (0, 0, 0)>
module attributes {stable_mosaic.version = 14 : i64} {
  func.func @_sc_agg(%arg0: i32, %arg1: i32, %arg2: memref<10000x128xf32, #tpu.memory_space<hbm>>, %arg3: memref<2560x128xi32, #tpu.memory_space<hbm>>, %arg4: memref<2560x128xi32, #tpu.memory_space<hbm>>, %arg5: memref<128x128xf32, #tpu.memory_space<hbm>>, %arg6: memref<2x10240x128xf32, #tpu.memory_space<hbm>>, %arg7: memref<40x128xi32, #tpu.memory_space<vmem>>, %arg8: memref<40x128xi32, #tpu.memory_space<vmem>>, %arg9: memref<128x128xf32, #tpu.memory_space<vmem>>, %arg10: memref<128x128xf32, #tpu.memory_space<vmem>>, %arg11: memref<10240x128xf32, #tpu.memory_space<vmem_shared>>, %arg12: memref<!tpu.dma_semaphore, #tpu.memory_space<semaphore_mem>>, %arg13: memref<!tpu.dma_semaphore, #tpu.memory_space<semaphore_mem>>, %arg14: memref<!tpu.dma_semaphore, #tpu.memory_space<semaphore_mem>>, %arg15: memref<!tpu.dma_semaphore, #tpu.memory_space<semaphore_mem>>) attributes {dimension_semantics = [#tpu.dimension_semantics<core_parallel>, #tpu.dimension_semantics<subcore_parallel>], iteration_bounds = array<i64: 2, 16>, scalar_prefetch = 0 : i64, scratch_operands = 9 : i64, tpu.core_type = #tpu.core_type<sc_vector_subcore>, window_params = [{transform_indices = #map}, {transform_indices = #map}, {transform_indices = #map}, {transform_indices = #map}, {transform_indices = #map1}]} {
    %mul3A = arith.constant 2 : i32
    %mul3A_0 = arith.muli %arg1, %mul3A : i32
    %add3A = arith.addi %mul3A_0, %arg0 : i32
    %mul3A_1 = arith.constant 80 : i32
    %mul3A_2 = arith.muli %add3A, %mul3A_1 : i32
    "tpu.region"() ({
      %run_scoped3A = tpu.sem_alloc : memref<!tpu.dma_semaphore, #tpu.memory_space<semaphore_mem>>
      %dma_start3A_36 = arith.constant 0 : i32
      %dma_start3A_37 = tpu.memref_slice %arg3[%mul3A_2, %dma_start3A_36] : memref<2560x128xi32, #tpu.memory_space<hbm>> -> memref<40x128xi32, #tpu.memory_space<hbm>>
      %dma_start3A_38 = arith.constant 0 : i32
      %dma_start3A_39 = tpu.memref_slice %arg3[%mul3A_2, %dma_start3A_38] : memref<2560x128xi32, #tpu.memory_space<hbm>> -> memref<40x128xi32, #tpu.memory_space<hbm>>
      tpu.enqueue_dma source(%dma_start3A_39 : memref<40x128xi32, #tpu.memory_space<hbm>>) target(%arg7 : memref<40x128xi32, #tpu.memory_space<vmem>>) target_semaphore(%run_scoped3A : memref<!tpu.dma_semaphore, #tpu.memory_space<semaphore_mem>>)
      %dma_wait3A = arith.constant 0 : i32
      %dma_wait3A_40 = tpu.memref_slice %arg3[%mul3A_2, %dma_wait3A] : memref<2560x128xi32, #tpu.memory_space<hbm>> -> memref<40x128xi32, #tpu.memory_space<hbm>>
      %dma_wait3A_41 = arith.constant 0 : i32
      %dma_wait3A_42 = tpu.memref_slice %arg3[%mul3A_2, %dma_wait3A_41] : memref<2560x128xi32, #tpu.memory_space<hbm>> -> memref<40x128xi32, #tpu.memory_space<hbm>>
      tpu.wait_dma2 semaphore(%run_scoped3A : memref<!tpu.dma_semaphore, #tpu.memory_space<semaphore_mem>>) src(%dma_wait3A_42 : memref<40x128xi32, #tpu.memory_space<hbm>>) dst(%arg7 : memref<40x128xi32, #tpu.memory_space<vmem>>)
      tpu.yield
    }) : () -> ()
    "tpu.region"() ({
      %run_scoped3A = tpu.sem_alloc : memref<!tpu.dma_semaphore, #tpu.memory_space<semaphore_mem>>
      %dma_start3A_36 = arith.constant 0 : i32
      %dma_start3A_37 = tpu.memref_slice %arg4[%mul3A_2, %dma_start3A_36] : memref<2560x128xi32, #tpu.memory_space<hbm>> -> memref<40x128xi32, #tpu.memory_space<hbm>>
      %dma_start3A_38 = arith.constant 0 : i32
      %dma_start3A_39 = tpu.memref_slice %arg4[%mul3A_2, %dma_start3A_38] : memref<2560x128xi32, #tpu.memory_space<hbm>> -> memref<40x128xi32, #tpu.memory_space<hbm>>
      tpu.enqueue_dma source(%dma_start3A_39 : memref<40x128xi32, #tpu.memory_space<hbm>>) target(%arg8 : memref<40x128xi32, #tpu.memory_space<vmem>>) target_semaphore(%run_scoped3A : memref<!tpu.dma_semaphore, #tpu.memory_space<semaphore_mem>>)
      %dma_wait3A = arith.constant 0 : i32
      %dma_wait3A_40 = tpu.memref_slice %arg4[%mul3A_2, %dma_wait3A] : memref<2560x128xi32, #tpu.memory_space<hbm>> -> memref<40x128xi32, #tpu.memory_space<hbm>>
      %dma_wait3A_41 = arith.constant 0 : i32
      %dma_wait3A_42 = tpu.memref_slice %arg4[%mul3A_2, %dma_wait3A_41] : memref<2560x128xi32, #tpu.memory_space<hbm>> -> memref<40x128xi32, #tpu.memory_space<hbm>>
      tpu.wait_dma2 semaphore(%run_scoped3A : memref<!tpu.dma_semaphore, #tpu.memory_space<semaphore_mem>>) src(%dma_wait3A_42 : memref<40x128xi32, #tpu.memory_space<hbm>>) dst(%arg8 : memref<40x128xi32, #tpu.memory_space<vmem>>)
      tpu.yield
    }) : () -> ()
    %dma_start3A = arith.constant 0 : i32
    %dma_start3A_3 = arith.constant 0 : i32
    %dma_start3A_4 = arith.constant 0 : i32
    %dma_start3A_5 = tpu.memref_slice %arg9[%dma_start3A_3, %dma_start3A_4] : memref<128x128xf32, #tpu.memory_space<vmem>> -> memref<64x128xf32, #tpu.memory_space<vmem>>
    %dma_start3A_6 = arith.constant 0 : i32
    %dma_start3A_7 = tpu.memref_slice %arg7[%dma_start3A, %dma_start3A_6] : memref<40x128xi32, #tpu.memory_space<vmem>> -> memref<1x64xi32, #tpu.memory_space<vmem>>
    %dma_start3A_8 = tpu.memref_squeeze %dma_start3A_7 : memref<1x64xi32, #tpu.memory_space<vmem>> -> memref<64xi32, #tpu.memory_space<vmem>>
    %dma_start3A_9 = arith.constant 0 : i32
    %dma_start3A_10 = arith.constant 0 : i32
    %dma_start3A_11 = tpu.memref_slice %arg2[%dma_start3A_9, %dma_start3A_10] : memref<10000x128xf32, #tpu.memory_space<hbm>> -> memref<10000x128xf32, #tpu.memory_space<hbm>>
    tpu.enqueue_indirect_dma source(%dma_start3A_11 : memref<10000x128xf32, #tpu.memory_space<hbm>>) target(%dma_start3A_5 : memref<64x128xf32, #tpu.memory_space<vmem>>) offsets(%dma_start3A_8 : memref<64xi32, #tpu.memory_space<vmem>>) semaphore(%arg12 : memref<!tpu.dma_semaphore, #tpu.memory_space<semaphore_mem>>)
    %dma_start3A_12 = arith.constant 0 : i32
    %dma_start3A_13 = arith.constant 64 : i32
    %dma_start3A_14 = arith.constant 0 : i32
    %dma_start3A_15 = tpu.memref_slice %arg9[%dma_start3A_13, %dma_start3A_14] : memref<128x128xf32, #tpu.memory_space<vmem>> -> memref<64x128xf32, #tpu.memory_space<vmem>>
    %dma_start3A_16 = arith.constant 64 : i32
    %dma_start3A_17 = tpu.memref_slice %arg7[%dma_start3A_12, %dma_start3A_16] : memref<40x128xi32, #tpu.memory_space<vmem>> -> memref<1x64xi32, #tpu.memory_space<vmem>>
    %dma_start3A_18 = tpu.memref_squeeze %dma_start3A_17 : memref<1x64xi32, #tpu.memory_space<vmem>> -> memref<64xi32, #tpu.memory_space<vmem>>
    %dma_start3A_19 = arith.constant 0 : i32
    %dma_start3A_20 = arith.constant 0 : i32
    %dma_start3A_21 = tpu.memref_slice %arg2[%dma_start3A_19, %dma_start3A_20] : memref<10000x128xf32, #tpu.memory_space<hbm>> -> memref<10000x128xf32, #tpu.memory_space<hbm>>
    tpu.enqueue_indirect_dma source(%dma_start3A_21 : memref<10000x128xf32, #tpu.memory_space<hbm>>) target(%dma_start3A_15 : memref<64x128xf32, #tpu.memory_space<vmem>>) offsets(%dma_start3A_18 : memref<64xi32, #tpu.memory_space<vmem>>) semaphore(%arg14 : memref<!tpu.dma_semaphore, #tpu.memory_space<semaphore_mem>>)
    "tpu.region"() ({
      %run_scoped3A = tpu.sem_alloc : memref<!tpu.dma_semaphore, #tpu.memory_space<semaphore_mem>>
      tpu.enqueue_dma source(%arg5 : memref<128x128xf32, #tpu.memory_space<hbm>>) target(%arg10 : memref<128x128xf32, #tpu.memory_space<vmem>>) target_semaphore(%run_scoped3A : memref<!tpu.dma_semaphore, #tpu.memory_space<semaphore_mem>>)
      tpu.wait_dma2 semaphore(%run_scoped3A : memref<!tpu.dma_semaphore, #tpu.memory_space<semaphore_mem>>) src(%arg5 : memref<128x128xf32, #tpu.memory_space<hbm>>) dst(%arg10 : memref<128x128xf32, #tpu.memory_space<vmem>>)
      tpu.yield
    }) : () -> ()
    %scan3A = arith.constant 0 : i32
    %scan3A_22 = arith.constant 40 : i32
    %scan3A_23 = arith.addi %scan3A, %scan3A_22 : i32
    %scan3A_24 = arith.constant 1 : i32
    scf.for %scan3A_36 = %scan3A to %scan3A_23 step %scan3A_24  : i32 {
      %mul3A_37 = arith.constant 16 : i32
      %mul3A_38 = arith.muli %scan3A_36, %mul3A_37 : i32
      %add3A_39 = arith.constant 0 : i32
      %add3A_40 = arith.addi %add3A_39, %mul3A_38 : i32
      %mul3A_41 = arith.constant 640 : i32
      %mul3A_42 = arith.muli %arg1, %mul3A_41 : i32
      %add3A_43 = arith.addi %mul3A_42, %add3A_40 : i32
      "tpu.region"() ({
        %run_scoped3A = tpu.sem_alloc : memref<!tpu.dma_semaphore, #tpu.memory_space<semaphore_mem>>
        %dma_start3A_44 = arith.constant 0 : i32
        %dma_start3A_45 = arith.constant 0 : i32
        %dma_start3A_46 = tpu.memref_slice %arg10[%dma_start3A_44, %dma_start3A_45] : memref<128x128xf32, #tpu.memory_space<vmem>> -> memref<16x128xf32, #tpu.memory_space<vmem>>
        %dma_start3A_47 = arith.constant 0 : i32
        %dma_start3A_48 = tpu.memref_slice %arg11[%add3A_43, %dma_start3A_47] : memref<10240x128xf32, #tpu.memory_space<vmem_shared>> -> memref<16x128xf32, #tpu.memory_space<vmem_shared>>
        %dma_start3A_49 = arith.constant 0 : i32
        %dma_start3A_50 = tpu.memref_slice %arg11[%add3A_43, %dma_start3A_49] : memref<10240x128xf32, #tpu.memory_space<vmem_shared>> -> memref<16x128xf32, #tpu.memory_space<vmem_shared>>
        %dma_start3A_51 = arith.constant 0 : i32
        %dma_start3A_52 = arith.constant 0 : i32
        %dma_start3A_53 = tpu.memref_slice %arg10[%dma_start3A_51, %dma_start3A_52] : memref<128x128xf32, #tpu.memory_space<vmem>> -> memref<16x128xf32, #tpu.memory_space<vmem>>
        tpu.enqueue_dma source(%dma_start3A_53 : memref<16x128xf32, #tpu.memory_space<vmem>>) target(%dma_start3A_50 : memref<16x128xf32, #tpu.memory_space<vmem_shared>>) target_semaphore(%run_scoped3A : memref<!tpu.dma_semaphore, #tpu.memory_space<semaphore_mem>>)
        %dma_wait3A = arith.constant 0 : i32
        %dma_wait3A_54 = arith.constant 0 : i32
        %dma_wait3A_55 = tpu.memref_slice %arg10[%dma_wait3A, %dma_wait3A_54] : memref<128x128xf32, #tpu.memory_space<vmem>> -> memref<16x128xf32, #tpu.memory_space<vmem>>
        %dma_wait3A_56 = arith.constant 0 : i32
        %dma_wait3A_57 = tpu.memref_slice %arg11[%add3A_43, %dma_wait3A_56] : memref<10240x128xf32, #tpu.memory_space<vmem_shared>> -> memref<16x128xf32, #tpu.memory_space<vmem_shared>>
        %dma_wait3A_58 = arith.constant 0 : i32
        %dma_wait3A_59 = tpu.memref_slice %arg11[%add3A_43, %dma_wait3A_58] : memref<10240x128xf32, #tpu.memory_space<vmem_shared>> -> memref<16x128xf32, #tpu.memory_space<vmem_shared>>
        %dma_wait3A_60 = arith.constant 0 : i32
        %dma_wait3A_61 = arith.constant 0 : i32
        %dma_wait3A_62 = tpu.memref_slice %arg10[%dma_wait3A_60, %dma_wait3A_61] : memref<128x128xf32, #tpu.memory_space<vmem>> -> memref<16x128xf32, #tpu.memory_space<vmem>>
        tpu.wait_dma2 semaphore(%run_scoped3A : memref<!tpu.dma_semaphore, #tpu.memory_space<semaphore_mem>>) src(%dma_wait3A_62 : memref<16x128xf32, #tpu.memory_space<vmem>>) dst(%dma_wait3A_59 : memref<16x128xf32, #tpu.memory_space<vmem_shared>>)
        tpu.yield
      }) : () -> ()
    }
    %scan3A_25 = arith.constant 40 : i32
    %barrier3A = arith.constant 0 : index
    tpu.barrier barrier_id(%barrier3A)
    %scan3A_26 = arith.constant 0 : i32
    %scan3A_27 = arith.constant 2 : i32
    %scan3A_28 = arith.addi %scan3A_26, %scan3A_27 : i32
    %scan3A_29 = arith.constant 1 : i32
    scf.for %scan3A_36 = %scan3A_26 to %scan3A_28 step %scan3A_29  : i32 {
      %mul3A_37 = arith.constant 40 : i32
      %mul3A_38 = arith.muli %scan3A_36, %mul3A_37 : i32
      %add3A_39 = arith.constant 0 : i32
      %add3A_40 = arith.addi %add3A_39, %mul3A_38 : i32
      %gt3A = arith.constant 0 : i32
      %gt3A_41 = arith.cmpi sgt, %add3A_40, %gt3A : i32
      %convert_element_type3A = arith.extui %gt3A_41 : i1 to i32
      %cond3A = arith.constant 0 : i32
      %cond3A_42 = arith.cmpi ne, %convert_element_type3A, %cond3A : i32
      scf.if %cond3A_42 {
        %add3A_48 = arith.addi %mul3A_2, %add3A_40 : i32
        "tpu.region"() ({
          %run_scoped3A = tpu.sem_alloc : memref<!tpu.dma_semaphore, #tpu.memory_space<semaphore_mem>>
          %dma_start3A_70 = arith.constant 0 : i32
          %dma_start3A_71 = tpu.memref_slice %arg3[%add3A_48, %dma_start3A_70] : memref<2560x128xi32, #tpu.memory_space<hbm>> -> memref<40x128xi32, #tpu.memory_space<hbm>>
          %dma_start3A_72 = arith.constant 0 : i32
          %dma_start3A_73 = tpu.memref_slice %arg3[%add3A_48, %dma_start3A_72] : memref<2560x128xi32, #tpu.memory_space<hbm>> -> memref<40x128xi32, #tpu.memory_space<hbm>>
          tpu.enqueue_dma source(%dma_start3A_73 : memref<40x128xi32, #tpu.memory_space<hbm>>) target(%arg7 : memref<40x128xi32, #tpu.memory_space<vmem>>) target_semaphore(%run_scoped3A : memref<!tpu.dma_semaphore, #tpu.memory_space<semaphore_mem>>)
          %dma_wait3A = arith.constant 0 : i32
          %dma_wait3A_74 = tpu.memref_slice %arg3[%add3A_48, %dma_wait3A] : memref<2560x128xi32, #tpu.memory_space<hbm>> -> memref<40x128xi32, #tpu.memory_space<hbm>>
          %dma_wait3A_75 = arith.constant 0 : i32
          %dma_wait3A_76 = tpu.memref_slice %arg3[%add3A_48, %dma_wait3A_75] : memref<2560x128xi32, #tpu.memory_space<hbm>> -> memref<40x128xi32, #tpu.memory_space<hbm>>
          tpu.wait_dma2 semaphore(%run_scoped3A : memref<!tpu.dma_semaphore, #tpu.memory_space<semaphore_mem>>) src(%dma_wait3A_76 : memref<40x128xi32, #tpu.memory_space<hbm>>) dst(%arg7 : memref<40x128xi32, #tpu.memory_space<vmem>>)
          tpu.yield
        }) : () -> ()
        %add3A_49 = arith.addi %mul3A_2, %add3A_40 : i32
        "tpu.region"() ({
          %run_scoped3A = tpu.sem_alloc : memref<!tpu.dma_semaphore, #tpu.memory_space<semaphore_mem>>
          %dma_start3A_70 = arith.constant 0 : i32
          %dma_start3A_71 = tpu.memref_slice %arg4[%add3A_49, %dma_start3A_70] : memref<2560x128xi32, #tpu.memory_space<hbm>> -> memref<40x128xi32, #tpu.memory_space<hbm>>
          %dma_start3A_72 = arith.constant 0 : i32
          %dma_start3A_73 = tpu.memref_slice %arg4[%add3A_49, %dma_start3A_72] : memref<2560x128xi32, #tpu.memory_space<hbm>> -> memref<40x128xi32, #tpu.memory_space<hbm>>
          tpu.enqueue_dma source(%dma_start3A_73 : memref<40x128xi32, #tpu.memory_space<hbm>>) target(%arg8 : memref<40x128xi32, #tpu.memory_space<vmem>>) target_semaphore(%run_scoped3A : memref<!tpu.dma_semaphore, #tpu.memory_space<semaphore_mem>>)
          %dma_wait3A = arith.constant 0 : i32
          %dma_wait3A_74 = tpu.memref_slice %arg4[%add3A_49, %dma_wait3A] : memref<2560x128xi32, #tpu.memory_space<hbm>> -> memref<40x128xi32, #tpu.memory_space<hbm>>
          %dma_wait3A_75 = arith.constant 0 : i32
          %dma_wait3A_76 = tpu.memref_slice %arg4[%add3A_49, %dma_wait3A_75] : memref<2560x128xi32, #tpu.memory_space<hbm>> -> memref<40x128xi32, #tpu.memory_space<hbm>>
          tpu.wait_dma2 semaphore(%run_scoped3A : memref<!tpu.dma_semaphore, #tpu.memory_space<semaphore_mem>>) src(%dma_wait3A_76 : memref<40x128xi32, #tpu.memory_space<hbm>>) dst(%arg8 : memref<40x128xi32, #tpu.memory_space<vmem>>)
          tpu.yield
        }) : () -> ()
        %dma_start3A_50 = arith.constant 0 : i32
        %dma_start3A_51 = arith.constant 0 : i32
        %dma_start3A_52 = arith.constant 0 : i32
        %dma_start3A_53 = tpu.memref_slice %arg9[%dma_start3A_51, %dma_start3A_52] : memref<128x128xf32, #tpu.memory_space<vmem>> -> memref<64x128xf32, #tpu.memory_space<vmem>>
        %dma_start3A_54 = arith.constant 0 : i32
        %dma_start3A_55 = tpu.memref_slice %arg7[%dma_start3A_50, %dma_start3A_54] : memref<40x128xi32, #tpu.memory_space<vmem>> -> memref<1x64xi32, #tpu.memory_space<vmem>>
        %dma_start3A_56 = tpu.memref_squeeze %dma_start3A_55 : memref<1x64xi32, #tpu.memory_space<vmem>> -> memref<64xi32, #tpu.memory_space<vmem>>
        %dma_start3A_57 = arith.constant 0 : i32
        %dma_start3A_58 = arith.constant 0 : i32
        %dma_start3A_59 = tpu.memref_slice %arg2[%dma_start3A_57, %dma_start3A_58] : memref<10000x128xf32, #tpu.memory_space<hbm>> -> memref<10000x128xf32, #tpu.memory_space<hbm>>
        tpu.enqueue_indirect_dma source(%dma_start3A_59 : memref<10000x128xf32, #tpu.memory_space<hbm>>) target(%dma_start3A_53 : memref<64x128xf32, #tpu.memory_space<vmem>>) offsets(%dma_start3A_56 : memref<64xi32, #tpu.memory_space<vmem>>) semaphore(%arg12 : memref<!tpu.dma_semaphore, #tpu.memory_space<semaphore_mem>>)
        %dma_start3A_60 = arith.constant 0 : i32
        %dma_start3A_61 = arith.constant 64 : i32
        %dma_start3A_62 = arith.constant 0 : i32
        %dma_start3A_63 = tpu.memref_slice %arg9[%dma_start3A_61, %dma_start3A_62] : memref<128x128xf32, #tpu.memory_space<vmem>> -> memref<64x128xf32, #tpu.memory_space<vmem>>
        %dma_start3A_64 = arith.constant 64 : i32
        %dma_start3A_65 = tpu.memref_slice %arg7[%dma_start3A_60, %dma_start3A_64] : memref<40x128xi32, #tpu.memory_space<vmem>> -> memref<1x64xi32, #tpu.memory_space<vmem>>
        %dma_start3A_66 = tpu.memref_squeeze %dma_start3A_65 : memref<1x64xi32, #tpu.memory_space<vmem>> -> memref<64xi32, #tpu.memory_space<vmem>>
        %dma_start3A_67 = arith.constant 0 : i32
        %dma_start3A_68 = arith.constant 0 : i32
        %dma_start3A_69 = tpu.memref_slice %arg2[%dma_start3A_67, %dma_start3A_68] : memref<10000x128xf32, #tpu.memory_space<hbm>> -> memref<10000x128xf32, #tpu.memory_space<hbm>>
        tpu.enqueue_indirect_dma source(%dma_start3A_69 : memref<10000x128xf32, #tpu.memory_space<hbm>>) target(%dma_start3A_63 : memref<64x128xf32, #tpu.memory_space<vmem>>) offsets(%dma_start3A_66 : memref<64xi32, #tpu.memory_space<vmem>>) semaphore(%arg14 : memref<!tpu.dma_semaphore, #tpu.memory_space<semaphore_mem>>)
      } else {
      }
      %scan3A_43 = arith.constant 0 : i32
      %scan3A_44 = arith.constant 20 : i32
      %scan3A_45 = arith.addi %scan3A_43, %scan3A_44 : i32
      %scan3A_46 = arith.constant 1 : i32
      scf.for %scan3A_48 = %scan3A_43 to %scan3A_45 step %scan3A_46  : i32 {
        %mul3A_49 = arith.constant 2 : i32
        %mul3A_50 = arith.muli %scan3A_48, %mul3A_49 : i32
        %add3A_51 = arith.constant 0 : i32
        %add3A_52 = arith.addi %add3A_51, %mul3A_50 : i32
        %dma_wait3A = arith.constant 0 : i32
        %dma_wait3A_53 = arith.constant 0 : i32
        %dma_wait3A_54 = tpu.memref_slice %arg9[%dma_wait3A, %dma_wait3A_53] : memref<128x128xf32, #tpu.memory_space<vmem>> -> memref<64x128xf32, #tpu.memory_space<vmem>>
        %dma_wait3A_55 = arith.constant 0 : i32
        %dma_wait3A_56 = tpu.memref_slice %arg7[%add3A_52, %dma_wait3A_55] : memref<40x128xi32, #tpu.memory_space<vmem>> -> memref<1x64xi32, #tpu.memory_space<vmem>>
        %dma_wait3A_57 = tpu.memref_squeeze %dma_wait3A_56 : memref<1x64xi32, #tpu.memory_space<vmem>> -> memref<64xi32, #tpu.memory_space<vmem>>
        %dma_wait3A_58 = arith.constant 0 : i32
        %dma_wait3A_59 = arith.constant 0 : i32
        %dma_wait3A_60 = tpu.memref_slice %arg2[%dma_wait3A_58, %dma_wait3A_59] : memref<10000x128xf32, #tpu.memory_space<hbm>> -> memref<10000x128xf32, #tpu.memory_space<hbm>>
        tpu.wait_indirect_dma semaphore(%arg12 : memref<!tpu.dma_semaphore, #tpu.memory_space<semaphore_mem>>) src(%dma_wait3A_60 : memref<10000x128xf32, #tpu.memory_space<hbm>>) dst(%dma_wait3A_54 : memref<64x128xf32, #tpu.memory_space<vmem>>)
        %dma_wait3A_61 = arith.constant 64 : i32
        %dma_wait3A_62 = arith.constant 0 : i32
        %dma_wait3A_63 = tpu.memref_slice %arg9[%dma_wait3A_61, %dma_wait3A_62] : memref<128x128xf32, #tpu.memory_space<vmem>> -> memref<64x128xf32, #tpu.memory_space<vmem>>
        %dma_wait3A_64 = arith.constant 64 : i32
        %dma_wait3A_65 = tpu.memref_slice %arg7[%add3A_52, %dma_wait3A_64] : memref<40x128xi32, #tpu.memory_space<vmem>> -> memref<1x64xi32, #tpu.memory_space<vmem>>
        %dma_wait3A_66 = tpu.memref_squeeze %dma_wait3A_65 : memref<1x64xi32, #tpu.memory_space<vmem>> -> memref<64xi32, #tpu.memory_space<vmem>>
        %dma_wait3A_67 = arith.constant 0 : i32
        %dma_wait3A_68 = arith.constant 0 : i32
        %dma_wait3A_69 = tpu.memref_slice %arg2[%dma_wait3A_67, %dma_wait3A_68] : memref<10000x128xf32, #tpu.memory_space<hbm>> -> memref<10000x128xf32, #tpu.memory_space<hbm>>
        tpu.wait_indirect_dma semaphore(%arg14 : memref<!tpu.dma_semaphore, #tpu.memory_space<semaphore_mem>>) src(%dma_wait3A_69 : memref<10000x128xf32, #tpu.memory_space<hbm>>) dst(%dma_wait3A_63 : memref<64x128xf32, #tpu.memory_space<vmem>>)
        %add3A_70 = arith.constant 1 : i32
        %add3A_71 = arith.addi %add3A_52, %add3A_70 : i32
        %dma_start3A_72 = arith.constant 0 : i32
        %dma_start3A_73 = arith.constant 0 : i32
        %dma_start3A_74 = tpu.memref_slice %arg10[%dma_start3A_72, %dma_start3A_73] : memref<128x128xf32, #tpu.memory_space<vmem>> -> memref<64x128xf32, #tpu.memory_space<vmem>>
        %dma_start3A_75 = arith.constant 0 : i32
        %dma_start3A_76 = tpu.memref_slice %arg7[%add3A_71, %dma_start3A_75] : memref<40x128xi32, #tpu.memory_space<vmem>> -> memref<1x64xi32, #tpu.memory_space<vmem>>
        %dma_start3A_77 = tpu.memref_squeeze %dma_start3A_76 : memref<1x64xi32, #tpu.memory_space<vmem>> -> memref<64xi32, #tpu.memory_space<vmem>>
        %dma_start3A_78 = arith.constant 0 : i32
        %dma_start3A_79 = arith.constant 0 : i32
        %dma_start3A_80 = tpu.memref_slice %arg2[%dma_start3A_78, %dma_start3A_79] : memref<10000x128xf32, #tpu.memory_space<hbm>> -> memref<10000x128xf32, #tpu.memory_space<hbm>>
        tpu.enqueue_indirect_dma source(%dma_start3A_80 : memref<10000x128xf32, #tpu.memory_space<hbm>>) target(%dma_start3A_74 : memref<64x128xf32, #tpu.memory_space<vmem>>) offsets(%dma_start3A_77 : memref<64xi32, #tpu.memory_space<vmem>>) semaphore(%arg13 : memref<!tpu.dma_semaphore, #tpu.memory_space<semaphore_mem>>)
        %dma_start3A_81 = arith.constant 64 : i32
        %dma_start3A_82 = arith.constant 0 : i32
        %dma_start3A_83 = tpu.memref_slice %arg10[%dma_start3A_81, %dma_start3A_82] : memref<128x128xf32, #tpu.memory_space<vmem>> -> memref<64x128xf32, #tpu.memory_space<vmem>>
        %dma_start3A_84 = arith.constant 64 : i32
        %dma_start3A_85 = tpu.memref_slice %arg7[%add3A_71, %dma_start3A_84] : memref<40x128xi32, #tpu.memory_space<vmem>> -> memref<1x64xi32, #tpu.memory_space<vmem>>
        %dma_start3A_86 = tpu.memref_squeeze %dma_start3A_85 : memref<1x64xi32, #tpu.memory_space<vmem>> -> memref<64xi32, #tpu.memory_space<vmem>>
        %dma_start3A_87 = arith.constant 0 : i32
        %dma_start3A_88 = arith.constant 0 : i32
        %dma_start3A_89 = tpu.memref_slice %arg2[%dma_start3A_87, %dma_start3A_88] : memref<10000x128xf32, #tpu.memory_space<hbm>> -> memref<10000x128xf32, #tpu.memory_space<hbm>>
        tpu.enqueue_indirect_dma source(%dma_start3A_89 : memref<10000x128xf32, #tpu.memory_space<hbm>>) target(%dma_start3A_83 : memref<64x128xf32, #tpu.memory_space<vmem>>) offsets(%dma_start3A_86 : memref<64xi32, #tpu.memory_space<vmem>>) semaphore(%arg15 : memref<!tpu.dma_semaphore, #tpu.memory_space<semaphore_mem>>)
        "tpu.region"() ({
          %run_scoped3A = tpu.sem_alloc : memref<!tpu.dma_semaphore, #tpu.memory_space<semaphore_mem>>
          %dma_start3A_118 = arith.constant 0 : i32
          %dma_start3A_119 = tpu.memref_slice %arg8[%add3A_52, %dma_start3A_118] : memref<40x128xi32, #tpu.memory_space<vmem>> -> memref<1x128xi32, #tpu.memory_space<vmem>>
          %dma_start3A_120 = tpu.memref_squeeze %dma_start3A_119 : memref<1x128xi32, #tpu.memory_space<vmem>> -> memref<128xi32, #tpu.memory_space<vmem>>
          %dma_start3A_121 = arith.constant 0 : i32
          %dma_start3A_122 = arith.constant 0 : i32
          %dma_start3A_123 = tpu.memref_slice %arg11[%dma_start3A_121, %dma_start3A_122] : memref<10240x128xf32, #tpu.memory_space<vmem_shared>> -> memref<10240x128xf32, #tpu.memory_space<vmem_shared>>
          tpu.enqueue_indirect_dma source(%arg9 : memref<128x128xf32, #tpu.memory_space<vmem>>) target(%dma_start3A_123 : memref<10240x128xf32, #tpu.memory_space<vmem_shared>>) offsets(%dma_start3A_120 : memref<128xi32, #tpu.memory_space<vmem>>) semaphore(%run_scoped3A : memref<!tpu.dma_semaphore, #tpu.memory_space<semaphore_mem>>) {add = true}
          %dma_wait3A_124 = arith.constant 0 : i32
          %dma_wait3A_125 = tpu.memref_slice %arg8[%add3A_52, %dma_wait3A_124] : memref<40x128xi32, #tpu.memory_space<vmem>> -> memref<1x128xi32, #tpu.memory_space<vmem>>
          %dma_wait3A_126 = tpu.memref_squeeze %dma_wait3A_125 : memref<1x128xi32, #tpu.memory_space<vmem>> -> memref<128xi32, #tpu.memory_space<vmem>>
          %dma_wait3A_127 = arith.constant 0 : i32
          %dma_wait3A_128 = arith.constant 0 : i32
          %dma_wait3A_129 = tpu.memref_slice %arg11[%dma_wait3A_127, %dma_wait3A_128] : memref<10240x128xf32, #tpu.memory_space<vmem_shared>> -> memref<10240x128xf32, #tpu.memory_space<vmem_shared>>
          tpu.wait_indirect_dma semaphore(%run_scoped3A : memref<!tpu.dma_semaphore, #tpu.memory_space<semaphore_mem>>) src(%arg9 : memref<128x128xf32, #tpu.memory_space<vmem>>) dst(%dma_wait3A_129 : memref<10240x128xf32, #tpu.memory_space<vmem_shared>>)
          tpu.yield
        }) : () -> ()
        %add3A_90 = arith.constant 1 : i32
        %add3A_91 = arith.addi %add3A_52, %add3A_90 : i32
        %dma_wait3A_92 = arith.constant 0 : i32
        %dma_wait3A_93 = arith.constant 0 : i32
        %dma_wait3A_94 = tpu.memref_slice %arg10[%dma_wait3A_92, %dma_wait3A_93] : memref<128x128xf32, #tpu.memory_space<vmem>> -> memref<64x128xf32, #tpu.memory_space<vmem>>
        %dma_wait3A_95 = arith.constant 0 : i32
        %dma_wait3A_96 = tpu.memref_slice %arg7[%add3A_91, %dma_wait3A_95] : memref<40x128xi32, #tpu.memory_space<vmem>> -> memref<1x64xi32, #tpu.memory_space<vmem>>
        %dma_wait3A_97 = tpu.memref_squeeze %dma_wait3A_96 : memref<1x64xi32, #tpu.memory_space<vmem>> -> memref<64xi32, #tpu.memory_space<vmem>>
        %dma_wait3A_98 = arith.constant 0 : i32
        %dma_wait3A_99 = arith.constant 0 : i32
        %dma_wait3A_100 = tpu.memref_slice %arg2[%dma_wait3A_98, %dma_wait3A_99] : memref<10000x128xf32, #tpu.memory_space<hbm>> -> memref<10000x128xf32, #tpu.memory_space<hbm>>
        tpu.wait_indirect_dma semaphore(%arg13 : memref<!tpu.dma_semaphore, #tpu.memory_space<semaphore_mem>>) src(%dma_wait3A_100 : memref<10000x128xf32, #tpu.memory_space<hbm>>) dst(%dma_wait3A_94 : memref<64x128xf32, #tpu.memory_space<vmem>>)
        %dma_wait3A_101 = arith.constant 64 : i32
        %dma_wait3A_102 = arith.constant 0 : i32
        %dma_wait3A_103 = tpu.memref_slice %arg10[%dma_wait3A_101, %dma_wait3A_102] : memref<128x128xf32, #tpu.memory_space<vmem>> -> memref<64x128xf32, #tpu.memory_space<vmem>>
        %dma_wait3A_104 = arith.constant 64 : i32
        %dma_wait3A_105 = tpu.memref_slice %arg7[%add3A_91, %dma_wait3A_104] : memref<40x128xi32, #tpu.memory_space<vmem>> -> memref<1x64xi32, #tpu.memory_space<vmem>>
        %dma_wait3A_106 = tpu.memref_squeeze %dma_wait3A_105 : memref<1x64xi32, #tpu.memory_space<vmem>> -> memref<64xi32, #tpu.memory_space<vmem>>
        %dma_wait3A_107 = arith.constant 0 : i32
        %dma_wait3A_108 = arith.constant 0 : i32
        %dma_wait3A_109 = tpu.memref_slice %arg2[%dma_wait3A_107, %dma_wait3A_108] : memref<10000x128xf32, #tpu.memory_space<hbm>> -> memref<10000x128xf32, #tpu.memory_space<hbm>>
        tpu.wait_indirect_dma semaphore(%arg15 : memref<!tpu.dma_semaphore, #tpu.memory_space<semaphore_mem>>) src(%dma_wait3A_109 : memref<10000x128xf32, #tpu.memory_space<hbm>>) dst(%dma_wait3A_103 : memref<64x128xf32, #tpu.memory_space<vmem>>)
        %add3A_110 = arith.constant 2 : i32
        %add3A_111 = arith.addi %add3A_52, %add3A_110 : i32
        %lt3A = arith.constant 40 : i32
        %lt3A_112 = arith.cmpi slt, %add3A_111, %lt3A : i32
        %convert_element_type3A_113 = arith.extui %lt3A_112 : i1 to i32
        %cond3A_114 = arith.constant 0 : i32
        %cond3A_115 = arith.cmpi ne, %convert_element_type3A_113, %cond3A_114 : i32
        scf.if %cond3A_115 {
          %add3A_118 = arith.constant 2 : i32
          %add3A_119 = arith.addi %add3A_52, %add3A_118 : i32
          %dma_start3A_120 = arith.constant 0 : i32
          %dma_start3A_121 = arith.constant 0 : i32
          %dma_start3A_122 = tpu.memref_slice %arg9[%dma_start3A_120, %dma_start3A_121] : memref<128x128xf32, #tpu.memory_space<vmem>> -> memref<64x128xf32, #tpu.memory_space<vmem>>
          %dma_start3A_123 = arith.constant 0 : i32
          %dma_start3A_124 = tpu.memref_slice %arg7[%add3A_119, %dma_start3A_123] : memref<40x128xi32, #tpu.memory_space<vmem>> -> memref<1x64xi32, #tpu.memory_space<vmem>>
          %dma_start3A_125 = tpu.memref_squeeze %dma_start3A_124 : memref<1x64xi32, #tpu.memory_space<vmem>> -> memref<64xi32, #tpu.memory_space<vmem>>
          %dma_start3A_126 = arith.constant 0 : i32
          %dma_start3A_127 = arith.constant 0 : i32
          %dma_start3A_128 = tpu.memref_slice %arg2[%dma_start3A_126, %dma_start3A_127] : memref<10000x128xf32, #tpu.memory_space<hbm>> -> memref<10000x128xf32, #tpu.memory_space<hbm>>
          tpu.enqueue_indirect_dma source(%dma_start3A_128 : memref<10000x128xf32, #tpu.memory_space<hbm>>) target(%dma_start3A_122 : memref<64x128xf32, #tpu.memory_space<vmem>>) offsets(%dma_start3A_125 : memref<64xi32, #tpu.memory_space<vmem>>) semaphore(%arg12 : memref<!tpu.dma_semaphore, #tpu.memory_space<semaphore_mem>>)
          %dma_start3A_129 = arith.constant 64 : i32
          %dma_start3A_130 = arith.constant 0 : i32
          %dma_start3A_131 = tpu.memref_slice %arg9[%dma_start3A_129, %dma_start3A_130] : memref<128x128xf32, #tpu.memory_space<vmem>> -> memref<64x128xf32, #tpu.memory_space<vmem>>
          %dma_start3A_132 = arith.constant 64 : i32
          %dma_start3A_133 = tpu.memref_slice %arg7[%add3A_119, %dma_start3A_132] : memref<40x128xi32, #tpu.memory_space<vmem>> -> memref<1x64xi32, #tpu.memory_space<vmem>>
          %dma_start3A_134 = tpu.memref_squeeze %dma_start3A_133 : memref<1x64xi32, #tpu.memory_space<vmem>> -> memref<64xi32, #tpu.memory_space<vmem>>
          %dma_start3A_135 = arith.constant 0 : i32
          %dma_start3A_136 = arith.constant 0 : i32
          %dma_start3A_137 = tpu.memref_slice %arg2[%dma_start3A_135, %dma_start3A_136] : memref<10000x128xf32, #tpu.memory_space<hbm>> -> memref<10000x128xf32, #tpu.memory_space<hbm>>
          tpu.enqueue_indirect_dma source(%dma_start3A_137 : memref<10000x128xf32, #tpu.memory_space<hbm>>) target(%dma_start3A_131 : memref<64x128xf32, #tpu.memory_space<vmem>>) offsets(%dma_start3A_134 : memref<64xi32, #tpu.memory_space<vmem>>) semaphore(%arg14 : memref<!tpu.dma_semaphore, #tpu.memory_space<semaphore_mem>>)
        } else {
        }
        %add3A_116 = arith.constant 1 : i32
        %add3A_117 = arith.addi %add3A_52, %add3A_116 : i32
        "tpu.region"() ({
          %run_scoped3A = tpu.sem_alloc : memref<!tpu.dma_semaphore, #tpu.memory_space<semaphore_mem>>
          %dma_start3A_118 = arith.constant 0 : i32
          %dma_start3A_119 = tpu.memref_slice %arg8[%add3A_117, %dma_start3A_118] : memref<40x128xi32, #tpu.memory_space<vmem>> -> memref<1x128xi32, #tpu.memory_space<vmem>>
          %dma_start3A_120 = tpu.memref_squeeze %dma_start3A_119 : memref<1x128xi32, #tpu.memory_space<vmem>> -> memref<128xi32, #tpu.memory_space<vmem>>
          %dma_start3A_121 = arith.constant 0 : i32
          %dma_start3A_122 = arith.constant 0 : i32
          %dma_start3A_123 = tpu.memref_slice %arg11[%dma_start3A_121, %dma_start3A_122] : memref<10240x128xf32, #tpu.memory_space<vmem_shared>> -> memref<10240x128xf32, #tpu.memory_space<vmem_shared>>
          tpu.enqueue_indirect_dma source(%arg10 : memref<128x128xf32, #tpu.memory_space<vmem>>) target(%dma_start3A_123 : memref<10240x128xf32, #tpu.memory_space<vmem_shared>>) offsets(%dma_start3A_120 : memref<128xi32, #tpu.memory_space<vmem>>) semaphore(%run_scoped3A : memref<!tpu.dma_semaphore, #tpu.memory_space<semaphore_mem>>) {add = true}
          %dma_wait3A_124 = arith.constant 0 : i32
          %dma_wait3A_125 = tpu.memref_slice %arg8[%add3A_117, %dma_wait3A_124] : memref<40x128xi32, #tpu.memory_space<vmem>> -> memref<1x128xi32, #tpu.memory_space<vmem>>
          %dma_wait3A_126 = tpu.memref_squeeze %dma_wait3A_125 : memref<1x128xi32, #tpu.memory_space<vmem>> -> memref<128xi32, #tpu.memory_space<vmem>>
          %dma_wait3A_127 = arith.constant 0 : i32
          %dma_wait3A_128 = arith.constant 0 : i32
          %dma_wait3A_129 = tpu.memref_slice %arg11[%dma_wait3A_127, %dma_wait3A_128] : memref<10240x128xf32, #tpu.memory_space<vmem_shared>> -> memref<10240x128xf32, #tpu.memory_space<vmem_shared>>
          tpu.wait_indirect_dma semaphore(%run_scoped3A : memref<!tpu.dma_semaphore, #tpu.memory_space<semaphore_mem>>) src(%arg10 : memref<128x128xf32, #tpu.memory_space<vmem>>) dst(%dma_wait3A_129 : memref<10240x128xf32, #tpu.memory_space<vmem_shared>>)
          tpu.yield
        }) : () -> ()
      }
      %scan3A_47 = arith.constant 20 : i32
    }
    %scan3A_30 = arith.constant 2 : i32
    %barrier3A_31 = arith.constant 0 : index
    tpu.barrier barrier_id(%barrier3A_31)
    %mul3A_32 = arith.constant 640 : i32
    %mul3A_33 = arith.muli %arg1, %mul3A_32 : i32
    %mul3A_34 = arith.constant 640 : i32
    %mul3A_35 = arith.muli %arg1, %mul3A_34 : i32
    "tpu.region"() ({
      %run_scoped3A = tpu.sem_alloc : memref<!tpu.dma_semaphore, #tpu.memory_space<semaphore_mem>>
      %dma_start3A_36 = arith.constant 0 : i32
      %dma_start3A_37 = tpu.memref_slice %arg6[%arg0, %mul3A_35, %dma_start3A_36] : memref<2x10240x128xf32, #tpu.memory_space<hbm>> -> memref<1x640x128xf32, #tpu.memory_space<hbm>>
      %dma_start3A_38 = tpu.memref_squeeze %dma_start3A_37 : memref<1x640x128xf32, #tpu.memory_space<hbm>> -> memref<640x128xf32, #tpu.memory_space<hbm>>
      %dma_start3A_39 = arith.constant 0 : i32
      %dma_start3A_40 = tpu.memref_slice %arg11[%mul3A_33, %dma_start3A_39] : memref<10240x128xf32, #tpu.memory_space<vmem_shared>> -> memref<640x128xf32, #tpu.memory_space<vmem_shared>>
      tpu.enqueue_dma source(%dma_start3A_40 : memref<640x128xf32, #tpu.memory_space<vmem_shared>>) target(%dma_start3A_38 : memref<640x128xf32, #tpu.memory_space<hbm>>) target_semaphore(%run_scoped3A : memref<!tpu.dma_semaphore, #tpu.memory_space<semaphore_mem>>)
      %dma_wait3A = arith.constant 0 : i32
      %dma_wait3A_41 = tpu.memref_slice %arg6[%arg0, %mul3A_35, %dma_wait3A] : memref<2x10240x128xf32, #tpu.memory_space<hbm>> -> memref<1x640x128xf32, #tpu.memory_space<hbm>>
      %dma_wait3A_42 = tpu.memref_squeeze %dma_wait3A_41 : memref<1x640x128xf32, #tpu.memory_space<hbm>> -> memref<640x128xf32, #tpu.memory_space<hbm>>
      %dma_wait3A_43 = arith.constant 0 : i32
      %dma_wait3A_44 = tpu.memref_slice %arg11[%mul3A_33, %dma_wait3A_43] : memref<10240x128xf32, #tpu.memory_space<vmem_shared>> -> memref<640x128xf32, #tpu.memory_space<vmem_shared>>
      tpu.wait_dma2 semaphore(%run_scoped3A : memref<!tpu.dma_semaphore, #tpu.memory_space<semaphore_mem>>) src(%dma_wait3A_44 : memref<640x128xf32, #tpu.memory_space<vmem_shared>>) dst(%dma_wait3A_42 : memref<640x128xf32, #tpu.memory_space<hbm>>)
      tpu.yield
    }) : () -> ()
    return
  }
}

#map = affine_map<(d0, d1) -> (0, 0)>
module attributes {stable_mosaic.version = 14 : i64} {
  func.func @_sc_hist(%arg0: i32, %arg1: i32, %arg2: memref<32x10240xi32, #tpu.memory_space<hbm>>, %arg3: memref<32x10240xf32, #tpu.memory_space<hbm>>, %arg4: memref<10240xi32, #tpu.memory_space<vmem>>, %arg5: memref<10240xf32, #tpu.memory_space<vmem>>) attributes {dimension_semantics = [#tpu.dimension_semantics<core_parallel>, #tpu.dimension_semantics<subcore_parallel>], iteration_bounds = array<i64: 2, 16>, scalar_prefetch = 0 : i64, scratch_operands = 2 : i64, tpu.core_type = #tpu.core_type<sc_vector_subcore>, window_params = [{transform_indices = #map}, {transform_indices = #map}]} {
    %mul3A = arith.constant 2 : i32
    %mul3A_0 = arith.muli %arg1, %mul3A : i32
    %add3A = arith.addi %mul3A_0, %arg0 : i32
    "tpu.region"() ({
      %run_scoped3A = tpu.sem_alloc : memref<!tpu.dma_semaphore, #tpu.memory_space<semaphore_mem>>
      %dma_start3A = arith.constant 0 : i32
      %dma_start3A_13 = tpu.memref_slice %arg2[%add3A, %dma_start3A] : memref<32x10240xi32, #tpu.memory_space<hbm>> -> memref<1x10240xi32, #tpu.memory_space<hbm>>
      %dma_start3A_14 = tpu.memref_squeeze %dma_start3A_13 : memref<1x10240xi32, #tpu.memory_space<hbm>> -> memref<10240xi32, #tpu.memory_space<hbm>>
      %dma_start3A_15 = arith.constant 0 : i32
      %dma_start3A_16 = tpu.memref_slice %arg2[%add3A, %dma_start3A_15] : memref<32x10240xi32, #tpu.memory_space<hbm>> -> memref<1x10240xi32, #tpu.memory_space<hbm>>
      %dma_start3A_17 = tpu.memref_squeeze %dma_start3A_16 : memref<1x10240xi32, #tpu.memory_space<hbm>> -> memref<10240xi32, #tpu.memory_space<hbm>>
      tpu.enqueue_dma source(%dma_start3A_17 : memref<10240xi32, #tpu.memory_space<hbm>>) target(%arg4 : memref<10240xi32, #tpu.memory_space<vmem>>) target_semaphore(%run_scoped3A : memref<!tpu.dma_semaphore, #tpu.memory_space<semaphore_mem>>)
      %dma_wait3A = arith.constant 0 : i32
      %dma_wait3A_18 = tpu.memref_slice %arg2[%add3A, %dma_wait3A] : memref<32x10240xi32, #tpu.memory_space<hbm>> -> memref<1x10240xi32, #tpu.memory_space<hbm>>
      %dma_wait3A_19 = tpu.memref_squeeze %dma_wait3A_18 : memref<1x10240xi32, #tpu.memory_space<hbm>> -> memref<10240xi32, #tpu.memory_space<hbm>>
      %dma_wait3A_20 = arith.constant 0 : i32
      %dma_wait3A_21 = tpu.memref_slice %arg2[%add3A, %dma_wait3A_20] : memref<32x10240xi32, #tpu.memory_space<hbm>> -> memref<1x10240xi32, #tpu.memory_space<hbm>>
      %dma_wait3A_22 = tpu.memref_squeeze %dma_wait3A_21 : memref<1x10240xi32, #tpu.memory_space<hbm>> -> memref<10240xi32, #tpu.memory_space<hbm>>
      tpu.wait_dma2 semaphore(%run_scoped3A : memref<!tpu.dma_semaphore, #tpu.memory_space<semaphore_mem>>) src(%dma_wait3A_22 : memref<10240xi32, #tpu.memory_space<hbm>>) dst(%arg4 : memref<10240xi32, #tpu.memory_space<vmem>>)
      tpu.yield
    }) : () -> ()
    %broadcast_in_dim3A = arith.constant 0.000000e+00 : f32
    %broadcast_in_dim3A_1 = vector.broadcast %broadcast_in_dim3A : f32 to vector<16xf32>
    %scan3A = arith.constant 0 : i32
    %scan3A_2 = arith.constant 640 : i32
    %scan3A_3 = arith.addi %scan3A, %scan3A_2 : i32
    %scan3A_4 = arith.constant 1 : i32
    scf.for %scan3A_13 = %scan3A to %scan3A_3 step %scan3A_4  : i32 {
      %mul3A_14 = arith.constant 16 : i32
      %mul3A_15 = arith.muli %scan3A_13, %mul3A_14 : i32
      %add3A_16 = arith.constant 0 : i32
      %add3A_17 = arith.addi %add3A_16, %mul3A_15 : i32
      %swap3A = arith.index_cast %add3A_17 : i32 to index
      %swap3A_18 = tpu.vector_load %arg5[%swap3A] {strides = array<i32>} : memref<10240xf32, #tpu.memory_space<vmem>>, vector<16xf32>,
      tpu.vector_store %arg5[%swap3A], %broadcast_in_dim3A_1 {strides = array<i32>} : memref<10240xf32, #tpu.memory_space<vmem>>, vector<16xf32>,
    }
    %scan3A_5 = arith.constant 640 : i32
    %broadcast_in_dim3A_6 = arith.constant 1.000000e+00 : f32
    %broadcast_in_dim3A_7 = vector.broadcast %broadcast_in_dim3A_6 : f32 to vector<16xf32>
    %scan3A_8 = arith.constant 0 : i32
    %scan3A_9 = arith.constant 640 : i32
    %scan3A_10 = arith.addi %scan3A_8, %scan3A_9 : i32
    %scan3A_11 = arith.constant 1 : i32
    scf.for %scan3A_13 = %scan3A_8 to %scan3A_10 step %scan3A_11  : i32 {
      %mul3A_14 = arith.constant 16 : i32
      %mul3A_15 = arith.muli %scan3A_13, %mul3A_14 : i32
      %add3A_16 = arith.constant 0 : i32
      %add3A_17 = arith.addi %add3A_16, %mul3A_15 : i32
      %get3A = arith.index_cast %add3A_17 : i32 to index
      %get3A_18 = tpu.vector_load %arg4[%get3A] {strides = array<i32>} : memref<10240xi32, #tpu.memory_space<vmem>>, vector<16xi32>,
      tpu.vector_store_idx %arg5[%get3A_18], %broadcast_in_dim3A_7 {add = true} : memref<10240xf32, #tpu.memory_space<vmem>>[vector<16xi32>], vector<16xf32>,
    }
    %scan3A_12 = arith.constant 640 : i32
    "tpu.region"() ({
      %run_scoped3A = tpu.sem_alloc : memref<!tpu.dma_semaphore, #tpu.memory_space<semaphore_mem>>
      %dma_start3A = arith.constant 0 : i32
      %dma_start3A_13 = tpu.memref_slice %arg3[%add3A, %dma_start3A] : memref<32x10240xf32, #tpu.memory_space<hbm>> -> memref<1x10240xf32, #tpu.memory_space<hbm>>
      %dma_start3A_14 = tpu.memref_squeeze %dma_start3A_13 : memref<1x10240xf32, #tpu.memory_space<hbm>> -> memref<10240xf32, #tpu.memory_space<hbm>>
      %dma_start3A_15 = arith.constant 0 : i32
      %dma_start3A_16 = tpu.memref_slice %arg3[%add3A, %dma_start3A_15] : memref<32x10240xf32, #tpu.memory_space<hbm>> -> memref<1x10240xf32, #tpu.memory_space<hbm>>
      %dma_start3A_17 = tpu.memref_squeeze %dma_start3A_16 : memref<1x10240xf32, #tpu.memory_space<hbm>> -> memref<10240xf32, #tpu.memory_space<hbm>>
      tpu.enqueue_dma source(%arg5 : memref<10240xf32, #tpu.memory_space<vmem>>) target(%dma_start3A_17 : memref<10240xf32, #tpu.memory_space<hbm>>) target_semaphore(%run_scoped3A : memref<!tpu.dma_semaphore, #tpu.memory_space<semaphore_mem>>)
      %dma_wait3A = arith.constant 0 : i32
      %dma_wait3A_18 = tpu.memref_slice %arg3[%add3A, %dma_wait3A] : memref<32x10240xf32, #tpu.memory_space<hbm>> -> memref<1x10240xf32, #tpu.memory_space<hbm>>
      %dma_wait3A_19 = tpu.memref_squeeze %dma_wait3A_18 : memref<1x10240xf32, #tpu.memory_space<hbm>> -> memref<10240xf32, #tpu.memory_space<hbm>>
      %dma_wait3A_20 = arith.constant 0 : i32
      %dma_wait3A_21 = tpu.memref_slice %arg3[%add3A, %dma_wait3A_20] : memref<32x10240xf32, #tpu.memory_space<hbm>> -> memref<1x10240xf32, #tpu.memory_space<hbm>>
      %dma_wait3A_22 = tpu.memref_squeeze %dma_wait3A_21 : memref<1x10240xf32, #tpu.memory_space<hbm>> -> memref<10240xf32, #tpu.memory_space<hbm>>
      tpu.wait_dma2 semaphore(%run_scoped3A : memref<!tpu.dma_semaphore, #tpu.memory_space<semaphore_mem>>) src(%arg5 : memref<10240xf32, #tpu.memory_space<vmem>>) dst(%dma_wait3A_22 : memref<10240xf32, #tpu.memory_space<hbm>>)
      tpu.yield
    }) : () -> ()
    return
  }
}

#map = affine_map<(d0, d1) -> (0, 0)>
#map1 = affine_map<(d0, d1) -> (0, 0, 0)>
module attributes {stable_mosaic.version = 14 : i64} {
  func.func @_sc_agg(%arg0: i32, %arg1: i32, %arg2: memref<10000x128xf32, #tpu.memory_space<hbm>>, %arg3: memref<2560x128xi32, #tpu.memory_space<hbm>>, %arg4: memref<2560x128xi32, #tpu.memory_space<hbm>>, %arg5: memref<128x128xf32, #tpu.memory_space<hbm>>, %arg6: memref<2x10240x128xf32, #tpu.memory_space<hbm>>, %arg7: memref<40x128xi32, #tpu.memory_space<vmem>>, %arg8: memref<40x128xi32, #tpu.memory_space<vmem>>, %arg9: memref<128x128xf32, #tpu.memory_space<vmem>>, %arg10: memref<128x128xf32, #tpu.memory_space<vmem>>, %arg11: memref<10240x128xf32, #tpu.memory_space<vmem_shared>>, %arg12: memref<!tpu.dma_semaphore, #tpu.memory_space<semaphore_mem>>, %arg13: memref<!tpu.dma_semaphore, #tpu.memory_space<semaphore_mem>>, %arg14: memref<!tpu.dma_semaphore, #tpu.memory_space<semaphore_mem>>, %arg15: memref<!tpu.dma_semaphore, #tpu.memory_space<semaphore_mem>>) attributes {dimension_semantics = [#tpu.dimension_semantics<core_parallel>, #tpu.dimension_semantics<subcore_parallel>], iteration_bounds = array<i64: 2, 16>, scalar_prefetch = 0 : i64, scratch_operands = 9 : i64, tpu.core_type = #tpu.core_type<sc_vector_subcore>, window_params = [{transform_indices = #map}, {transform_indices = #map}, {transform_indices = #map}, {transform_indices = #map}, {transform_indices = #map1}]} {
    %mul3A = arith.constant 2 : i32
    %mul3A_0 = arith.muli %arg1, %mul3A : i32
    %add3A = arith.addi %mul3A_0, %arg0 : i32
    %mul3A_1 = arith.constant 80 : i32
    %mul3A_2 = arith.muli %add3A, %mul3A_1 : i32
    "tpu.region"() ({
      %run_scoped3A = tpu.sem_alloc : memref<!tpu.dma_semaphore, #tpu.memory_space<semaphore_mem>>
      %dma_start3A_36 = arith.constant 0 : i32
      %dma_start3A_37 = tpu.memref_slice %arg3[%mul3A_2, %dma_start3A_36] : memref<2560x128xi32, #tpu.memory_space<hbm>> -> memref<40x128xi32, #tpu.memory_space<hbm>>
      %dma_start3A_38 = arith.constant 0 : i32
      %dma_start3A_39 = tpu.memref_slice %arg3[%mul3A_2, %dma_start3A_38] : memref<2560x128xi32, #tpu.memory_space<hbm>> -> memref<40x128xi32, #tpu.memory_space<hbm>>
      tpu.enqueue_dma source(%dma_start3A_39 : memref<40x128xi32, #tpu.memory_space<hbm>>) target(%arg7 : memref<40x128xi32, #tpu.memory_space<vmem>>) target_semaphore(%run_scoped3A : memref<!tpu.dma_semaphore, #tpu.memory_space<semaphore_mem>>)
      %dma_wait3A = arith.constant 0 : i32
      %dma_wait3A_40 = tpu.memref_slice %arg3[%mul3A_2, %dma_wait3A] : memref<2560x128xi32, #tpu.memory_space<hbm>> -> memref<40x128xi32, #tpu.memory_space<hbm>>
      %dma_wait3A_41 = arith.constant 0 : i32
      %dma_wait3A_42 = tpu.memref_slice %arg3[%mul3A_2, %dma_wait3A_41] : memref<2560x128xi32, #tpu.memory_space<hbm>> -> memref<40x128xi32, #tpu.memory_space<hbm>>
      tpu.wait_dma2 semaphore(%run_scoped3A : memref<!tpu.dma_semaphore, #tpu.memory_space<semaphore_mem>>) src(%dma_wait3A_42 : memref<40x128xi32, #tpu.memory_space<hbm>>) dst(%arg7 : memref<40x128xi32, #tpu.memory_space<vmem>>)
      tpu.yield
    }) : () -> ()
    "tpu.region"() ({
      %run_scoped3A = tpu.sem_alloc : memref<!tpu.dma_semaphore, #tpu.memory_space<semaphore_mem>>
      %dma_start3A_36 = arith.constant 0 : i32
      %dma_start3A_37 = tpu.memref_slice %arg4[%mul3A_2, %dma_start3A_36] : memref<2560x128xi32, #tpu.memory_space<hbm>> -> memref<40x128xi32, #tpu.memory_space<hbm>>
      %dma_start3A_38 = arith.constant 0 : i32
      %dma_start3A_39 = tpu.memref_slice %arg4[%mul3A_2, %dma_start3A_38] : memref<2560x128xi32, #tpu.memory_space<hbm>> -> memref<40x128xi32, #tpu.memory_space<hbm>>
      tpu.enqueue_dma source(%dma_start3A_39 : memref<40x128xi32, #tpu.memory_space<hbm>>) target(%arg8 : memref<40x128xi32, #tpu.memory_space<vmem>>) target_semaphore(%run_scoped3A : memref<!tpu.dma_semaphore, #tpu.memory_space<semaphore_mem>>)
      %dma_wait3A = arith.constant 0 : i32
      %dma_wait3A_40 = tpu.memref_slice %arg4[%mul3A_2, %dma_wait3A] : memref<2560x128xi32, #tpu.memory_space<hbm>> -> memref<40x128xi32, #tpu.memory_space<hbm>>
      %dma_wait3A_41 = arith.constant 0 : i32
      %dma_wait3A_42 = tpu.memref_slice %arg4[%mul3A_2, %dma_wait3A_41] : memref<2560x128xi32, #tpu.memory_space<hbm>> -> memref<40x128xi32, #tpu.memory_space<hbm>>
      tpu.wait_dma2 semaphore(%run_scoped3A : memref<!tpu.dma_semaphore, #tpu.memory_space<semaphore_mem>>) src(%dma_wait3A_42 : memref<40x128xi32, #tpu.memory_space<hbm>>) dst(%arg8 : memref<40x128xi32, #tpu.memory_space<vmem>>)
      tpu.yield
    }) : () -> ()
    %dma_start3A = arith.constant 0 : i32
    %dma_start3A_3 = arith.constant 0 : i32
    %dma_start3A_4 = arith.constant 0 : i32
    %dma_start3A_5 = tpu.memref_slice %arg9[%dma_start3A_3, %dma_start3A_4] : memref<128x128xf32, #tpu.memory_space<vmem>> -> memref<64x128xf32, #tpu.memory_space<vmem>>
    %dma_start3A_6 = arith.constant 0 : i32
    %dma_start3A_7 = tpu.memref_slice %arg7[%dma_start3A, %dma_start3A_6] : memref<40x128xi32, #tpu.memory_space<vmem>> -> memref<1x64xi32, #tpu.memory_space<vmem>>
    %dma_start3A_8 = tpu.memref_squeeze %dma_start3A_7 : memref<1x64xi32, #tpu.memory_space<vmem>> -> memref<64xi32, #tpu.memory_space<vmem>>
    %dma_start3A_9 = arith.constant 0 : i32
    %dma_start3A_10 = arith.constant 0 : i32
    %dma_start3A_11 = tpu.memref_slice %arg2[%dma_start3A_9, %dma_start3A_10] : memref<10000x128xf32, #tpu.memory_space<hbm>> -> memref<10000x128xf32, #tpu.memory_space<hbm>>
    tpu.enqueue_indirect_dma source(%dma_start3A_11 : memref<10000x128xf32, #tpu.memory_space<hbm>>) target(%dma_start3A_5 : memref<64x128xf32, #tpu.memory_space<vmem>>) offsets(%dma_start3A_8 : memref<64xi32, #tpu.memory_space<vmem>>) semaphore(%arg12 : memref<!tpu.dma_semaphore, #tpu.memory_space<semaphore_mem>>)
    %dma_start3A_12 = arith.constant 0 : i32
    %dma_start3A_13 = arith.constant 64 : i32
    %dma_start3A_14 = arith.constant 0 : i32
    %dma_start3A_15 = tpu.memref_slice %arg9[%dma_start3A_13, %dma_start3A_14] : memref<128x128xf32, #tpu.memory_space<vmem>> -> memref<64x128xf32, #tpu.memory_space<vmem>>
    %dma_start3A_16 = arith.constant 64 : i32
    %dma_start3A_17 = tpu.memref_slice %arg7[%dma_start3A_12, %dma_start3A_16] : memref<40x128xi32, #tpu.memory_space<vmem>> -> memref<1x64xi32, #tpu.memory_space<vmem>>
    %dma_start3A_18 = tpu.memref_squeeze %dma_start3A_17 : memref<1x64xi32, #tpu.memory_space<vmem>> -> memref<64xi32, #tpu.memory_space<vmem>>
    %dma_start3A_19 = arith.constant 0 : i32
    %dma_start3A_20 = arith.constant 0 : i32
    %dma_start3A_21 = tpu.memref_slice %arg2[%dma_start3A_19, %dma_start3A_20] : memref<10000x128xf32, #tpu.memory_space<hbm>> -> memref<10000x128xf32, #tpu.memory_space<hbm>>
    tpu.enqueue_indirect_dma source(%dma_start3A_21 : memref<10000x128xf32, #tpu.memory_space<hbm>>) target(%dma_start3A_15 : memref<64x128xf32, #tpu.memory_space<vmem>>) offsets(%dma_start3A_18 : memref<64xi32, #tpu.memory_space<vmem>>) semaphore(%arg14 : memref<!tpu.dma_semaphore, #tpu.memory_space<semaphore_mem>>)
    "tpu.region"() ({
      %run_scoped3A = tpu.sem_alloc : memref<!tpu.dma_semaphore, #tpu.memory_space<semaphore_mem>>
      tpu.enqueue_dma source(%arg5 : memref<128x128xf32, #tpu.memory_space<hbm>>) target(%arg10 : memref<128x128xf32, #tpu.memory_space<vmem>>) target_semaphore(%run_scoped3A : memref<!tpu.dma_semaphore, #tpu.memory_space<semaphore_mem>>)
      tpu.wait_dma2 semaphore(%run_scoped3A : memref<!tpu.dma_semaphore, #tpu.memory_space<semaphore_mem>>) src(%arg5 : memref<128x128xf32, #tpu.memory_space<hbm>>) dst(%arg10 : memref<128x128xf32, #tpu.memory_space<vmem>>)
      tpu.yield
    }) : () -> ()
    %scan3A = arith.constant 0 : i32
    %scan3A_22 = arith.constant 40 : i32
    %scan3A_23 = arith.addi %scan3A, %scan3A_22 : i32
    %scan3A_24 = arith.constant 1 : i32
    scf.for %scan3A_36 = %scan3A to %scan3A_23 step %scan3A_24  : i32 {
      %mul3A_37 = arith.constant 16 : i32
      %mul3A_38 = arith.muli %scan3A_36, %mul3A_37 : i32
      %add3A_39 = arith.constant 0 : i32
      %add3A_40 = arith.addi %add3A_39, %mul3A_38 : i32
      %mul3A_41 = arith.constant 640 : i32
      %mul3A_42 = arith.muli %arg1, %mul3A_41 : i32
      %add3A_43 = arith.addi %mul3A_42, %add3A_40 : i32
      "tpu.region"() ({
        %run_scoped3A = tpu.sem_alloc : memref<!tpu.dma_semaphore, #tpu.memory_space<semaphore_mem>>
        %dma_start3A_44 = arith.constant 0 : i32
        %dma_start3A_45 = arith.constant 0 : i32
        %dma_start3A_46 = tpu.memref_slice %arg10[%dma_start3A_44, %dma_start3A_45] : memref<128x128xf32, #tpu.memory_space<vmem>> -> memref<16x128xf32, #tpu.memory_space<vmem>>
        %dma_start3A_47 = arith.constant 0 : i32
        %dma_start3A_48 = tpu.memref_slice %arg11[%add3A_43, %dma_start3A_47] : memref<10240x128xf32, #tpu.memory_space<vmem_shared>> -> memref<16x128xf32, #tpu.memory_space<vmem_shared>>
        %dma_start3A_49 = arith.constant 0 : i32
        %dma_start3A_50 = tpu.memref_slice %arg11[%add3A_43, %dma_start3A_49] : memref<10240x128xf32, #tpu.memory_space<vmem_shared>> -> memref<16x128xf32, #tpu.memory_space<vmem_shared>>
        %dma_start3A_51 = arith.constant 0 : i32
        %dma_start3A_52 = arith.constant 0 : i32
        %dma_start3A_53 = tpu.memref_slice %arg10[%dma_start3A_51, %dma_start3A_52] : memref<128x128xf32, #tpu.memory_space<vmem>> -> memref<16x128xf32, #tpu.memory_space<vmem>>
        tpu.enqueue_dma source(%dma_start3A_53 : memref<16x128xf32, #tpu.memory_space<vmem>>) target(%dma_start3A_50 : memref<16x128xf32, #tpu.memory_space<vmem_shared>>) target_semaphore(%run_scoped3A : memref<!tpu.dma_semaphore, #tpu.memory_space<semaphore_mem>>)
        %dma_wait3A = arith.constant 0 : i32
        %dma_wait3A_54 = arith.constant 0 : i32
        %dma_wait3A_55 = tpu.memref_slice %arg10[%dma_wait3A, %dma_wait3A_54] : memref<128x128xf32, #tpu.memory_space<vmem>> -> memref<16x128xf32, #tpu.memory_space<vmem>>
        %dma_wait3A_56 = arith.constant 0 : i32
        %dma_wait3A_57 = tpu.memref_slice %arg11[%add3A_43, %dma_wait3A_56] : memref<10240x128xf32, #tpu.memory_space<vmem_shared>> -> memref<16x128xf32, #tpu.memory_space<vmem_shared>>
        %dma_wait3A_58 = arith.constant 0 : i32
        %dma_wait3A_59 = tpu.memref_slice %arg11[%add3A_43, %dma_wait3A_58] : memref<10240x128xf32, #tpu.memory_space<vmem_shared>> -> memref<16x128xf32, #tpu.memory_space<vmem_shared>>
        %dma_wait3A_60 = arith.constant 0 : i32
        %dma_wait3A_61 = arith.constant 0 : i32
        %dma_wait3A_62 = tpu.memref_slice %arg10[%dma_wait3A_60, %dma_wait3A_61] : memref<128x128xf32, #tpu.memory_space<vmem>> -> memref<16x128xf32, #tpu.memory_space<vmem>>
        tpu.wait_dma2 semaphore(%run_scoped3A : memref<!tpu.dma_semaphore, #tpu.memory_space<semaphore_mem>>) src(%dma_wait3A_62 : memref<16x128xf32, #tpu.memory_space<vmem>>) dst(%dma_wait3A_59 : memref<16x128xf32, #tpu.memory_space<vmem_shared>>)
        tpu.yield
      }) : () -> ()
    }
    %scan3A_25 = arith.constant 40 : i32
    %barrier3A = arith.constant 0 : index
    tpu.barrier barrier_id(%barrier3A)
    %scan3A_26 = arith.constant 0 : i32
    %scan3A_27 = arith.constant 2 : i32
    %scan3A_28 = arith.addi %scan3A_26, %scan3A_27 : i32
    %scan3A_29 = arith.constant 1 : i32
    scf.for %scan3A_36 = %scan3A_26 to %scan3A_28 step %scan3A_29  : i32 {
      %mul3A_37 = arith.constant 40 : i32
      %mul3A_38 = arith.muli %scan3A_36, %mul3A_37 : i32
      %add3A_39 = arith.constant 0 : i32
      %add3A_40 = arith.addi %add3A_39, %mul3A_38 : i32
      %gt3A = arith.constant 0 : i32
      %gt3A_41 = arith.cmpi sgt, %add3A_40, %gt3A : i32
      %convert_element_type3A = arith.extui %gt3A_41 : i1 to i32
      %cond3A = arith.constant 0 : i32
      %cond3A_42 = arith.cmpi ne, %convert_element_type3A, %cond3A : i32
      scf.if %cond3A_42 {
        %add3A_48 = arith.addi %mul3A_2, %add3A_40 : i32
        "tpu.region"() ({
          %run_scoped3A = tpu.sem_alloc : memref<!tpu.dma_semaphore, #tpu.memory_space<semaphore_mem>>
          %dma_start3A_70 = arith.constant 0 : i32
          %dma_start3A_71 = tpu.memref_slice %arg3[%add3A_48, %dma_start3A_70] : memref<2560x128xi32, #tpu.memory_space<hbm>> -> memref<40x128xi32, #tpu.memory_space<hbm>>
          %dma_start3A_72 = arith.constant 0 : i32
          %dma_start3A_73 = tpu.memref_slice %arg3[%add3A_48, %dma_start3A_72] : memref<2560x128xi32, #tpu.memory_space<hbm>> -> memref<40x128xi32, #tpu.memory_space<hbm>>
          tpu.enqueue_dma source(%dma_start3A_73 : memref<40x128xi32, #tpu.memory_space<hbm>>) target(%arg7 : memref<40x128xi32, #tpu.memory_space<vmem>>) target_semaphore(%run_scoped3A : memref<!tpu.dma_semaphore, #tpu.memory_space<semaphore_mem>>)
          %dma_wait3A = arith.constant 0 : i32
          %dma_wait3A_74 = tpu.memref_slice %arg3[%add3A_48, %dma_wait3A] : memref<2560x128xi32, #tpu.memory_space<hbm>> -> memref<40x128xi32, #tpu.memory_space<hbm>>
          %dma_wait3A_75 = arith.constant 0 : i32
          %dma_wait3A_76 = tpu.memref_slice %arg3[%add3A_48, %dma_wait3A_75] : memref<2560x128xi32, #tpu.memory_space<hbm>> -> memref<40x128xi32, #tpu.memory_space<hbm>>
          tpu.wait_dma2 semaphore(%run_scoped3A : memref<!tpu.dma_semaphore, #tpu.memory_space<semaphore_mem>>) src(%dma_wait3A_76 : memref<40x128xi32, #tpu.memory_space<hbm>>) dst(%arg7 : memref<40x128xi32, #tpu.memory_space<vmem>>)
          tpu.yield
        }) : () -> ()
        %add3A_49 = arith.addi %mul3A_2, %add3A_40 : i32
        "tpu.region"() ({
          %run_scoped3A = tpu.sem_alloc : memref<!tpu.dma_semaphore, #tpu.memory_space<semaphore_mem>>
          %dma_start3A_70 = arith.constant 0 : i32
          %dma_start3A_71 = tpu.memref_slice %arg4[%add3A_49, %dma_start3A_70] : memref<2560x128xi32, #tpu.memory_space<hbm>> -> memref<40x128xi32, #tpu.memory_space<hbm>>
          %dma_start3A_72 = arith.constant 0 : i32
          %dma_start3A_73 = tpu.memref_slice %arg4[%add3A_49, %dma_start3A_72] : memref<2560x128xi32, #tpu.memory_space<hbm>> -> memref<40x128xi32, #tpu.memory_space<hbm>>
          tpu.enqueue_dma source(%dma_start3A_73 : memref<40x128xi32, #tpu.memory_space<hbm>>) target(%arg8 : memref<40x128xi32, #tpu.memory_space<vmem>>) target_semaphore(%run_scoped3A : memref<!tpu.dma_semaphore, #tpu.memory_space<semaphore_mem>>)
          %dma_wait3A = arith.constant 0 : i32
          %dma_wait3A_74 = tpu.memref_slice %arg4[%add3A_49, %dma_wait3A] : memref<2560x128xi32, #tpu.memory_space<hbm>> -> memref<40x128xi32, #tpu.memory_space<hbm>>
          %dma_wait3A_75 = arith.constant 0 : i32
          %dma_wait3A_76 = tpu.memref_slice %arg4[%add3A_49, %dma_wait3A_75] : memref<2560x128xi32, #tpu.memory_space<hbm>> -> memref<40x128xi32, #tpu.memory_space<hbm>>
          tpu.wait_dma2 semaphore(%run_scoped3A : memref<!tpu.dma_semaphore, #tpu.memory_space<semaphore_mem>>) src(%dma_wait3A_76 : memref<40x128xi32, #tpu.memory_space<hbm>>) dst(%arg8 : memref<40x128xi32, #tpu.memory_space<vmem>>)
          tpu.yield
        }) : () -> ()
        %dma_start3A_50 = arith.constant 0 : i32
        %dma_start3A_51 = arith.constant 0 : i32
        %dma_start3A_52 = arith.constant 0 : i32
        %dma_start3A_53 = tpu.memref_slice %arg9[%dma_start3A_51, %dma_start3A_52] : memref<128x128xf32, #tpu.memory_space<vmem>> -> memref<64x128xf32, #tpu.memory_space<vmem>>
        %dma_start3A_54 = arith.constant 0 : i32
        %dma_start3A_55 = tpu.memref_slice %arg7[%dma_start3A_50, %dma_start3A_54] : memref<40x128xi32, #tpu.memory_space<vmem>> -> memref<1x64xi32, #tpu.memory_space<vmem>>
        %dma_start3A_56 = tpu.memref_squeeze %dma_start3A_55 : memref<1x64xi32, #tpu.memory_space<vmem>> -> memref<64xi32, #tpu.memory_space<vmem>>
        %dma_start3A_57 = arith.constant 0 : i32
        %dma_start3A_58 = arith.constant 0 : i32
        %dma_start3A_59 = tpu.memref_slice %arg2[%dma_start3A_57, %dma_start3A_58] : memref<10000x128xf32, #tpu.memory_space<hbm>> -> memref<10000x128xf32, #tpu.memory_space<hbm>>
        tpu.enqueue_indirect_dma source(%dma_start3A_59 : memref<10000x128xf32, #tpu.memory_space<hbm>>) target(%dma_start3A_53 : memref<64x128xf32, #tpu.memory_space<vmem>>) offsets(%dma_start3A_56 : memref<64xi32, #tpu.memory_space<vmem>>) semaphore(%arg12 : memref<!tpu.dma_semaphore, #tpu.memory_space<semaphore_mem>>)
        %dma_start3A_60 = arith.constant 0 : i32
        %dma_start3A_61 = arith.constant 64 : i32
        %dma_start3A_62 = arith.constant 0 : i32
        %dma_start3A_63 = tpu.memref_slice %arg9[%dma_start3A_61, %dma_start3A_62] : memref<128x128xf32, #tpu.memory_space<vmem>> -> memref<64x128xf32, #tpu.memory_space<vmem>>
        %dma_start3A_64 = arith.constant 64 : i32
        %dma_start3A_65 = tpu.memref_slice %arg7[%dma_start3A_60, %dma_start3A_64] : memref<40x128xi32, #tpu.memory_space<vmem>> -> memref<1x64xi32, #tpu.memory_space<vmem>>
        %dma_start3A_66 = tpu.memref_squeeze %dma_start3A_65 : memref<1x64xi32, #tpu.memory_space<vmem>> -> memref<64xi32, #tpu.memory_space<vmem>>
        %dma_start3A_67 = arith.constant 0 : i32
        %dma_start3A_68 = arith.constant 0 : i32
        %dma_start3A_69 = tpu.memref_slice %arg2[%dma_start3A_67, %dma_start3A_68] : memref<10000x128xf32, #tpu.memory_space<hbm>> -> memref<10000x128xf32, #tpu.memory_space<hbm>>
        tpu.enqueue_indirect_dma source(%dma_start3A_69 : memref<10000x128xf32, #tpu.memory_space<hbm>>) target(%dma_start3A_63 : memref<64x128xf32, #tpu.memory_space<vmem>>) offsets(%dma_start3A_66 : memref<64xi32, #tpu.memory_space<vmem>>) semaphore(%arg14 : memref<!tpu.dma_semaphore, #tpu.memory_space<semaphore_mem>>)
      } else {
      }
      %scan3A_43 = arith.constant 0 : i32
      %scan3A_44 = arith.constant 20 : i32
      %scan3A_45 = arith.addi %scan3A_43, %scan3A_44 : i32
      %scan3A_46 = arith.constant 1 : i32
      scf.for %scan3A_48 = %scan3A_43 to %scan3A_45 step %scan3A_46  : i32 {
        %mul3A_49 = arith.constant 2 : i32
        %mul3A_50 = arith.muli %scan3A_48, %mul3A_49 : i32
        %add3A_51 = arith.constant 0 : i32
        %add3A_52 = arith.addi %add3A_51, %mul3A_50 : i32
        %dma_wait3A = arith.constant 0 : i32
        %dma_wait3A_53 = arith.constant 0 : i32
        %dma_wait3A_54 = tpu.memref_slice %arg9[%dma_wait3A, %dma_wait3A_53] : memref<128x128xf32, #tpu.memory_space<vmem>> -> memref<64x128xf32, #tpu.memory_space<vmem>>
        %dma_wait3A_55 = arith.constant 0 : i32
        %dma_wait3A_56 = tpu.memref_slice %arg7[%add3A_52, %dma_wait3A_55] : memref<40x128xi32, #tpu.memory_space<vmem>> -> memref<1x64xi32, #tpu.memory_space<vmem>>
        %dma_wait3A_57 = tpu.memref_squeeze %dma_wait3A_56 : memref<1x64xi32, #tpu.memory_space<vmem>> -> memref<64xi32, #tpu.memory_space<vmem>>
        %dma_wait3A_58 = arith.constant 0 : i32
        %dma_wait3A_59 = arith.constant 0 : i32
        %dma_wait3A_60 = tpu.memref_slice %arg2[%dma_wait3A_58, %dma_wait3A_59] : memref<10000x128xf32, #tpu.memory_space<hbm>> -> memref<10000x128xf32, #tpu.memory_space<hbm>>
        tpu.wait_indirect_dma semaphore(%arg12 : memref<!tpu.dma_semaphore, #tpu.memory_space<semaphore_mem>>) src(%dma_wait3A_60 : memref<10000x128xf32, #tpu.memory_space<hbm>>) dst(%dma_wait3A_54 : memref<64x128xf32, #tpu.memory_space<vmem>>)
        %dma_wait3A_61 = arith.constant 64 : i32
        %dma_wait3A_62 = arith.constant 0 : i32
        %dma_wait3A_63 = tpu.memref_slice %arg9[%dma_wait3A_61, %dma_wait3A_62] : memref<128x128xf32, #tpu.memory_space<vmem>> -> memref<64x128xf32, #tpu.memory_space<vmem>>
        %dma_wait3A_64 = arith.constant 64 : i32
        %dma_wait3A_65 = tpu.memref_slice %arg7[%add3A_52, %dma_wait3A_64] : memref<40x128xi32, #tpu.memory_space<vmem>> -> memref<1x64xi32, #tpu.memory_space<vmem>>
        %dma_wait3A_66 = tpu.memref_squeeze %dma_wait3A_65 : memref<1x64xi32, #tpu.memory_space<vmem>> -> memref<64xi32, #tpu.memory_space<vmem>>
        %dma_wait3A_67 = arith.constant 0 : i32
        %dma_wait3A_68 = arith.constant 0 : i32
        %dma_wait3A_69 = tpu.memref_slice %arg2[%dma_wait3A_67, %dma_wait3A_68] : memref<10000x128xf32, #tpu.memory_space<hbm>> -> memref<10000x128xf32, #tpu.memory_space<hbm>>
        tpu.wait_indirect_dma semaphore(%arg14 : memref<!tpu.dma_semaphore, #tpu.memory_space<semaphore_mem>>) src(%dma_wait3A_69 : memref<10000x128xf32, #tpu.memory_space<hbm>>) dst(%dma_wait3A_63 : memref<64x128xf32, #tpu.memory_space<vmem>>)
        %add3A_70 = arith.constant 1 : i32
        %add3A_71 = arith.addi %add3A_52, %add3A_70 : i32
        %dma_start3A_72 = arith.constant 0 : i32
        %dma_start3A_73 = arith.constant 0 : i32
        %dma_start3A_74 = tpu.memref_slice %arg10[%dma_start3A_72, %dma_start3A_73] : memref<128x128xf32, #tpu.memory_space<vmem>> -> memref<64x128xf32, #tpu.memory_space<vmem>>
        %dma_start3A_75 = arith.constant 0 : i32
        %dma_start3A_76 = tpu.memref_slice %arg7[%add3A_71, %dma_start3A_75] : memref<40x128xi32, #tpu.memory_space<vmem>> -> memref<1x64xi32, #tpu.memory_space<vmem>>
        %dma_start3A_77 = tpu.memref_squeeze %dma_start3A_76 : memref<1x64xi32, #tpu.memory_space<vmem>> -> memref<64xi32, #tpu.memory_space<vmem>>
        %dma_start3A_78 = arith.constant 0 : i32
        %dma_start3A_79 = arith.constant 0 : i32
        %dma_start3A_80 = tpu.memref_slice %arg2[%dma_start3A_78, %dma_start3A_79] : memref<10000x128xf32, #tpu.memory_space<hbm>> -> memref<10000x128xf32, #tpu.memory_space<hbm>>
        tpu.enqueue_indirect_dma source(%dma_start3A_80 : memref<10000x128xf32, #tpu.memory_space<hbm>>) target(%dma_start3A_74 : memref<64x128xf32, #tpu.memory_space<vmem>>) offsets(%dma_start3A_77 : memref<64xi32, #tpu.memory_space<vmem>>) semaphore(%arg13 : memref<!tpu.dma_semaphore, #tpu.memory_space<semaphore_mem>>)
        %dma_start3A_81 = arith.constant 64 : i32
        %dma_start3A_82 = arith.constant 0 : i32
        %dma_start3A_83 = tpu.memref_slice %arg10[%dma_start3A_81, %dma_start3A_82] : memref<128x128xf32, #tpu.memory_space<vmem>> -> memref<64x128xf32, #tpu.memory_space<vmem>>
        %dma_start3A_84 = arith.constant 64 : i32
        %dma_start3A_85 = tpu.memref_slice %arg7[%add3A_71, %dma_start3A_84] : memref<40x128xi32, #tpu.memory_space<vmem>> -> memref<1x64xi32, #tpu.memory_space<vmem>>
        %dma_start3A_86 = tpu.memref_squeeze %dma_start3A_85 : memref<1x64xi32, #tpu.memory_space<vmem>> -> memref<64xi32, #tpu.memory_space<vmem>>
        %dma_start3A_87 = arith.constant 0 : i32
        %dma_start3A_88 = arith.constant 0 : i32
        %dma_start3A_89 = tpu.memref_slice %arg2[%dma_start3A_87, %dma_start3A_88] : memref<10000x128xf32, #tpu.memory_space<hbm>> -> memref<10000x128xf32, #tpu.memory_space<hbm>>
        tpu.enqueue_indirect_dma source(%dma_start3A_89 : memref<10000x128xf32, #tpu.memory_space<hbm>>) target(%dma_start3A_83 : memref<64x128xf32, #tpu.memory_space<vmem>>) offsets(%dma_start3A_86 : memref<64xi32, #tpu.memory_space<vmem>>) semaphore(%arg15 : memref<!tpu.dma_semaphore, #tpu.memory_space<semaphore_mem>>)
        "tpu.region"() ({
          %run_scoped3A = tpu.sem_alloc : memref<!tpu.dma_semaphore, #tpu.memory_space<semaphore_mem>>
          %dma_start3A_118 = arith.constant 0 : i32
          %dma_start3A_119 = tpu.memref_slice %arg8[%add3A_52, %dma_start3A_118] : memref<40x128xi32, #tpu.memory_space<vmem>> -> memref<1x128xi32, #tpu.memory_space<vmem>>
          %dma_start3A_120 = tpu.memref_squeeze %dma_start3A_119 : memref<1x128xi32, #tpu.memory_space<vmem>> -> memref<128xi32, #tpu.memory_space<vmem>>
          %dma_start3A_121 = arith.constant 0 : i32
          %dma_start3A_122 = arith.constant 0 : i32
          %dma_start3A_123 = tpu.memref_slice %arg11[%dma_start3A_121, %dma_start3A_122] : memref<10240x128xf32, #tpu.memory_space<vmem_shared>> -> memref<10240x128xf32, #tpu.memory_space<vmem_shared>>
          tpu.enqueue_indirect_dma source(%arg9 : memref<128x128xf32, #tpu.memory_space<vmem>>) target(%dma_start3A_123 : memref<10240x128xf32, #tpu.memory_space<vmem_shared>>) offsets(%dma_start3A_120 : memref<128xi32, #tpu.memory_space<vmem>>) semaphore(%run_scoped3A : memref<!tpu.dma_semaphore, #tpu.memory_space<semaphore_mem>>) {add = true}
          %dma_wait3A_124 = arith.constant 0 : i32
          %dma_wait3A_125 = tpu.memref_slice %arg8[%add3A_52, %dma_wait3A_124] : memref<40x128xi32, #tpu.memory_space<vmem>> -> memref<1x128xi32, #tpu.memory_space<vmem>>
          %dma_wait3A_126 = tpu.memref_squeeze %dma_wait3A_125 : memref<1x128xi32, #tpu.memory_space<vmem>> -> memref<128xi32, #tpu.memory_space<vmem>>
          %dma_wait3A_127 = arith.constant 0 : i32
          %dma_wait3A_128 = arith.constant 0 : i32
          %dma_wait3A_129 = tpu.memref_slice %arg11[%dma_wait3A_127, %dma_wait3A_128] : memref<10240x128xf32, #tpu.memory_space<vmem_shared>> -> memref<10240x128xf32, #tpu.memory_space<vmem_shared>>
          tpu.wait_indirect_dma semaphore(%run_scoped3A : memref<!tpu.dma_semaphore, #tpu.memory_space<semaphore_mem>>) src(%arg9 : memref<128x128xf32, #tpu.memory_space<vmem>>) dst(%dma_wait3A_129 : memref<10240x128xf32, #tpu.memory_space<vmem_shared>>)
          tpu.yield
        }) : () -> ()
        %add3A_90 = arith.constant 1 : i32
        %add3A_91 = arith.addi %add3A_52, %add3A_90 : i32
        %dma_wait3A_92 = arith.constant 0 : i32
        %dma_wait3A_93 = arith.constant 0 : i32
        %dma_wait3A_94 = tpu.memref_slice %arg10[%dma_wait3A_92, %dma_wait3A_93] : memref<128x128xf32, #tpu.memory_space<vmem>> -> memref<64x128xf32, #tpu.memory_space<vmem>>
        %dma_wait3A_95 = arith.constant 0 : i32
        %dma_wait3A_96 = tpu.memref_slice %arg7[%add3A_91, %dma_wait3A_95] : memref<40x128xi32, #tpu.memory_space<vmem>> -> memref<1x64xi32, #tpu.memory_space<vmem>>
        %dma_wait3A_97 = tpu.memref_squeeze %dma_wait3A_96 : memref<1x64xi32, #tpu.memory_space<vmem>> -> memref<64xi32, #tpu.memory_space<vmem>>
        %dma_wait3A_98 = arith.constant 0 : i32
        %dma_wait3A_99 = arith.constant 0 : i32
        %dma_wait3A_100 = tpu.memref_slice %arg2[%dma_wait3A_98, %dma_wait3A_99] : memref<10000x128xf32, #tpu.memory_space<hbm>> -> memref<10000x128xf32, #tpu.memory_space<hbm>>
        tpu.wait_indirect_dma semaphore(%arg13 : memref<!tpu.dma_semaphore, #tpu.memory_space<semaphore_mem>>) src(%dma_wait3A_100 : memref<10000x128xf32, #tpu.memory_space<hbm>>) dst(%dma_wait3A_94 : memref<64x128xf32, #tpu.memory_space<vmem>>)
        %dma_wait3A_101 = arith.constant 64 : i32
        %dma_wait3A_102 = arith.constant 0 : i32
        %dma_wait3A_103 = tpu.memref_slice %arg10[%dma_wait3A_101, %dma_wait3A_102] : memref<128x128xf32, #tpu.memory_space<vmem>> -> memref<64x128xf32, #tpu.memory_space<vmem>>
        %dma_wait3A_104 = arith.constant 64 : i32
        %dma_wait3A_105 = tpu.memref_slice %arg7[%add3A_91, %dma_wait3A_104] : memref<40x128xi32, #tpu.memory_space<vmem>> -> memref<1x64xi32, #tpu.memory_space<vmem>>
        %dma_wait3A_106 = tpu.memref_squeeze %dma_wait3A_105 : memref<1x64xi32, #tpu.memory_space<vmem>> -> memref<64xi32, #tpu.memory_space<vmem>>
        %dma_wait3A_107 = arith.constant 0 : i32
        %dma_wait3A_108 = arith.constant 0 : i32
        %dma_wait3A_109 = tpu.memref_slice %arg2[%dma_wait3A_107, %dma_wait3A_108] : memref<10000x128xf32, #tpu.memory_space<hbm>> -> memref<10000x128xf32, #tpu.memory_space<hbm>>
        tpu.wait_indirect_dma semaphore(%arg15 : memref<!tpu.dma_semaphore, #tpu.memory_space<semaphore_mem>>) src(%dma_wait3A_109 : memref<10000x128xf32, #tpu.memory_space<hbm>>) dst(%dma_wait3A_103 : memref<64x128xf32, #tpu.memory_space<vmem>>)
        %add3A_110 = arith.constant 2 : i32
        %add3A_111 = arith.addi %add3A_52, %add3A_110 : i32
        %lt3A = arith.constant 40 : i32
        %lt3A_112 = arith.cmpi slt, %add3A_111, %lt3A : i32
        %convert_element_type3A_113 = arith.extui %lt3A_112 : i1 to i32
        %cond3A_114 = arith.constant 0 : i32
        %cond3A_115 = arith.cmpi ne, %convert_element_type3A_113, %cond3A_114 : i32
        scf.if %cond3A_115 {
          %add3A_118 = arith.constant 2 : i32
          %add3A_119 = arith.addi %add3A_52, %add3A_118 : i32
          %dma_start3A_120 = arith.constant 0 : i32
          %dma_start3A_121 = arith.constant 0 : i32
          %dma_start3A_122 = tpu.memref_slice %arg9[%dma_start3A_120, %dma_start3A_121] : memref<128x128xf32, #tpu.memory_space<vmem>> -> memref<64x128xf32, #tpu.memory_space<vmem>>
          %dma_start3A_123 = arith.constant 0 : i32
          %dma_start3A_124 = tpu.memref_slice %arg7[%add3A_119, %dma_start3A_123] : memref<40x128xi32, #tpu.memory_space<vmem>> -> memref<1x64xi32, #tpu.memory_space<vmem>>
          %dma_start3A_125 = tpu.memref_squeeze %dma_start3A_124 : memref<1x64xi32, #tpu.memory_space<vmem>> -> memref<64xi32, #tpu.memory_space<vmem>>
          %dma_start3A_126 = arith.constant 0 : i32
          %dma_start3A_127 = arith.constant 0 : i32
          %dma_start3A_128 = tpu.memref_slice %arg2[%dma_start3A_126, %dma_start3A_127] : memref<10000x128xf32, #tpu.memory_space<hbm>> -> memref<10000x128xf32, #tpu.memory_space<hbm>>
          tpu.enqueue_indirect_dma source(%dma_start3A_128 : memref<10000x128xf32, #tpu.memory_space<hbm>>) target(%dma_start3A_122 : memref<64x128xf32, #tpu.memory_space<vmem>>) offsets(%dma_start3A_125 : memref<64xi32, #tpu.memory_space<vmem>>) semaphore(%arg12 : memref<!tpu.dma_semaphore, #tpu.memory_space<semaphore_mem>>)
          %dma_start3A_129 = arith.constant 64 : i32
          %dma_start3A_130 = arith.constant 0 : i32
          %dma_start3A_131 = tpu.memref_slice %arg9[%dma_start3A_129, %dma_start3A_130] : memref<128x128xf32, #tpu.memory_space<vmem>> -> memref<64x128xf32, #tpu.memory_space<vmem>>
          %dma_start3A_132 = arith.constant 64 : i32
          %dma_start3A_133 = tpu.memref_slice %arg7[%add3A_119, %dma_start3A_132] : memref<40x128xi32, #tpu.memory_space<vmem>> -> memref<1x64xi32, #tpu.memory_space<vmem>>
          %dma_start3A_134 = tpu.memref_squeeze %dma_start3A_133 : memref<1x64xi32, #tpu.memory_space<vmem>> -> memref<64xi32, #tpu.memory_space<vmem>>
          %dma_start3A_135 = arith.constant 0 : i32
          %dma_start3A_136 = arith.constant 0 : i32
          %dma_start3A_137 = tpu.memref_slice %arg2[%dma_start3A_135, %dma_start3A_136] : memref<10000x128xf32, #tpu.memory_space<hbm>> -> memref<10000x128xf32, #tpu.memory_space<hbm>>
          tpu.enqueue_indirect_dma source(%dma_start3A_137 : memref<10000x128xf32, #tpu.memory_space<hbm>>) target(%dma_start3A_131 : memref<64x128xf32, #tpu.memory_space<vmem>>) offsets(%dma_start3A_134 : memref<64xi32, #tpu.memory_space<vmem>>) semaphore(%arg14 : memref<!tpu.dma_semaphore, #tpu.memory_space<semaphore_mem>>)
        } else {
        }
        %add3A_116 = arith.constant 1 : i32
        %add3A_117 = arith.addi %add3A_52, %add3A_116 : i32
        "tpu.region"() ({
          %run_scoped3A = tpu.sem_alloc : memref<!tpu.dma_semaphore, #tpu.memory_space<semaphore_mem>>
          %dma_start3A_118 = arith.constant 0 : i32
          %dma_start3A_119 = tpu.memref_slice %arg8[%add3A_117, %dma_start3A_118] : memref<40x128xi32, #tpu.memory_space<vmem>> -> memref<1x128xi32, #tpu.memory_space<vmem>>
          %dma_start3A_120 = tpu.memref_squeeze %dma_start3A_119 : memref<1x128xi32, #tpu.memory_space<vmem>> -> memref<128xi32, #tpu.memory_space<vmem>>
          %dma_start3A_121 = arith.constant 0 : i32
          %dma_start3A_122 = arith.constant 0 : i32
          %dma_start3A_123 = tpu.memref_slice %arg11[%dma_start3A_121, %dma_start3A_122] : memref<10240x128xf32, #tpu.memory_space<vmem_shared>> -> memref<10240x128xf32, #tpu.memory_space<vmem_shared>>
          tpu.enqueue_indirect_dma source(%arg10 : memref<128x128xf32, #tpu.memory_space<vmem>>) target(%dma_start3A_123 : memref<10240x128xf32, #tpu.memory_space<vmem_shared>>) offsets(%dma_start3A_120 : memref<128xi32, #tpu.memory_space<vmem>>) semaphore(%run_scoped3A : memref<!tpu.dma_semaphore, #tpu.memory_space<semaphore_mem>>) {add = true}
          %dma_wait3A_124 = arith.constant 0 : i32
          %dma_wait3A_125 = tpu.memref_slice %arg8[%add3A_117, %dma_wait3A_124] : memref<40x128xi32, #tpu.memory_space<vmem>> -> memref<1x128xi32, #tpu.memory_space<vmem>>
          %dma_wait3A_126 = tpu.memref_squeeze %dma_wait3A_125 : memref<1x128xi32, #tpu.memory_space<vmem>> -> memref<128xi32, #tpu.memory_space<vmem>>
          %dma_wait3A_127 = arith.constant 0 : i32
          %dma_wait3A_128 = arith.constant 0 : i32
          %dma_wait3A_129 = tpu.memref_slice %arg11[%dma_wait3A_127, %dma_wait3A_128] : memref<10240x128xf32, #tpu.memory_space<vmem_shared>> -> memref<10240x128xf32, #tpu.memory_space<vmem_shared>>
          tpu.wait_indirect_dma semaphore(%run_scoped3A : memref<!tpu.dma_semaphore, #tpu.memory_space<semaphore_mem>>) src(%arg10 : memref<128x128xf32, #tpu.memory_space<vmem>>) dst(%dma_wait3A_129 : memref<10240x128xf32, #tpu.memory_space<vmem_shared>>)
          tpu.yield
        }) : () -> ()
      }
      %scan3A_47 = arith.constant 20 : i32
    }
    %scan3A_30 = arith.constant 2 : i32
    %barrier3A_31 = arith.constant 0 : index
    tpu.barrier barrier_id(%barrier3A_31)
    %mul3A_32 = arith.constant 640 : i32
    %mul3A_33 = arith.muli %arg1, %mul3A_32 : i32
    %mul3A_34 = arith.constant 640 : i32
    %mul3A_35 = arith.muli %arg1, %mul3A_34 : i32
    "tpu.region"() ({
      %run_scoped3A = tpu.sem_alloc : memref<!tpu.dma_semaphore, #tpu.memory_space<semaphore_mem>>
      %dma_start3A_36 = arith.constant 0 : i32
      %dma_start3A_37 = tpu.memref_slice %arg6[%arg0, %mul3A_35, %dma_start3A_36] : memref<2x10240x128xf32, #tpu.memory_space<hbm>> -> memref<1x640x128xf32, #tpu.memory_space<hbm>>
      %dma_start3A_38 = tpu.memref_squeeze %dma_start3A_37 : memref<1x640x128xf32, #tpu.memory_space<hbm>> -> memref<640x128xf32, #tpu.memory_space<hbm>>
      %dma_start3A_39 = arith.constant 0 : i32
      %dma_start3A_40 = tpu.memref_slice %arg11[%mul3A_33, %dma_start3A_39] : memref<10240x128xf32, #tpu.memory_space<vmem_shared>> -> memref<640x128xf32, #tpu.memory_space<vmem_shared>>
      tpu.enqueue_dma source(%dma_start3A_40 : memref<640x128xf32, #tpu.memory_space<vmem_shared>>) target(%dma_start3A_38 : memref<640x128xf32, #tpu.memory_space<hbm>>) target_semaphore(%run_scoped3A : memref<!tpu.dma_semaphore, #tpu.memory_space<semaphore_mem>>)
      %dma_wait3A = arith.constant 0 : i32
      %dma_wait3A_41 = tpu.memref_slice %arg6[%arg0, %mul3A_35, %dma_wait3A] : memref<2x10240x128xf32, #tpu.memory_space<hbm>> -> memref<1x640x128xf32, #tpu.memory_space<hbm>>
      %dma_wait3A_42 = tpu.memref_squeeze %dma_wait3A_41 : memref<1x640x128xf32, #tpu.memory_space<hbm>> -> memref<640x128xf32, #tpu.memory_space<hbm>>
      %dma_wait3A_43 = arith.constant 0 : i32
      %dma_wait3A_44 = tpu.memref_slice %arg11[%mul3A_33, %dma_wait3A_43] : memref<10240x128xf32, #tpu.memory_space<vmem_shared>> -> memref<640x128xf32, #tpu.memory_space<vmem_shared>>
      tpu.wait_dma2 semaphore(%run_scoped3A : memref<!tpu.dma_semaphore, #tpu.memory_space<semaphore_mem>>) src(%dma_wait3A_44 : memref<640x128xf32, #tpu.memory_space<vmem_shared>>) dst(%dma_wait3A_42 : memref<640x128xf32, #tpu.memory_space<hbm>>)
      tpu.yield
    }) : () -> ()
    return
  }
}

#map = affine_map<(d0, d1) -> (0, 0)>
#map1 = affine_map<(d0, d1) -> (0, 0, 0)>
module attributes {stable_mosaic.version = 14 : i64} {
  func.func @_sc_agg(%arg0: i32, %arg1: i32, %arg2: memref<10000x128xf32, #tpu.memory_space<hbm>>, %arg3: memref<2560x128xi32, #tpu.memory_space<hbm>>, %arg4: memref<2560x128xi32, #tpu.memory_space<hbm>>, %arg5: memref<128x128xf32, #tpu.memory_space<hbm>>, %arg6: memref<2x10240x128xf32, #tpu.memory_space<hbm>>, %arg7: memref<40x128xi32, #tpu.memory_space<vmem>>, %arg8: memref<40x128xi32, #tpu.memory_space<vmem>>, %arg9: memref<128x128xf32, #tpu.memory_space<vmem>>, %arg10: memref<128x128xf32, #tpu.memory_space<vmem>>, %arg11: memref<10240x128xf32, #tpu.memory_space<vmem_shared>>, %arg12: memref<!tpu.dma_semaphore, #tpu.memory_space<semaphore_mem>>, %arg13: memref<!tpu.dma_semaphore, #tpu.memory_space<semaphore_mem>>, %arg14: memref<!tpu.dma_semaphore, #tpu.memory_space<semaphore_mem>>, %arg15: memref<!tpu.dma_semaphore, #tpu.memory_space<semaphore_mem>>) attributes {dimension_semantics = [#tpu.dimension_semantics<core_parallel>, #tpu.dimension_semantics<subcore_parallel>], iteration_bounds = array<i64: 2, 16>, scalar_prefetch = 0 : i64, scratch_operands = 9 : i64, tpu.core_type = #tpu.core_type<sc_vector_subcore>, window_params = [{transform_indices = #map}, {transform_indices = #map}, {transform_indices = #map}, {transform_indices = #map}, {transform_indices = #map1}]} {
    %mul3A = arith.constant 2 : i32
    %mul3A_0 = arith.muli %arg1, %mul3A : i32
    %add3A = arith.addi %mul3A_0, %arg0 : i32
    %mul3A_1 = arith.constant 80 : i32
    %mul3A_2 = arith.muli %add3A, %mul3A_1 : i32
    "tpu.region"() ({
      %run_scoped3A = tpu.sem_alloc : memref<!tpu.dma_semaphore, #tpu.memory_space<semaphore_mem>>
      %dma_start3A_36 = arith.constant 0 : i32
      %dma_start3A_37 = tpu.memref_slice %arg3[%mul3A_2, %dma_start3A_36] : memref<2560x128xi32, #tpu.memory_space<hbm>> -> memref<40x128xi32, #tpu.memory_space<hbm>>
      %dma_start3A_38 = arith.constant 0 : i32
      %dma_start3A_39 = tpu.memref_slice %arg3[%mul3A_2, %dma_start3A_38] : memref<2560x128xi32, #tpu.memory_space<hbm>> -> memref<40x128xi32, #tpu.memory_space<hbm>>
      tpu.enqueue_dma source(%dma_start3A_39 : memref<40x128xi32, #tpu.memory_space<hbm>>) target(%arg7 : memref<40x128xi32, #tpu.memory_space<vmem>>) target_semaphore(%run_scoped3A : memref<!tpu.dma_semaphore, #tpu.memory_space<semaphore_mem>>)
      %dma_wait3A = arith.constant 0 : i32
      %dma_wait3A_40 = tpu.memref_slice %arg3[%mul3A_2, %dma_wait3A] : memref<2560x128xi32, #tpu.memory_space<hbm>> -> memref<40x128xi32, #tpu.memory_space<hbm>>
      %dma_wait3A_41 = arith.constant 0 : i32
      %dma_wait3A_42 = tpu.memref_slice %arg3[%mul3A_2, %dma_wait3A_41] : memref<2560x128xi32, #tpu.memory_space<hbm>> -> memref<40x128xi32, #tpu.memory_space<hbm>>
      tpu.wait_dma2 semaphore(%run_scoped3A : memref<!tpu.dma_semaphore, #tpu.memory_space<semaphore_mem>>) src(%dma_wait3A_42 : memref<40x128xi32, #tpu.memory_space<hbm>>) dst(%arg7 : memref<40x128xi32, #tpu.memory_space<vmem>>)
      tpu.yield
    }) : () -> ()
    "tpu.region"() ({
      %run_scoped3A = tpu.sem_alloc : memref<!tpu.dma_semaphore, #tpu.memory_space<semaphore_mem>>
      %dma_start3A_36 = arith.constant 0 : i32
      %dma_start3A_37 = tpu.memref_slice %arg4[%mul3A_2, %dma_start3A_36] : memref<2560x128xi32, #tpu.memory_space<hbm>> -> memref<40x128xi32, #tpu.memory_space<hbm>>
      %dma_start3A_38 = arith.constant 0 : i32
      %dma_start3A_39 = tpu.memref_slice %arg4[%mul3A_2, %dma_start3A_38] : memref<2560x128xi32, #tpu.memory_space<hbm>> -> memref<40x128xi32, #tpu.memory_space<hbm>>
      tpu.enqueue_dma source(%dma_start3A_39 : memref<40x128xi32, #tpu.memory_space<hbm>>) target(%arg8 : memref<40x128xi32, #tpu.memory_space<vmem>>) target_semaphore(%run_scoped3A : memref<!tpu.dma_semaphore, #tpu.memory_space<semaphore_mem>>)
      %dma_wait3A = arith.constant 0 : i32
      %dma_wait3A_40 = tpu.memref_slice %arg4[%mul3A_2, %dma_wait3A] : memref<2560x128xi32, #tpu.memory_space<hbm>> -> memref<40x128xi32, #tpu.memory_space<hbm>>
      %dma_wait3A_41 = arith.constant 0 : i32
      %dma_wait3A_42 = tpu.memref_slice %arg4[%mul3A_2, %dma_wait3A_41] : memref<2560x128xi32, #tpu.memory_space<hbm>> -> memref<40x128xi32, #tpu.memory_space<hbm>>
      tpu.wait_dma2 semaphore(%run_scoped3A : memref<!tpu.dma_semaphore, #tpu.memory_space<semaphore_mem>>) src(%dma_wait3A_42 : memref<40x128xi32, #tpu.memory_space<hbm>>) dst(%arg8 : memref<40x128xi32, #tpu.memory_space<vmem>>)
      tpu.yield
    }) : () -> ()
    %dma_start3A = arith.constant 0 : i32
    %dma_start3A_3 = arith.constant 0 : i32
    %dma_start3A_4 = arith.constant 0 : i32
    %dma_start3A_5 = tpu.memref_slice %arg9[%dma_start3A_3, %dma_start3A_4] : memref<128x128xf32, #tpu.memory_space<vmem>> -> memref<64x128xf32, #tpu.memory_space<vmem>>
    %dma_start3A_6 = arith.constant 0 : i32
    %dma_start3A_7 = tpu.memref_slice %arg7[%dma_start3A, %dma_start3A_6] : memref<40x128xi32, #tpu.memory_space<vmem>> -> memref<1x64xi32, #tpu.memory_space<vmem>>
    %dma_start3A_8 = tpu.memref_squeeze %dma_start3A_7 : memref<1x64xi32, #tpu.memory_space<vmem>> -> memref<64xi32, #tpu.memory_space<vmem>>
    %dma_start3A_9 = arith.constant 0 : i32
    %dma_start3A_10 = arith.constant 0 : i32
    %dma_start3A_11 = tpu.memref_slice %arg2[%dma_start3A_9, %dma_start3A_10] : memref<10000x128xf32, #tpu.memory_space<hbm>> -> memref<10000x128xf32, #tpu.memory_space<hbm>>
    tpu.enqueue_indirect_dma source(%dma_start3A_11 : memref<10000x128xf32, #tpu.memory_space<hbm>>) target(%dma_start3A_5 : memref<64x128xf32, #tpu.memory_space<vmem>>) offsets(%dma_start3A_8 : memref<64xi32, #tpu.memory_space<vmem>>) semaphore(%arg12 : memref<!tpu.dma_semaphore, #tpu.memory_space<semaphore_mem>>)
    %dma_start3A_12 = arith.constant 0 : i32
    %dma_start3A_13 = arith.constant 64 : i32
    %dma_start3A_14 = arith.constant 0 : i32
    %dma_start3A_15 = tpu.memref_slice %arg9[%dma_start3A_13, %dma_start3A_14] : memref<128x128xf32, #tpu.memory_space<vmem>> -> memref<64x128xf32, #tpu.memory_space<vmem>>
    %dma_start3A_16 = arith.constant 64 : i32
    %dma_start3A_17 = tpu.memref_slice %arg7[%dma_start3A_12, %dma_start3A_16] : memref<40x128xi32, #tpu.memory_space<vmem>> -> memref<1x64xi32, #tpu.memory_space<vmem>>
    %dma_start3A_18 = tpu.memref_squeeze %dma_start3A_17 : memref<1x64xi32, #tpu.memory_space<vmem>> -> memref<64xi32, #tpu.memory_space<vmem>>
    %dma_start3A_19 = arith.constant 0 : i32
    %dma_start3A_20 = arith.constant 0 : i32
    %dma_start3A_21 = tpu.memref_slice %arg2[%dma_start3A_19, %dma_start3A_20] : memref<10000x128xf32, #tpu.memory_space<hbm>> -> memref<10000x128xf32, #tpu.memory_space<hbm>>
    tpu.enqueue_indirect_dma source(%dma_start3A_21 : memref<10000x128xf32, #tpu.memory_space<hbm>>) target(%dma_start3A_15 : memref<64x128xf32, #tpu.memory_space<vmem>>) offsets(%dma_start3A_18 : memref<64xi32, #tpu.memory_space<vmem>>) semaphore(%arg14 : memref<!tpu.dma_semaphore, #tpu.memory_space<semaphore_mem>>)
    "tpu.region"() ({
      %run_scoped3A = tpu.sem_alloc : memref<!tpu.dma_semaphore, #tpu.memory_space<semaphore_mem>>
      tpu.enqueue_dma source(%arg5 : memref<128x128xf32, #tpu.memory_space<hbm>>) target(%arg10 : memref<128x128xf32, #tpu.memory_space<vmem>>) target_semaphore(%run_scoped3A : memref<!tpu.dma_semaphore, #tpu.memory_space<semaphore_mem>>)
      tpu.wait_dma2 semaphore(%run_scoped3A : memref<!tpu.dma_semaphore, #tpu.memory_space<semaphore_mem>>) src(%arg5 : memref<128x128xf32, #tpu.memory_space<hbm>>) dst(%arg10 : memref<128x128xf32, #tpu.memory_space<vmem>>)
      tpu.yield
    }) : () -> ()
    %scan3A = arith.constant 0 : i32
    %scan3A_22 = arith.constant 40 : i32
    %scan3A_23 = arith.addi %scan3A, %scan3A_22 : i32
    %scan3A_24 = arith.constant 1 : i32
    scf.for %scan3A_36 = %scan3A to %scan3A_23 step %scan3A_24  : i32 {
      %mul3A_37 = arith.constant 16 : i32
      %mul3A_38 = arith.muli %scan3A_36, %mul3A_37 : i32
      %add3A_39 = arith.constant 0 : i32
      %add3A_40 = arith.addi %add3A_39, %mul3A_38 : i32
      %mul3A_41 = arith.constant 640 : i32
      %mul3A_42 = arith.muli %arg1, %mul3A_41 : i32
      %add3A_43 = arith.addi %mul3A_42, %add3A_40 : i32
      "tpu.region"() ({
        %run_scoped3A = tpu.sem_alloc : memref<!tpu.dma_semaphore, #tpu.memory_space<semaphore_mem>>
        %dma_start3A_44 = arith.constant 0 : i32
        %dma_start3A_45 = arith.constant 0 : i32
        %dma_start3A_46 = tpu.memref_slice %arg10[%dma_start3A_44, %dma_start3A_45] : memref<128x128xf32, #tpu.memory_space<vmem>> -> memref<16x128xf32, #tpu.memory_space<vmem>>
        %dma_start3A_47 = arith.constant 0 : i32
        %dma_start3A_48 = tpu.memref_slice %arg11[%add3A_43, %dma_start3A_47] : memref<10240x128xf32, #tpu.memory_space<vmem_shared>> -> memref<16x128xf32, #tpu.memory_space<vmem_shared>>
        %dma_start3A_49 = arith.constant 0 : i32
        %dma_start3A_50 = tpu.memref_slice %arg11[%add3A_43, %dma_start3A_49] : memref<10240x128xf32, #tpu.memory_space<vmem_shared>> -> memref<16x128xf32, #tpu.memory_space<vmem_shared>>
        %dma_start3A_51 = arith.constant 0 : i32
        %dma_start3A_52 = arith.constant 0 : i32
        %dma_start3A_53 = tpu.memref_slice %arg10[%dma_start3A_51, %dma_start3A_52] : memref<128x128xf32, #tpu.memory_space<vmem>> -> memref<16x128xf32, #tpu.memory_space<vmem>>
        tpu.enqueue_dma source(%dma_start3A_53 : memref<16x128xf32, #tpu.memory_space<vmem>>) target(%dma_start3A_50 : memref<16x128xf32, #tpu.memory_space<vmem_shared>>) target_semaphore(%run_scoped3A : memref<!tpu.dma_semaphore, #tpu.memory_space<semaphore_mem>>)
        %dma_wait3A = arith.constant 0 : i32
        %dma_wait3A_54 = arith.constant 0 : i32
        %dma_wait3A_55 = tpu.memref_slice %arg10[%dma_wait3A, %dma_wait3A_54] : memref<128x128xf32, #tpu.memory_space<vmem>> -> memref<16x128xf32, #tpu.memory_space<vmem>>
        %dma_wait3A_56 = arith.constant 0 : i32
        %dma_wait3A_57 = tpu.memref_slice %arg11[%add3A_43, %dma_wait3A_56] : memref<10240x128xf32, #tpu.memory_space<vmem_shared>> -> memref<16x128xf32, #tpu.memory_space<vmem_shared>>
        %dma_wait3A_58 = arith.constant 0 : i32
        %dma_wait3A_59 = tpu.memref_slice %arg11[%add3A_43, %dma_wait3A_58] : memref<10240x128xf32, #tpu.memory_space<vmem_shared>> -> memref<16x128xf32, #tpu.memory_space<vmem_shared>>
        %dma_wait3A_60 = arith.constant 0 : i32
        %dma_wait3A_61 = arith.constant 0 : i32
        %dma_wait3A_62 = tpu.memref_slice %arg10[%dma_wait3A_60, %dma_wait3A_61] : memref<128x128xf32, #tpu.memory_space<vmem>> -> memref<16x128xf32, #tpu.memory_space<vmem>>
        tpu.wait_dma2 semaphore(%run_scoped3A : memref<!tpu.dma_semaphore, #tpu.memory_space<semaphore_mem>>) src(%dma_wait3A_62 : memref<16x128xf32, #tpu.memory_space<vmem>>) dst(%dma_wait3A_59 : memref<16x128xf32, #tpu.memory_space<vmem_shared>>)
        tpu.yield
      }) : () -> ()
    }
    %scan3A_25 = arith.constant 40 : i32
    %barrier3A = arith.constant 0 : index
    tpu.barrier barrier_id(%barrier3A)
    %scan3A_26 = arith.constant 0 : i32
    %scan3A_27 = arith.constant 2 : i32
    %scan3A_28 = arith.addi %scan3A_26, %scan3A_27 : i32
    %scan3A_29 = arith.constant 1 : i32
    scf.for %scan3A_36 = %scan3A_26 to %scan3A_28 step %scan3A_29  : i32 {
      %mul3A_37 = arith.constant 40 : i32
      %mul3A_38 = arith.muli %scan3A_36, %mul3A_37 : i32
      %add3A_39 = arith.constant 0 : i32
      %add3A_40 = arith.addi %add3A_39, %mul3A_38 : i32
      %gt3A = arith.constant 0 : i32
      %gt3A_41 = arith.cmpi sgt, %add3A_40, %gt3A : i32
      %convert_element_type3A = arith.extui %gt3A_41 : i1 to i32
      %cond3A = arith.constant 0 : i32
      %cond3A_42 = arith.cmpi ne, %convert_element_type3A, %cond3A : i32
      scf.if %cond3A_42 {
        %add3A_48 = arith.addi %mul3A_2, %add3A_40 : i32
        "tpu.region"() ({
          %run_scoped3A = tpu.sem_alloc : memref<!tpu.dma_semaphore, #tpu.memory_space<semaphore_mem>>
          %dma_start3A_70 = arith.constant 0 : i32
          %dma_start3A_71 = tpu.memref_slice %arg3[%add3A_48, %dma_start3A_70] : memref<2560x128xi32, #tpu.memory_space<hbm>> -> memref<40x128xi32, #tpu.memory_space<hbm>>
          %dma_start3A_72 = arith.constant 0 : i32
          %dma_start3A_73 = tpu.memref_slice %arg3[%add3A_48, %dma_start3A_72] : memref<2560x128xi32, #tpu.memory_space<hbm>> -> memref<40x128xi32, #tpu.memory_space<hbm>>
          tpu.enqueue_dma source(%dma_start3A_73 : memref<40x128xi32, #tpu.memory_space<hbm>>) target(%arg7 : memref<40x128xi32, #tpu.memory_space<vmem>>) target_semaphore(%run_scoped3A : memref<!tpu.dma_semaphore, #tpu.memory_space<semaphore_mem>>)
          %dma_wait3A = arith.constant 0 : i32
          %dma_wait3A_74 = tpu.memref_slice %arg3[%add3A_48, %dma_wait3A] : memref<2560x128xi32, #tpu.memory_space<hbm>> -> memref<40x128xi32, #tpu.memory_space<hbm>>
          %dma_wait3A_75 = arith.constant 0 : i32
          %dma_wait3A_76 = tpu.memref_slice %arg3[%add3A_48, %dma_wait3A_75] : memref<2560x128xi32, #tpu.memory_space<hbm>> -> memref<40x128xi32, #tpu.memory_space<hbm>>
          tpu.wait_dma2 semaphore(%run_scoped3A : memref<!tpu.dma_semaphore, #tpu.memory_space<semaphore_mem>>) src(%dma_wait3A_76 : memref<40x128xi32, #tpu.memory_space<hbm>>) dst(%arg7 : memref<40x128xi32, #tpu.memory_space<vmem>>)
          tpu.yield
        }) : () -> ()
        %add3A_49 = arith.addi %mul3A_2, %add3A_40 : i32
        "tpu.region"() ({
          %run_scoped3A = tpu.sem_alloc : memref<!tpu.dma_semaphore, #tpu.memory_space<semaphore_mem>>
          %dma_start3A_70 = arith.constant 0 : i32
          %dma_start3A_71 = tpu.memref_slice %arg4[%add3A_49, %dma_start3A_70] : memref<2560x128xi32, #tpu.memory_space<hbm>> -> memref<40x128xi32, #tpu.memory_space<hbm>>
          %dma_start3A_72 = arith.constant 0 : i32
          %dma_start3A_73 = tpu.memref_slice %arg4[%add3A_49, %dma_start3A_72] : memref<2560x128xi32, #tpu.memory_space<hbm>> -> memref<40x128xi32, #tpu.memory_space<hbm>>
          tpu.enqueue_dma source(%dma_start3A_73 : memref<40x128xi32, #tpu.memory_space<hbm>>) target(%arg8 : memref<40x128xi32, #tpu.memory_space<vmem>>) target_semaphore(%run_scoped3A : memref<!tpu.dma_semaphore, #tpu.memory_space<semaphore_mem>>)
          %dma_wait3A = arith.constant 0 : i32
          %dma_wait3A_74 = tpu.memref_slice %arg4[%add3A_49, %dma_wait3A] : memref<2560x128xi32, #tpu.memory_space<hbm>> -> memref<40x128xi32, #tpu.memory_space<hbm>>
          %dma_wait3A_75 = arith.constant 0 : i32
          %dma_wait3A_76 = tpu.memref_slice %arg4[%add3A_49, %dma_wait3A_75] : memref<2560x128xi32, #tpu.memory_space<hbm>> -> memref<40x128xi32, #tpu.memory_space<hbm>>
          tpu.wait_dma2 semaphore(%run_scoped3A : memref<!tpu.dma_semaphore, #tpu.memory_space<semaphore_mem>>) src(%dma_wait3A_76 : memref<40x128xi32, #tpu.memory_space<hbm>>) dst(%arg8 : memref<40x128xi32, #tpu.memory_space<vmem>>)
          tpu.yield
        }) : () -> ()
        %dma_start3A_50 = arith.constant 0 : i32
        %dma_start3A_51 = arith.constant 0 : i32
        %dma_start3A_52 = arith.constant 0 : i32
        %dma_start3A_53 = tpu.memref_slice %arg9[%dma_start3A_51, %dma_start3A_52] : memref<128x128xf32, #tpu.memory_space<vmem>> -> memref<64x128xf32, #tpu.memory_space<vmem>>
        %dma_start3A_54 = arith.constant 0 : i32
        %dma_start3A_55 = tpu.memref_slice %arg7[%dma_start3A_50, %dma_start3A_54] : memref<40x128xi32, #tpu.memory_space<vmem>> -> memref<1x64xi32, #tpu.memory_space<vmem>>
        %dma_start3A_56 = tpu.memref_squeeze %dma_start3A_55 : memref<1x64xi32, #tpu.memory_space<vmem>> -> memref<64xi32, #tpu.memory_space<vmem>>
        %dma_start3A_57 = arith.constant 0 : i32
        %dma_start3A_58 = arith.constant 0 : i32
        %dma_start3A_59 = tpu.memref_slice %arg2[%dma_start3A_57, %dma_start3A_58] : memref<10000x128xf32, #tpu.memory_space<hbm>> -> memref<10000x128xf32, #tpu.memory_space<hbm>>
        tpu.enqueue_indirect_dma source(%dma_start3A_59 : memref<10000x128xf32, #tpu.memory_space<hbm>>) target(%dma_start3A_53 : memref<64x128xf32, #tpu.memory_space<vmem>>) offsets(%dma_start3A_56 : memref<64xi32, #tpu.memory_space<vmem>>) semaphore(%arg12 : memref<!tpu.dma_semaphore, #tpu.memory_space<semaphore_mem>>)
        %dma_start3A_60 = arith.constant 0 : i32
        %dma_start3A_61 = arith.constant 64 : i32
        %dma_start3A_62 = arith.constant 0 : i32
        %dma_start3A_63 = tpu.memref_slice %arg9[%dma_start3A_61, %dma_start3A_62] : memref<128x128xf32, #tpu.memory_space<vmem>> -> memref<64x128xf32, #tpu.memory_space<vmem>>
        %dma_start3A_64 = arith.constant 64 : i32
        %dma_start3A_65 = tpu.memref_slice %arg7[%dma_start3A_60, %dma_start3A_64] : memref<40x128xi32, #tpu.memory_space<vmem>> -> memref<1x64xi32, #tpu.memory_space<vmem>>
        %dma_start3A_66 = tpu.memref_squeeze %dma_start3A_65 : memref<1x64xi32, #tpu.memory_space<vmem>> -> memref<64xi32, #tpu.memory_space<vmem>>
        %dma_start3A_67 = arith.constant 0 : i32
        %dma_start3A_68 = arith.constant 0 : i32
        %dma_start3A_69 = tpu.memref_slice %arg2[%dma_start3A_67, %dma_start3A_68] : memref<10000x128xf32, #tpu.memory_space<hbm>> -> memref<10000x128xf32, #tpu.memory_space<hbm>>
        tpu.enqueue_indirect_dma source(%dma_start3A_69 : memref<10000x128xf32, #tpu.memory_space<hbm>>) target(%dma_start3A_63 : memref<64x128xf32, #tpu.memory_space<vmem>>) offsets(%dma_start3A_66 : memref<64xi32, #tpu.memory_space<vmem>>) semaphore(%arg14 : memref<!tpu.dma_semaphore, #tpu.memory_space<semaphore_mem>>)
      } else {
      }
      %scan3A_43 = arith.constant 0 : i32
      %scan3A_44 = arith.constant 20 : i32
      %scan3A_45 = arith.addi %scan3A_43, %scan3A_44 : i32
      %scan3A_46 = arith.constant 1 : i32
      scf.for %scan3A_48 = %scan3A_43 to %scan3A_45 step %scan3A_46  : i32 {
        %mul3A_49 = arith.constant 2 : i32
        %mul3A_50 = arith.muli %scan3A_48, %mul3A_49 : i32
        %add3A_51 = arith.constant 0 : i32
        %add3A_52 = arith.addi %add3A_51, %mul3A_50 : i32
        %dma_wait3A = arith.constant 0 : i32
        %dma_wait3A_53 = arith.constant 0 : i32
        %dma_wait3A_54 = tpu.memref_slice %arg9[%dma_wait3A, %dma_wait3A_53] : memref<128x128xf32, #tpu.memory_space<vmem>> -> memref<64x128xf32, #tpu.memory_space<vmem>>
        %dma_wait3A_55 = arith.constant 0 : i32
        %dma_wait3A_56 = tpu.memref_slice %arg7[%add3A_52, %dma_wait3A_55] : memref<40x128xi32, #tpu.memory_space<vmem>> -> memref<1x64xi32, #tpu.memory_space<vmem>>
        %dma_wait3A_57 = tpu.memref_squeeze %dma_wait3A_56 : memref<1x64xi32, #tpu.memory_space<vmem>> -> memref<64xi32, #tpu.memory_space<vmem>>
        %dma_wait3A_58 = arith.constant 0 : i32
        %dma_wait3A_59 = arith.constant 0 : i32
        %dma_wait3A_60 = tpu.memref_slice %arg2[%dma_wait3A_58, %dma_wait3A_59] : memref<10000x128xf32, #tpu.memory_space<hbm>> -> memref<10000x128xf32, #tpu.memory_space<hbm>>
        tpu.wait_indirect_dma semaphore(%arg12 : memref<!tpu.dma_semaphore, #tpu.memory_space<semaphore_mem>>) src(%dma_wait3A_60 : memref<10000x128xf32, #tpu.memory_space<hbm>>) dst(%dma_wait3A_54 : memref<64x128xf32, #tpu.memory_space<vmem>>)
        %dma_wait3A_61 = arith.constant 64 : i32
        %dma_wait3A_62 = arith.constant 0 : i32
        %dma_wait3A_63 = tpu.memref_slice %arg9[%dma_wait3A_61, %dma_wait3A_62] : memref<128x128xf32, #tpu.memory_space<vmem>> -> memref<64x128xf32, #tpu.memory_space<vmem>>
        %dma_wait3A_64 = arith.constant 64 : i32
        %dma_wait3A_65 = tpu.memref_slice %arg7[%add3A_52, %dma_wait3A_64] : memref<40x128xi32, #tpu.memory_space<vmem>> -> memref<1x64xi32, #tpu.memory_space<vmem>>
        %dma_wait3A_66 = tpu.memref_squeeze %dma_wait3A_65 : memref<1x64xi32, #tpu.memory_space<vmem>> -> memref<64xi32, #tpu.memory_space<vmem>>
        %dma_wait3A_67 = arith.constant 0 : i32
        %dma_wait3A_68 = arith.constant 0 : i32
        %dma_wait3A_69 = tpu.memref_slice %arg2[%dma_wait3A_67, %dma_wait3A_68] : memref<10000x128xf32, #tpu.memory_space<hbm>> -> memref<10000x128xf32, #tpu.memory_space<hbm>>
        tpu.wait_indirect_dma semaphore(%arg14 : memref<!tpu.dma_semaphore, #tpu.memory_space<semaphore_mem>>) src(%dma_wait3A_69 : memref<10000x128xf32, #tpu.memory_space<hbm>>) dst(%dma_wait3A_63 : memref<64x128xf32, #tpu.memory_space<vmem>>)
        %add3A_70 = arith.constant 1 : i32
        %add3A_71 = arith.addi %add3A_52, %add3A_70 : i32
        %dma_start3A_72 = arith.constant 0 : i32
        %dma_start3A_73 = arith.constant 0 : i32
        %dma_start3A_74 = tpu.memref_slice %arg10[%dma_start3A_72, %dma_start3A_73] : memref<128x128xf32, #tpu.memory_space<vmem>> -> memref<64x128xf32, #tpu.memory_space<vmem>>
        %dma_start3A_75 = arith.constant 0 : i32
        %dma_start3A_76 = tpu.memref_slice %arg7[%add3A_71, %dma_start3A_75] : memref<40x128xi32, #tpu.memory_space<vmem>> -> memref<1x64xi32, #tpu.memory_space<vmem>>
        %dma_start3A_77 = tpu.memref_squeeze %dma_start3A_76 : memref<1x64xi32, #tpu.memory_space<vmem>> -> memref<64xi32, #tpu.memory_space<vmem>>
        %dma_start3A_78 = arith.constant 0 : i32
        %dma_start3A_79 = arith.constant 0 : i32
        %dma_start3A_80 = tpu.memref_slice %arg2[%dma_start3A_78, %dma_start3A_79] : memref<10000x128xf32, #tpu.memory_space<hbm>> -> memref<10000x128xf32, #tpu.memory_space<hbm>>
        tpu.enqueue_indirect_dma source(%dma_start3A_80 : memref<10000x128xf32, #tpu.memory_space<hbm>>) target(%dma_start3A_74 : memref<64x128xf32, #tpu.memory_space<vmem>>) offsets(%dma_start3A_77 : memref<64xi32, #tpu.memory_space<vmem>>) semaphore(%arg13 : memref<!tpu.dma_semaphore, #tpu.memory_space<semaphore_mem>>)
        %dma_start3A_81 = arith.constant 64 : i32
        %dma_start3A_82 = arith.constant 0 : i32
        %dma_start3A_83 = tpu.memref_slice %arg10[%dma_start3A_81, %dma_start3A_82] : memref<128x128xf32, #tpu.memory_space<vmem>> -> memref<64x128xf32, #tpu.memory_space<vmem>>
        %dma_start3A_84 = arith.constant 64 : i32
        %dma_start3A_85 = tpu.memref_slice %arg7[%add3A_71, %dma_start3A_84] : memref<40x128xi32, #tpu.memory_space<vmem>> -> memref<1x64xi32, #tpu.memory_space<vmem>>
        %dma_start3A_86 = tpu.memref_squeeze %dma_start3A_85 : memref<1x64xi32, #tpu.memory_space<vmem>> -> memref<64xi32, #tpu.memory_space<vmem>>
        %dma_start3A_87 = arith.constant 0 : i32
        %dma_start3A_88 = arith.constant 0 : i32
        %dma_start3A_89 = tpu.memref_slice %arg2[%dma_start3A_87, %dma_start3A_88] : memref<10000x128xf32, #tpu.memory_space<hbm>> -> memref<10000x128xf32, #tpu.memory_space<hbm>>
        tpu.enqueue_indirect_dma source(%dma_start3A_89 : memref<10000x128xf32, #tpu.memory_space<hbm>>) target(%dma_start3A_83 : memref<64x128xf32, #tpu.memory_space<vmem>>) offsets(%dma_start3A_86 : memref<64xi32, #tpu.memory_space<vmem>>) semaphore(%arg15 : memref<!tpu.dma_semaphore, #tpu.memory_space<semaphore_mem>>)
        "tpu.region"() ({
          %run_scoped3A = tpu.sem_alloc : memref<!tpu.dma_semaphore, #tpu.memory_space<semaphore_mem>>
          %dma_start3A_118 = arith.constant 0 : i32
          %dma_start3A_119 = tpu.memref_slice %arg8[%add3A_52, %dma_start3A_118] : memref<40x128xi32, #tpu.memory_space<vmem>> -> memref<1x128xi32, #tpu.memory_space<vmem>>
          %dma_start3A_120 = tpu.memref_squeeze %dma_start3A_119 : memref<1x128xi32, #tpu.memory_space<vmem>> -> memref<128xi32, #tpu.memory_space<vmem>>
          %dma_start3A_121 = arith.constant 0 : i32
          %dma_start3A_122 = arith.constant 0 : i32
          %dma_start3A_123 = tpu.memref_slice %arg11[%dma_start3A_121, %dma_start3A_122] : memref<10240x128xf32, #tpu.memory_space<vmem_shared>> -> memref<10240x128xf32, #tpu.memory_space<vmem_shared>>
          tpu.enqueue_indirect_dma source(%arg9 : memref<128x128xf32, #tpu.memory_space<vmem>>) target(%dma_start3A_123 : memref<10240x128xf32, #tpu.memory_space<vmem_shared>>) offsets(%dma_start3A_120 : memref<128xi32, #tpu.memory_space<vmem>>) semaphore(%run_scoped3A : memref<!tpu.dma_semaphore, #tpu.memory_space<semaphore_mem>>) {add = true}
          %dma_wait3A_124 = arith.constant 0 : i32
          %dma_wait3A_125 = tpu.memref_slice %arg8[%add3A_52, %dma_wait3A_124] : memref<40x128xi32, #tpu.memory_space<vmem>> -> memref<1x128xi32, #tpu.memory_space<vmem>>
          %dma_wait3A_126 = tpu.memref_squeeze %dma_wait3A_125 : memref<1x128xi32, #tpu.memory_space<vmem>> -> memref<128xi32, #tpu.memory_space<vmem>>
          %dma_wait3A_127 = arith.constant 0 : i32
          %dma_wait3A_128 = arith.constant 0 : i32
          %dma_wait3A_129 = tpu.memref_slice %arg11[%dma_wait3A_127, %dma_wait3A_128] : memref<10240x128xf32, #tpu.memory_space<vmem_shared>> -> memref<10240x128xf32, #tpu.memory_space<vmem_shared>>
          tpu.wait_indirect_dma semaphore(%run_scoped3A : memref<!tpu.dma_semaphore, #tpu.memory_space<semaphore_mem>>) src(%arg9 : memref<128x128xf32, #tpu.memory_space<vmem>>) dst(%dma_wait3A_129 : memref<10240x128xf32, #tpu.memory_space<vmem_shared>>)
          tpu.yield
        }) : () -> ()
        %add3A_90 = arith.constant 1 : i32
        %add3A_91 = arith.addi %add3A_52, %add3A_90 : i32
        %dma_wait3A_92 = arith.constant 0 : i32
        %dma_wait3A_93 = arith.constant 0 : i32
        %dma_wait3A_94 = tpu.memref_slice %arg10[%dma_wait3A_92, %dma_wait3A_93] : memref<128x128xf32, #tpu.memory_space<vmem>> -> memref<64x128xf32, #tpu.memory_space<vmem>>
        %dma_wait3A_95 = arith.constant 0 : i32
        %dma_wait3A_96 = tpu.memref_slice %arg7[%add3A_91, %dma_wait3A_95] : memref<40x128xi32, #tpu.memory_space<vmem>> -> memref<1x64xi32, #tpu.memory_space<vmem>>
        %dma_wait3A_97 = tpu.memref_squeeze %dma_wait3A_96 : memref<1x64xi32, #tpu.memory_space<vmem>> -> memref<64xi32, #tpu.memory_space<vmem>>
        %dma_wait3A_98 = arith.constant 0 : i32
        %dma_wait3A_99 = arith.constant 0 : i32
        %dma_wait3A_100 = tpu.memref_slice %arg2[%dma_wait3A_98, %dma_wait3A_99] : memref<10000x128xf32, #tpu.memory_space<hbm>> -> memref<10000x128xf32, #tpu.memory_space<hbm>>
        tpu.wait_indirect_dma semaphore(%arg13 : memref<!tpu.dma_semaphore, #tpu.memory_space<semaphore_mem>>) src(%dma_wait3A_100 : memref<10000x128xf32, #tpu.memory_space<hbm>>) dst(%dma_wait3A_94 : memref<64x128xf32, #tpu.memory_space<vmem>>)
        %dma_wait3A_101 = arith.constant 64 : i32
        %dma_wait3A_102 = arith.constant 0 : i32
        %dma_wait3A_103 = tpu.memref_slice %arg10[%dma_wait3A_101, %dma_wait3A_102] : memref<128x128xf32, #tpu.memory_space<vmem>> -> memref<64x128xf32, #tpu.memory_space<vmem>>
        %dma_wait3A_104 = arith.constant 64 : i32
        %dma_wait3A_105 = tpu.memref_slice %arg7[%add3A_91, %dma_wait3A_104] : memref<40x128xi32, #tpu.memory_space<vmem>> -> memref<1x64xi32, #tpu.memory_space<vmem>>
        %dma_wait3A_106 = tpu.memref_squeeze %dma_wait3A_105 : memref<1x64xi32, #tpu.memory_space<vmem>> -> memref<64xi32, #tpu.memory_space<vmem>>
        %dma_wait3A_107 = arith.constant 0 : i32
        %dma_wait3A_108 = arith.constant 0 : i32
        %dma_wait3A_109 = tpu.memref_slice %arg2[%dma_wait3A_107, %dma_wait3A_108] : memref<10000x128xf32, #tpu.memory_space<hbm>> -> memref<10000x128xf32, #tpu.memory_space<hbm>>
        tpu.wait_indirect_dma semaphore(%arg15 : memref<!tpu.dma_semaphore, #tpu.memory_space<semaphore_mem>>) src(%dma_wait3A_109 : memref<10000x128xf32, #tpu.memory_space<hbm>>) dst(%dma_wait3A_103 : memref<64x128xf32, #tpu.memory_space<vmem>>)
        %add3A_110 = arith.constant 2 : i32
        %add3A_111 = arith.addi %add3A_52, %add3A_110 : i32
        %lt3A = arith.constant 40 : i32
        %lt3A_112 = arith.cmpi slt, %add3A_111, %lt3A : i32
        %convert_element_type3A_113 = arith.extui %lt3A_112 : i1 to i32
        %cond3A_114 = arith.constant 0 : i32
        %cond3A_115 = arith.cmpi ne, %convert_element_type3A_113, %cond3A_114 : i32
        scf.if %cond3A_115 {
          %add3A_118 = arith.constant 2 : i32
          %add3A_119 = arith.addi %add3A_52, %add3A_118 : i32
          %dma_start3A_120 = arith.constant 0 : i32
          %dma_start3A_121 = arith.constant 0 : i32
          %dma_start3A_122 = tpu.memref_slice %arg9[%dma_start3A_120, %dma_start3A_121] : memref<128x128xf32, #tpu.memory_space<vmem>> -> memref<64x128xf32, #tpu.memory_space<vmem>>
          %dma_start3A_123 = arith.constant 0 : i32
          %dma_start3A_124 = tpu.memref_slice %arg7[%add3A_119, %dma_start3A_123] : memref<40x128xi32, #tpu.memory_space<vmem>> -> memref<1x64xi32, #tpu.memory_space<vmem>>
          %dma_start3A_125 = tpu.memref_squeeze %dma_start3A_124 : memref<1x64xi32, #tpu.memory_space<vmem>> -> memref<64xi32, #tpu.memory_space<vmem>>
          %dma_start3A_126 = arith.constant 0 : i32
          %dma_start3A_127 = arith.constant 0 : i32
          %dma_start3A_128 = tpu.memref_slice %arg2[%dma_start3A_126, %dma_start3A_127] : memref<10000x128xf32, #tpu.memory_space<hbm>> -> memref<10000x128xf32, #tpu.memory_space<hbm>>
          tpu.enqueue_indirect_dma source(%dma_start3A_128 : memref<10000x128xf32, #tpu.memory_space<hbm>>) target(%dma_start3A_122 : memref<64x128xf32, #tpu.memory_space<vmem>>) offsets(%dma_start3A_125 : memref<64xi32, #tpu.memory_space<vmem>>) semaphore(%arg12 : memref<!tpu.dma_semaphore, #tpu.memory_space<semaphore_mem>>)
          %dma_start3A_129 = arith.constant 64 : i32
          %dma_start3A_130 = arith.constant 0 : i32
          %dma_start3A_131 = tpu.memref_slice %arg9[%dma_start3A_129, %dma_start3A_130] : memref<128x128xf32, #tpu.memory_space<vmem>> -> memref<64x128xf32, #tpu.memory_space<vmem>>
          %dma_start3A_132 = arith.constant 64 : i32
          %dma_start3A_133 = tpu.memref_slice %arg7[%add3A_119, %dma_start3A_132] : memref<40x128xi32, #tpu.memory_space<vmem>> -> memref<1x64xi32, #tpu.memory_space<vmem>>
          %dma_start3A_134 = tpu.memref_squeeze %dma_start3A_133 : memref<1x64xi32, #tpu.memory_space<vmem>> -> memref<64xi32, #tpu.memory_space<vmem>>
          %dma_start3A_135 = arith.constant 0 : i32
          %dma_start3A_136 = arith.constant 0 : i32
          %dma_start3A_137 = tpu.memref_slice %arg2[%dma_start3A_135, %dma_start3A_136] : memref<10000x128xf32, #tpu.memory_space<hbm>> -> memref<10000x128xf32, #tpu.memory_space<hbm>>
          tpu.enqueue_indirect_dma source(%dma_start3A_137 : memref<10000x128xf32, #tpu.memory_space<hbm>>) target(%dma_start3A_131 : memref<64x128xf32, #tpu.memory_space<vmem>>) offsets(%dma_start3A_134 : memref<64xi32, #tpu.memory_space<vmem>>) semaphore(%arg14 : memref<!tpu.dma_semaphore, #tpu.memory_space<semaphore_mem>>)
        } else {
        }
        %add3A_116 = arith.constant 1 : i32
        %add3A_117 = arith.addi %add3A_52, %add3A_116 : i32
        "tpu.region"() ({
          %run_scoped3A = tpu.sem_alloc : memref<!tpu.dma_semaphore, #tpu.memory_space<semaphore_mem>>
          %dma_start3A_118 = arith.constant 0 : i32
          %dma_start3A_119 = tpu.memref_slice %arg8[%add3A_117, %dma_start3A_118] : memref<40x128xi32, #tpu.memory_space<vmem>> -> memref<1x128xi32, #tpu.memory_space<vmem>>
          %dma_start3A_120 = tpu.memref_squeeze %dma_start3A_119 : memref<1x128xi32, #tpu.memory_space<vmem>> -> memref<128xi32, #tpu.memory_space<vmem>>
          %dma_start3A_121 = arith.constant 0 : i32
          %dma_start3A_122 = arith.constant 0 : i32
          %dma_start3A_123 = tpu.memref_slice %arg11[%dma_start3A_121, %dma_start3A_122] : memref<10240x128xf32, #tpu.memory_space<vmem_shared>> -> memref<10240x128xf32, #tpu.memory_space<vmem_shared>>
          tpu.enqueue_indirect_dma source(%arg10 : memref<128x128xf32, #tpu.memory_space<vmem>>) target(%dma_start3A_123 : memref<10240x128xf32, #tpu.memory_space<vmem_shared>>) offsets(%dma_start3A_120 : memref<128xi32, #tpu.memory_space<vmem>>) semaphore(%run_scoped3A : memref<!tpu.dma_semaphore, #tpu.memory_space<semaphore_mem>>) {add = true}
          %dma_wait3A_124 = arith.constant 0 : i32
          %dma_wait3A_125 = tpu.memref_slice %arg8[%add3A_117, %dma_wait3A_124] : memref<40x128xi32, #tpu.memory_space<vmem>> -> memref<1x128xi32, #tpu.memory_space<vmem>>
          %dma_wait3A_126 = tpu.memref_squeeze %dma_wait3A_125 : memref<1x128xi32, #tpu.memory_space<vmem>> -> memref<128xi32, #tpu.memory_space<vmem>>
          %dma_wait3A_127 = arith.constant 0 : i32
          %dma_wait3A_128 = arith.constant 0 : i32
          %dma_wait3A_129 = tpu.memref_slice %arg11[%dma_wait3A_127, %dma_wait3A_128] : memref<10240x128xf32, #tpu.memory_space<vmem_shared>> -> memref<10240x128xf32, #tpu.memory_space<vmem_shared>>
          tpu.wait_indirect_dma semaphore(%run_scoped3A : memref<!tpu.dma_semaphore, #tpu.memory_space<semaphore_mem>>) src(%arg10 : memref<128x128xf32, #tpu.memory_space<vmem>>) dst(%dma_wait3A_129 : memref<10240x128xf32, #tpu.memory_space<vmem_shared>>)
          tpu.yield
        }) : () -> ()
      }
      %scan3A_47 = arith.constant 20 : i32
    }
    %scan3A_30 = arith.constant 2 : i32
    %barrier3A_31 = arith.constant 0 : index
    tpu.barrier barrier_id(%barrier3A_31)
    %mul3A_32 = arith.constant 640 : i32
    %mul3A_33 = arith.muli %arg1, %mul3A_32 : i32
    %mul3A_34 = arith.constant 640 : i32
    %mul3A_35 = arith.muli %arg1, %mul3A_34 : i32
    "tpu.region"() ({
      %run_scoped3A = tpu.sem_alloc : memref<!tpu.dma_semaphore, #tpu.memory_space<semaphore_mem>>
      %dma_start3A_36 = arith.constant 0 : i32
      %dma_start3A_37 = tpu.memref_slice %arg6[%arg0, %mul3A_35, %dma_start3A_36] : memref<2x10240x128xf32, #tpu.memory_space<hbm>> -> memref<1x640x128xf32, #tpu.memory_space<hbm>>
      %dma_start3A_38 = tpu.memref_squeeze %dma_start3A_37 : memref<1x640x128xf32, #tpu.memory_space<hbm>> -> memref<640x128xf32, #tpu.memory_space<hbm>>
      %dma_start3A_39 = arith.constant 0 : i32
      %dma_start3A_40 = tpu.memref_slice %arg11[%mul3A_33, %dma_start3A_39] : memref<10240x128xf32, #tpu.memory_space<vmem_shared>> -> memref<640x128xf32, #tpu.memory_space<vmem_shared>>
      tpu.enqueue_dma source(%dma_start3A_40 : memref<640x128xf32, #tpu.memory_space<vmem_shared>>) target(%dma_start3A_38 : memref<640x128xf32, #tpu.memory_space<hbm>>) target_semaphore(%run_scoped3A : memref<!tpu.dma_semaphore, #tpu.memory_space<semaphore_mem>>)
      %dma_wait3A = arith.constant 0 : i32
      %dma_wait3A_41 = tpu.memref_slice %arg6[%arg0, %mul3A_35, %dma_wait3A] : memref<2x10240x128xf32, #tpu.memory_space<hbm>> -> memref<1x640x128xf32, #tpu.memory_space<hbm>>
      %dma_wait3A_42 = tpu.memref_squeeze %dma_wait3A_41 : memref<1x640x128xf32, #tpu.memory_space<hbm>> -> memref<640x128xf32, #tpu.memory_space<hbm>>
      %dma_wait3A_43 = arith.constant 0 : i32
      %dma_wait3A_44 = tpu.memref_slice %arg11[%mul3A_33, %dma_wait3A_43] : memref<10240x128xf32, #tpu.memory_space<vmem_shared>> -> memref<640x128xf32, #tpu.memory_space<vmem_shared>>
      tpu.wait_dma2 semaphore(%run_scoped3A : memref<!tpu.dma_semaphore, #tpu.memory_space<semaphore_mem>>) src(%dma_wait3A_44 : memref<640x128xf32, #tpu.memory_space<vmem_shared>>) dst(%dma_wait3A_42 : memref<640x128xf32, #tpu.memory_space<hbm>>)
      tpu.yield
    }) : () -> ()
    return
  }
}

module attributes {stable_mosaic.version = 14 : i64} {
  func.func @_prep_body(%arg0: memref<32x10240xf32, #tpu.memory_space<vmem>>, %arg1: memref<1x10240xf32, #tpu.memory_space<vmem>>) attributes {dimension_semantics = [], scalar_prefetch = 0 : i64, scratch_operands = 0 : i64, tpu.core_type = #tpu.core_type<tc>} {
    %get3A = arith.constant 0 : index
    %get3A_0 = arith.constant 0 : index
    %get3A_1 = vector.load %arg0[%get3A, %get3A_0] : memref<32x10240xf32, #tpu.memory_space<vmem>>, vector<32x10240xf32>
    %reduce_sum3A = arith.constant dense<0.000000e+00> : vector<10240xf32>
    %reduce_sum3A_2 = vector.multi_reduction <add>, %get3A_1, %reduce_sum3A [0] : vector<32x10240xf32> to vector<10240xf32>
    %broadcast_in_dim3A = vector.shape_cast %reduce_sum3A_2 : vector<10240xf32> to vector<1x10240xf32>
    %add3A = arith.constant 1.000000e+00 : f32
    %add3A_3 = vector.broadcast %add3A : f32 to vector<1x10240xf32>
    %add3A_4 = arith.addf %add3A_3, %broadcast_in_dim3A : vector<1x10240xf32>
    %rsqrt3A = math.rsqrt %add3A_4 : vector<1x10240xf32>
    %swap3A = arith.constant 0 : index
    %swap3A_5 = arith.constant 0 : index
    %swap3A_6 = vector.load %arg1[%swap3A, %swap3A_5] : memref<1x10240xf32, #tpu.memory_space<vmem>>, vector<1x10240xf32>
    tpu.vector_store %arg1[%swap3A, %swap3A_5], %rsqrt3A {strides = array<i32>} : memref<1x10240xf32, #tpu.memory_space<vmem>>, vector<1x10240xf32>,
    return
  }
}

module attributes {stable_mosaic.version = 14 : i64} {
  func.func @_mmscale_body(%arg0: i32, %arg1: memref<2000x1xf32, #tpu.memory_space<vmem>>, %arg2: memref<2000x128xf32, #tpu.memory_space<vmem>>, %arg3: memref<128x128xf32, #tpu.memory_space<vmem>>, %arg4: memref<2000x128xf32, #tpu.memory_space<vmem>>) attributes {dimension_semantics = [#tpu.dimension_semantics<arbitrary>], iteration_bounds = array<i64: 5>, scalar_prefetch = 0 : i64, scratch_operands = 0 : i64, tpu.core_type = #tpu.core_type<tc>, window_params = [{transform_indices = @transform_0, window_bounds = array<i64: 2000, 1>}, {transform_indices = @transform_1, window_bounds = array<i64: 2000, 128>}, {pipeline_mode = #tpu.pipeline_mode<synchronous>, transform_indices = @transform_2, window_bounds = array<i64: 128, 128>}, {transform_indices = @transform_3, window_bounds = array<i64: 2000, 128>}]} {
    %get3A = arith.constant 0 : index
    %get3A_0 = arith.constant 0 : index
    %get3A_1 = vector.load %arg1[%get3A, %get3A_0] : memref<2000x1xf32, #tpu.memory_space<vmem>>, vector<2000x1xf32>
    %get3A_2 = arith.constant 0 : index
    %get3A_3 = arith.constant 0 : index
    %get3A_4 = vector.load %arg2[%get3A_2, %get3A_3] : memref<2000x128xf32, #tpu.memory_space<vmem>>, vector<2000x128xf32>
    %get3A_5 = arith.constant 0 : index
    %get3A_6 = arith.constant 0 : index
    %get3A_7 = vector.load %arg3[%get3A_5, %get3A_6] : memref<128x128xf32, #tpu.memory_space<vmem>>, vector<128x128xf32>
    %dot_general3A = arith.constant dense<0.000000e+00> : vector<2000x128xf32>
    %dot_general3A_8 = tpu.matmul %get3A_4, %get3A_7, %dot_general3A {dimension_numbers = #tpu.dot_dimension_numbers<[1], [0], [0], [1], [0, 0, 1, 1], [], []>, precision = #tpu.contract_precision<fp32>, transpose_lhs_hint = false} : vector<2000x128xf32>, vector<128x128xf32>, vector<2000x128xf32> -> vector<2000x128xf32>
    %mul3A = vector.broadcast %get3A_1 : vector<2000x1xf32> to vector<2000x128xf32>
    %mul3A_9 = arith.mulf %mul3A, %dot_general3A_8 : vector<2000x128xf32>
    %swap3A = arith.constant 0 : index
    %swap3A_10 = arith.constant 0 : index
    %swap3A_11 = vector.load %arg4[%swap3A, %swap3A_10] : memref<2000x128xf32, #tpu.memory_space<vmem>>, vector<2000x128xf32>
    tpu.vector_store %arg4[%swap3A, %swap3A_10], %mul3A_9 {strides = array<i32>} : memref<2000x128xf32, #tpu.memory_space<vmem>>, vector<2000x128xf32>,
    return
  }
  func.func @transform_0(%arg0: i32) -> (i32, i32) {
    %c0_i32 = arith.constant 0 : i32
    %c0_i32_0 = arith.constant 0 : i32
    return %arg0, %c0_i32 : i32, i32
  }
  func.func @transform_1(%arg0: i32) -> (i32, i32) {
    %c0_i32 = arith.constant 0 : i32
    %c0_i32_0 = arith.constant 0 : i32
    return %arg0, %c0_i32 : i32, i32
  }
  func.func @transform_2(%arg0: i32) -> (i32, i32) {
    %c0_i32 = arith.constant 0 : i32
    %c0_i32_0 = arith.constant 0 : i32
    %c0_i32_1 = arith.constant 0 : i32
    return %c0_i32, %c0_i32_0 : i32, i32
  }
  func.func @transform_3(%arg0: i32) -> (i32, i32) {
    %c0_i32 = arith.constant 0 : i32
    %c0_i32_0 = arith.constant 0 : i32
    return %arg0, %c0_i32 : i32, i32
  }
}

module attributes {stable_mosaic.version = 14 : i64} {
  func.func @_postagg_body(%arg0: i32, %arg1: memref<2x2000x128xf32, #tpu.memory_space<vmem>>, %arg2: memref<2000x128xf32, #tpu.memory_space<vmem>>, %arg3: memref<2000x1xf32, #tpu.memory_space<vmem>>, %arg4: memref<1x128xf32, #tpu.memory_space<vmem>>, %arg5: memref<2000x128xf32, #tpu.memory_space<vmem>>, %arg6: memref<1x128xf32, #tpu.memory_space<vmem>>, %arg7: memref<1x128xf32, #tpu.memory_space<vmem>>) attributes {dimension_semantics = [#tpu.dimension_semantics<arbitrary>], iteration_bounds = array<i64: 5>, scalar_prefetch = 0 : i64, scratch_operands = 0 : i64, tpu.core_type = #tpu.core_type<tc>, window_params = [{transform_indices = @transform_0, window_bounds = array<i64: 2, 2000, 128>}, {transform_indices = @transform_1, window_bounds = array<i64: 2000, 128>}, {transform_indices = @transform_2, window_bounds = array<i64: 2000, 1>}, {pipeline_mode = #tpu.pipeline_mode<synchronous>, transform_indices = @transform_3, window_bounds = array<i64: 1, 128>}, {transform_indices = @transform_4, window_bounds = array<i64: 2000, 128>}, {pipeline_mode = #tpu.pipeline_mode<synchronous>, transform_indices = @transform_5, window_bounds = array<i64: 1, 128>}, {pipeline_mode = #tpu.pipeline_mode<synchronous>, transform_indices = @transform_6, window_bounds = array<i64: 1, 128>}]} {
    %get3A = arith.constant 0 : index
    %get3A_0 = arith.constant 0 : index
    %get3A_1 = arith.constant 0 : index
    %get3A_2 = vector.load %arg1[%get3A, %get3A_0, %get3A_1] : memref<2x2000x128xf32, #tpu.memory_space<vmem>>, vector<1x2000x128xf32>
    %get3A_3 = vector.shape_cast %get3A_2 : vector<1x2000x128xf32> to vector<2000x128xf32>
    %get3A_4 = arith.constant 1 : index
    %get3A_5 = arith.constant 0 : index
    %get3A_6 = arith.constant 0 : index
    %get3A_7 = vector.load %arg1[%get3A_4, %get3A_5, %get3A_6] : memref<2x2000x128xf32, #tpu.memory_space<vmem>>, vector<1x2000x128xf32>
    %get3A_8 = vector.shape_cast %get3A_7 : vector<1x2000x128xf32> to vector<2000x128xf32>
    %add3A = arith.addf %get3A_3, %get3A_8 : vector<2000x128xf32>
    %get3A_9 = arith.constant 0 : index
    %get3A_10 = arith.constant 0 : index
    %get3A_11 = vector.load %arg3[%get3A_9, %get3A_10] : memref<2000x1xf32, #tpu.memory_space<vmem>>, vector<2000x1xf32>
    %get3A_12 = arith.constant 0 : index
    %get3A_13 = arith.constant 0 : index
    %get3A_14 = vector.load %arg2[%get3A_12, %get3A_13] : memref<2000x128xf32, #tpu.memory_space<vmem>>, vector<2000x128xf32>
    %add3A_15 = arith.addf %add3A, %get3A_14 : vector<2000x128xf32>
    %mul3A = vector.broadcast %get3A_11 : vector<2000x1xf32> to vector<2000x128xf32>
    %mul3A_16 = arith.mulf %mul3A, %add3A_15 : vector<2000x128xf32>
    %get3A_17 = arith.constant 0 : index
    %get3A_18 = arith.constant 0 : index
    %get3A_19 = vector.load %arg4[%get3A_17, %get3A_18] : memref<1x128xf32, #tpu.memory_space<vmem>>, vector<1x128xf32>
    %add3A_20 = vector.broadcast %get3A_19 : vector<1x128xf32> to vector<2000x128xf32>
    %add3A_21 = arith.addf %mul3A_16, %add3A_20 : vector<2000x128xf32>
    %swap3A = arith.constant 0 : index
    %swap3A_22 = arith.constant 0 : index
    %swap3A_23 = vector.load %arg5[%swap3A, %swap3A_22] : memref<2000x128xf32, #tpu.memory_space<vmem>>, vector<2000x128xf32>
    tpu.vector_store %arg5[%swap3A, %swap3A_22], %add3A_21 {strides = array<i32>} : memref<2000x128xf32, #tpu.memory_space<vmem>>, vector<2000x128xf32>,
    %eq3A = arith.constant 0 : i32
    %eq3A_24 = arith.cmpi eq, %arg0, %eq3A : i32
    %convert_element_type3A = arith.extui %eq3A_24 : i1 to i32
    %cond3A = arith.constant 0 : i32
    %cond3A_25 = arith.cmpi ne, %convert_element_type3A, %cond3A : i32
    scf.if %cond3A_25 {
      %broadcast_in_dim3A_45 = arith.constant 0.000000e+00 : f32
      %broadcast_in_dim3A_46 = vector.broadcast %broadcast_in_dim3A_45 : f32 to vector<1x128xf32>
      %swap3A_47 = arith.constant 0 : index
      %swap3A_48 = arith.constant 0 : index
      %swap3A_49 = vector.load %arg6[%swap3A_47, %swap3A_48] : memref<1x128xf32, #tpu.memory_space<vmem>>, vector<1x128xf32>
      tpu.vector_store %arg6[%swap3A_47, %swap3A_48], %broadcast_in_dim3A_46 {strides = array<i32>} : memref<1x128xf32, #tpu.memory_space<vmem>>, vector<1x128xf32>,
      %broadcast_in_dim3A_50 = arith.constant 0.000000e+00 : f32
      %broadcast_in_dim3A_51 = vector.broadcast %broadcast_in_dim3A_50 : f32 to vector<1x128xf32>
      %swap3A_52 = arith.constant 0 : index
      %swap3A_53 = arith.constant 0 : index
      %swap3A_54 = vector.load %arg7[%swap3A_52, %swap3A_53] : memref<1x128xf32, #tpu.memory_space<vmem>>, vector<1x128xf32>
      tpu.vector_store %arg7[%swap3A_52, %swap3A_53], %broadcast_in_dim3A_51 {strides = array<i32>} : memref<1x128xf32, #tpu.memory_space<vmem>>, vector<1x128xf32>,
    } else {
    }
    %get3A_26 = arith.constant 0 : index
    %get3A_27 = arith.constant 0 : index
    %get3A_28 = vector.load %arg6[%get3A_26, %get3A_27] : memref<1x128xf32, #tpu.memory_space<vmem>>, vector<1x128xf32>
    %reduce_sum3A = arith.constant dense<0.000000e+00> : vector<128xf32>
    %reduce_sum3A_29 = vector.multi_reduction <add>, %add3A_21, %reduce_sum3A [0] : vector<2000x128xf32> to vector<128xf32>
    %broadcast_in_dim3A = vector.shape_cast %reduce_sum3A_29 : vector<128xf32> to vector<1x128xf32>
    %add3A_30 = arith.addf %get3A_28, %broadcast_in_dim3A : vector<1x128xf32>
    %swap3A_31 = arith.constant 0 : index
    %swap3A_32 = arith.constant 0 : index
    %swap3A_33 = vector.load %arg6[%swap3A_31, %swap3A_32] : memref<1x128xf32, #tpu.memory_space<vmem>>, vector<1x128xf32>
    tpu.vector_store %arg6[%swap3A_31, %swap3A_32], %add3A_30 {strides = array<i32>} : memref<1x128xf32, #tpu.memory_space<vmem>>, vector<1x128xf32>,
    %get3A_34 = arith.constant 0 : index
    %get3A_35 = arith.constant 0 : index
    %get3A_36 = vector.load %arg7[%get3A_34, %get3A_35] : memref<1x128xf32, #tpu.memory_space<vmem>>, vector<1x128xf32>
    %mul3A_37 = arith.mulf %add3A_21, %add3A_21 : vector<2000x128xf32>
    %reduce_sum3A_38 = arith.constant dense<0.000000e+00> : vector<128xf32>
    %reduce_sum3A_39 = vector.multi_reduction <add>, %mul3A_37, %reduce_sum3A_38 [0] : vector<2000x128xf32> to vector<128xf32>
    %broadcast_in_dim3A_40 = vector.shape_cast %reduce_sum3A_39 : vector<128xf32> to vector<1x128xf32>
    %add3A_41 = arith.addf %get3A_36, %broadcast_in_dim3A_40 : vector<1x128xf32>
    %swap3A_42 = arith.constant 0 : index
    %swap3A_43 = arith.constant 0 : index
    %swap3A_44 = vector.load %arg7[%swap3A_42, %swap3A_43] : memref<1x128xf32, #tpu.memory_space<vmem>>, vector<1x128xf32>
    tpu.vector_store %arg7[%swap3A_42, %swap3A_43], %add3A_41 {strides = array<i32>} : memref<1x128xf32, #tpu.memory_space<vmem>>, vector<1x128xf32>,
    return
  }
  func.func @transform_0(%arg0: i32) -> (i32, i32, i32) {
    %c0_i32 = arith.constant 0 : i32
    %c0_i32_0 = arith.constant 0 : i32
    %c0_i32_1 = arith.constant 0 : i32
    return %c0_i32, %arg0, %c0_i32_0 : i32, i32, i32
  }
  func.func @transform_1(%arg0: i32) -> (i32, i32) {
    %c0_i32 = arith.constant 0 : i32
    %c0_i32_0 = arith.constant 0 : i32
    return %arg0, %c0_i32 : i32, i32
  }
  func.func @transform_2(%arg0: i32) -> (i32, i32) {
    %c0_i32 = arith.constant 0 : i32
    %c0_i32_0 = arith.constant 0 : i32
    return %arg0, %c0_i32 : i32, i32
  }
  func.func @transform_3(%arg0: i32) -> (i32, i32) {
    %c0_i32 = arith.constant 0 : i32
    %c0_i32_0 = arith.constant 0 : i32
    %c0_i32_1 = arith.constant 0 : i32
    return %c0_i32, %c0_i32_0 : i32, i32
  }
  func.func @transform_4(%arg0: i32) -> (i32, i32) {
    %c0_i32 = arith.constant 0 : i32
    %c0_i32_0 = arith.constant 0 : i32
    return %arg0, %c0_i32 : i32, i32
  }
  func.func @transform_5(%arg0: i32) -> (i32, i32) {
    %c0_i32 = arith.constant 0 : i32
    %c0_i32_0 = arith.constant 0 : i32
    %c0_i32_1 = arith.constant 0 : i32
    return %c0_i32, %c0_i32_0 : i32, i32
  }
  func.func @transform_6(%arg0: i32) -> (i32, i32) {
    %c0_i32 = arith.constant 0 : i32
    %c0_i32_0 = arith.constant 0 : i32
    %c0_i32_1 = arith.constant 0 : i32
    return %c0_i32, %c0_i32_0 : i32, i32
  }
}

module attributes {stable_mosaic.version = 14 : i64} {
  func.func @_bnmm_body(%arg0: i32, %arg1: memref<2000x128xf32, #tpu.memory_space<vmem>>, %arg2: memref<1x128xf32, #tpu.memory_space<vmem>>, %arg3: memref<1x128xf32, #tpu.memory_space<vmem>>, %arg4: memref<1x128xf32, #tpu.memory_space<vmem>>, %arg5: memref<1x128xf32, #tpu.memory_space<vmem>>, %arg6: memref<2000x1xf32, #tpu.memory_space<vmem>>, %arg7: memref<128x128xf32, #tpu.memory_space<vmem>>, %arg8: memref<2000x128xf32, #tpu.memory_space<vmem>>) attributes {dimension_semantics = [#tpu.dimension_semantics<arbitrary>], iteration_bounds = array<i64: 5>, scalar_prefetch = 0 : i64, scratch_operands = 0 : i64, tpu.core_type = #tpu.core_type<tc>, window_params = [{transform_indices = @transform_0, window_bounds = array<i64: 2000, 128>}, {pipeline_mode = #tpu.pipeline_mode<synchronous>, transform_indices = @transform_1, window_bounds = array<i64: 1, 128>}, {pipeline_mode = #tpu.pipeline_mode<synchronous>, transform_indices = @transform_2, window_bounds = array<i64: 1, 128>}, {pipeline_mode = #tpu.pipeline_mode<synchronous>, transform_indices = @transform_3, window_bounds = array<i64: 1, 128>}, {pipeline_mode = #tpu.pipeline_mode<synchronous>, transform_indices = @transform_4, window_bounds = array<i64: 1, 128>}, {transform_indices = @transform_5, window_bounds = array<i64: 2000, 1>}, {pipeline_mode = #tpu.pipeline_mode<synchronous>, transform_indices = @transform_6, window_bounds = array<i64: 128, 128>}, {transform_indices = @transform_7, window_bounds = array<i64: 2000, 128>}]} {
    %get3A = arith.constant 0 : index
    %get3A_0 = arith.constant 0 : index
    %get3A_1 = vector.load %arg2[%get3A, %get3A_0] : memref<1x128xf32, #tpu.memory_space<vmem>>, vector<1x128xf32>
    %mul3A = arith.constant 9.99999974E-5 : f32
    %mul3A_2 = vector.broadcast %mul3A : f32 to vector<1x128xf32>
    %mul3A_3 = arith.mulf %get3A_1, %mul3A_2 : vector<1x128xf32>
    %get3A_4 = arith.constant 0 : index
    %get3A_5 = arith.constant 0 : index
    %get3A_6 = vector.load %arg3[%get3A_4, %get3A_5] : memref<1x128xf32, #tpu.memory_space<vmem>>, vector<1x128xf32>
    %mul3A_7 = arith.constant 9.99999974E-5 : f32
    %mul3A_8 = vector.broadcast %mul3A_7 : f32 to vector<1x128xf32>
    %mul3A_9 = arith.mulf %get3A_6, %mul3A_8 : vector<1x128xf32>
    %mul3A_10 = arith.mulf %mul3A_3, %mul3A_3 : vector<1x128xf32>
    %sub3A = arith.subf %mul3A_9, %mul3A_10 : vector<1x128xf32>
    %get3A_11 = arith.constant 0 : index
    %get3A_12 = arith.constant 0 : index
    %get3A_13 = vector.load %arg4[%get3A_11, %get3A_12] : memref<1x128xf32, #tpu.memory_space<vmem>>, vector<1x128xf32>
    %add3A = arith.constant 9.99999974E-6 : f32
    %add3A_14 = vector.broadcast %add3A : f32 to vector<1x128xf32>
    %add3A_15 = arith.addf %sub3A, %add3A_14 : vector<1x128xf32>
    %rsqrt3A = math.rsqrt %add3A_15 : vector<1x128xf32>
    %mul3A_16 = arith.mulf %get3A_13, %rsqrt3A : vector<1x128xf32>
    %get3A_17 = arith.constant 0 : index
    %get3A_18 = arith.constant 0 : index
    %get3A_19 = vector.load %arg1[%get3A_17, %get3A_18] : memref<2000x128xf32, #tpu.memory_space<vmem>>, vector<2000x128xf32>
    %sub3A_20 = vector.broadcast %mul3A_3 : vector<1x128xf32> to vector<2000x128xf32>
    %sub3A_21 = arith.subf %get3A_19, %sub3A_20 : vector<2000x128xf32>
    %mul3A_22 = vector.broadcast %mul3A_16 : vector<1x128xf32> to vector<2000x128xf32>
    %mul3A_23 = arith.mulf %sub3A_21, %mul3A_22 : vector<2000x128xf32>
    %get3A_24 = arith.constant 0 : index
    %get3A_25 = arith.constant 0 : index
    %get3A_26 = vector.load %arg5[%get3A_24, %get3A_25] : memref<1x128xf32, #tpu.memory_space<vmem>>, vector<1x128xf32>
    %add3A_27 = vector.broadcast %get3A_26 : vector<1x128xf32> to vector<2000x128xf32>
    %add3A_28 = arith.addf %mul3A_23, %add3A_27 : vector<2000x128xf32>
    %max3A = arith.constant 0.000000e+00 : f32
    %max3A_29 = vector.broadcast %max3A : f32 to vector<2000x128xf32>
    %max3A_30 = arith.maximumf %add3A_28, %max3A_29 : vector<2000x128xf32>
    %get3A_31 = arith.constant 0 : index
    %get3A_32 = arith.constant 0 : index
    %get3A_33 = vector.load %arg6[%get3A_31, %get3A_32] : memref<2000x1xf32, #tpu.memory_space<vmem>>, vector<2000x1xf32>
    %get3A_34 = arith.constant 0 : index
    %get3A_35 = arith.constant 0 : index
    %get3A_36 = vector.load %arg7[%get3A_34, %get3A_35] : memref<128x128xf32, #tpu.memory_space<vmem>>, vector<128x128xf32>
    %dot_general3A = arith.constant dense<0.000000e+00> : vector<2000x128xf32>
    %dot_general3A_37 = tpu.matmul %max3A_30, %get3A_36, %dot_general3A {dimension_numbers = #tpu.dot_dimension_numbers<[1], [0], [0], [1], [0, 0, 1, 1], [], []>, precision = #tpu.contract_precision<fp32>, transpose_lhs_hint = false} : vector<2000x128xf32>, vector<128x128xf32>, vector<2000x128xf32> -> vector<2000x128xf32>
    %mul3A_38 = vector.broadcast %get3A_33 : vector<2000x1xf32> to vector<2000x128xf32>
    %mul3A_39 = arith.mulf %mul3A_38, %dot_general3A_37 : vector<2000x128xf32>
    %swap3A = arith.constant 0 : index
    %swap3A_40 = arith.constant 0 : index
    %swap3A_41 = vector.load %arg8[%swap3A, %swap3A_40] : memref<2000x128xf32, #tpu.memory_space<vmem>>, vector<2000x128xf32>
    tpu.vector_store %arg8[%swap3A, %swap3A_40], %mul3A_39 {strides = array<i32>} : memref<2000x128xf32, #tpu.memory_space<vmem>>, vector<2000x128xf32>,
    return
  }
  func.func @transform_0(%arg0: i32) -> (i32, i32) {
    %c0_i32 = arith.constant 0 : i32
    %c0_i32_0 = arith.constant 0 : i32
    return %arg0, %c0_i32 : i32, i32
  }
  func.func @transform_1(%arg0: i32) -> (i32, i32) {
    %c0_i32 = arith.constant 0 : i32
    %c0_i32_0 = arith.constant 0 : i32
    %c0_i32_1 = arith.constant 0 : i32
    return %c0_i32, %c0_i32_0 : i32, i32
  }
  func.func @transform_2(%arg0: i32) -> (i32, i32) {
    %c0_i32 = arith.constant 0 : i32
    %c0_i32_0 = arith.constant 0 : i32
    %c0_i32_1 = arith.constant 0 : i32
    return %c0_i32, %c0_i32_0 : i32, i32
  }
  func.func @transform_3(%arg0: i32) -> (i32, i32) {
    %c0_i32 = arith.constant 0 : i32
    %c0_i32_0 = arith.constant 0 : i32
    %c0_i32_1 = arith.constant 0 : i32
    return %c0_i32, %c0_i32_0 : i32, i32
  }
  func.func @transform_4(%arg0: i32) -> (i32, i32) {
    %c0_i32 = arith.constant 0 : i32
    %c0_i32_0 = arith.constant 0 : i32
    %c0_i32_1 = arith.constant 0 : i32
    return %c0_i32, %c0_i32_0 : i32, i32
  }
  func.func @transform_5(%arg0: i32) -> (i32, i32) {
    %c0_i32 = arith.constant 0 : i32
    %c0_i32_0 = arith.constant 0 : i32
    return %arg0, %c0_i32 : i32, i32
  }
  func.func @transform_6(%arg0: i32) -> (i32, i32) {
    %c0_i32 = arith.constant 0 : i32
    %c0_i32_0 = arith.constant 0 : i32
    %c0_i32_1 = arith.constant 0 : i32
    return %c0_i32, %c0_i32_0 : i32, i32
  }
  func.func @transform_7(%arg0: i32) -> (i32, i32) {
    %c0_i32 = arith.constant 0 : i32
    %c0_i32_0 = arith.constant 0 : i32
    return %arg0, %c0_i32 : i32, i32
  }
}

module attributes {stable_mosaic.version = 14 : i64} {
  func.func @_bn_body(%arg0: i32, %arg1: memref<2000x128xf32, #tpu.memory_space<vmem>>, %arg2: memref<1x128xf32, #tpu.memory_space<vmem>>, %arg3: memref<1x128xf32, #tpu.memory_space<vmem>>, %arg4: memref<1x128xf32, #tpu.memory_space<vmem>>, %arg5: memref<1x128xf32, #tpu.memory_space<vmem>>, %arg6: memref<2000x1xf32, #tpu.memory_space<vmem>>, %arg7: memref<2000x128xf32, #tpu.memory_space<vmem>>) attributes {dimension_semantics = [#tpu.dimension_semantics<arbitrary>], iteration_bounds = array<i64: 5>, scalar_prefetch = 0 : i64, scratch_operands = 0 : i64, tpu.core_type = #tpu.core_type<tc>, window_params = [{transform_indices = @transform_0, window_bounds = array<i64: 2000, 128>}, {pipeline_mode = #tpu.pipeline_mode<synchronous>, transform_indices = @transform_1, window_bounds = array<i64: 1, 128>}, {pipeline_mode = #tpu.pipeline_mode<synchronous>, transform_indices = @transform_2, window_bounds = array<i64: 1, 128>}, {pipeline_mode = #tpu.pipeline_mode<synchronous>, transform_indices = @transform_3, window_bounds = array<i64: 1, 128>}, {pipeline_mode = #tpu.pipeline_mode<synchronous>, transform_indices = @transform_4, window_bounds = array<i64: 1, 128>}, {transform_indices = @transform_5, window_bounds = array<i64: 2000, 1>}, {transform_indices = @transform_6, window_bounds = array<i64: 2000, 128>}]} {
    %get3A = arith.constant 0 : index
    %get3A_0 = arith.constant 0 : index
    %get3A_1 = vector.load %arg6[%get3A, %get3A_0] : memref<2000x1xf32, #tpu.memory_space<vmem>>, vector<2000x1xf32>
    %get3A_2 = arith.constant 0 : index
    %get3A_3 = arith.constant 0 : index
    %get3A_4 = vector.load %arg2[%get3A_2, %get3A_3] : memref<1x128xf32, #tpu.memory_space<vmem>>, vector<1x128xf32>
    %mul3A = arith.constant 9.99999974E-5 : f32
    %mul3A_5 = vector.broadcast %mul3A : f32 to vector<1x128xf32>
    %mul3A_6 = arith.mulf %get3A_4, %mul3A_5 : vector<1x128xf32>
    %get3A_7 = arith.constant 0 : index
    %get3A_8 = arith.constant 0 : index
    %get3A_9 = vector.load %arg3[%get3A_7, %get3A_8] : memref<1x128xf32, #tpu.memory_space<vmem>>, vector<1x128xf32>
    %mul3A_10 = arith.constant 9.99999974E-5 : f32
    %mul3A_11 = vector.broadcast %mul3A_10 : f32 to vector<1x128xf32>
    %mul3A_12 = arith.mulf %get3A_9, %mul3A_11 : vector<1x128xf32>
    %mul3A_13 = arith.mulf %mul3A_6, %mul3A_6 : vector<1x128xf32>
    %sub3A = arith.subf %mul3A_12, %mul3A_13 : vector<1x128xf32>
    %get3A_14 = arith.constant 0 : index
    %get3A_15 = arith.constant 0 : index
    %get3A_16 = vector.load %arg4[%get3A_14, %get3A_15] : memref<1x128xf32, #tpu.memory_space<vmem>>, vector<1x128xf32>
    %add3A = arith.constant 9.99999974E-6 : f32
    %add3A_17 = vector.broadcast %add3A : f32 to vector<1x128xf32>
    %add3A_18 = arith.addf %sub3A, %add3A_17 : vector<1x128xf32>
    %rsqrt3A = math.rsqrt %add3A_18 : vector<1x128xf32>
    %mul3A_19 = arith.mulf %get3A_16, %rsqrt3A : vector<1x128xf32>
    %get3A_20 = arith.constant 0 : index
    %get3A_21 = arith.constant 0 : index
    %get3A_22 = vector.load %arg1[%get3A_20, %get3A_21] : memref<2000x128xf32, #tpu.memory_space<vmem>>, vector<2000x128xf32>
    %sub3A_23 = vector.broadcast %mul3A_6 : vector<1x128xf32> to vector<2000x128xf32>
    %sub3A_24 = arith.subf %get3A_22, %sub3A_23 : vector<2000x128xf32>
    %mul3A_25 = vector.broadcast %mul3A_19 : vector<1x128xf32> to vector<2000x128xf32>
    %mul3A_26 = arith.mulf %sub3A_24, %mul3A_25 : vector<2000x128xf32>
    %get3A_27 = arith.constant 0 : index
    %get3A_28 = arith.constant 0 : index
    %get3A_29 = vector.load %arg5[%get3A_27, %get3A_28] : memref<1x128xf32, #tpu.memory_space<vmem>>, vector<1x128xf32>
    %add3A_30 = vector.broadcast %get3A_29 : vector<1x128xf32> to vector<2000x128xf32>
    %add3A_31 = arith.addf %mul3A_26, %add3A_30 : vector<2000x128xf32>
    %max3A = arith.constant 0.000000e+00 : f32
    %max3A_32 = vector.broadcast %max3A : f32 to vector<2000x128xf32>
    %max3A_33 = arith.maximumf %add3A_31, %max3A_32 : vector<2000x128xf32>
    %mul3A_34 = vector.broadcast %get3A_1 : vector<2000x1xf32> to vector<2000x128xf32>
    %mul3A_35 = arith.mulf %mul3A_34, %max3A_33 : vector<2000x128xf32>
    %swap3A = arith.constant 0 : index
    %swap3A_36 = arith.constant 0 : index
    %swap3A_37 = vector.load %arg7[%swap3A, %swap3A_36] : memref<2000x128xf32, #tpu.memory_space<vmem>>, vector<2000x128xf32>
    tpu.vector_store %arg7[%swap3A, %swap3A_36], %mul3A_35 {strides = array<i32>} : memref<2000x128xf32, #tpu.memory_space<vmem>>, vector<2000x128xf32>,
    return
  }
  func.func @transform_0(%arg0: i32) -> (i32, i32) {
    %c0_i32 = arith.constant 0 : i32
    %c0_i32_0 = arith.constant 0 : i32
    return %arg0, %c0_i32 : i32, i32
  }
  func.func @transform_1(%arg0: i32) -> (i32, i32) {
    %c0_i32 = arith.constant 0 : i32
    %c0_i32_0 = arith.constant 0 : i32
    %c0_i32_1 = arith.constant 0 : i32
    return %c0_i32, %c0_i32_0 : i32, i32
  }
  func.func @transform_2(%arg0: i32) -> (i32, i32) {
    %c0_i32 = arith.constant 0 : i32
    %c0_i32_0 = arith.constant 0 : i32
    %c0_i32_1 = arith.constant 0 : i32
    return %c0_i32, %c0_i32_0 : i32, i32
  }
  func.func @transform_3(%arg0: i32) -> (i32, i32) {
    %c0_i32 = arith.constant 0 : i32
    %c0_i32_0 = arith.constant 0 : i32
    %c0_i32_1 = arith.constant 0 : i32
    return %c0_i32, %c0_i32_0 : i32, i32
  }
  func.func @transform_4(%arg0: i32) -> (i32, i32) {
    %c0_i32 = arith.constant 0 : i32
    %c0_i32_0 = arith.constant 0 : i32
    %c0_i32_1 = arith.constant 0 : i32
    return %c0_i32, %c0_i32_0 : i32, i32
  }
  func.func @transform_5(%arg0: i32) -> (i32, i32) {
    %c0_i32 = arith.constant 0 : i32
    %c0_i32_0 = arith.constant 0 : i32
    return %arg0, %c0_i32 : i32, i32
  }
  func.func @transform_6(%arg0: i32) -> (i32, i32) {
    %c0_i32 = arith.constant 0 : i32
    %c0_i32_0 = arith.constant 0 : i32
    return %arg0, %c0_i32 : i32, i32
  }
}

module attributes {stable_mosaic.version = 14 : i64} {
  func.func @_final_body(%arg0: i32, %arg1: memref<2x2000x128xf32, #tpu.memory_space<vmem>>, %arg2: memref<2000x128xf32, #tpu.memory_space<vmem>>, %arg3: memref<2000x1xf32, #tpu.memory_space<vmem>>, %arg4: memref<128x40xf32, #tpu.memory_space<vmem>>, %arg5: memref<1x40xf32, #tpu.memory_space<vmem>>, %arg6: memref<2000x40xf32, #tpu.memory_space<vmem>>) attributes {dimension_semantics = [#tpu.dimension_semantics<arbitrary>], iteration_bounds = array<i64: 5>, scalar_prefetch = 0 : i64, scratch_operands = 0 : i64, tpu.core_type = #tpu.core_type<tc>, window_params = [{transform_indices = @transform_0, window_bounds = array<i64: 2, 2000, 128>}, {transform_indices = @transform_1, window_bounds = array<i64: 2000, 128>}, {transform_indices = @transform_2, window_bounds = array<i64: 2000, 1>}, {pipeline_mode = #tpu.pipeline_mode<synchronous>, transform_indices = @transform_3, window_bounds = array<i64: 128, 40>}, {pipeline_mode = #tpu.pipeline_mode<synchronous>, transform_indices = @transform_4, window_bounds = array<i64: 1, 40>}, {transform_indices = @transform_5, window_bounds = array<i64: 2000, 40>}]} {
    %get3A = arith.constant 0 : index
    %get3A_0 = arith.constant 0 : index
    %get3A_1 = vector.load %arg3[%get3A, %get3A_0] : memref<2000x1xf32, #tpu.memory_space<vmem>>, vector<2000x1xf32>
    %get3A_2 = arith.constant 0 : index
    %get3A_3 = arith.constant 0 : index
    %get3A_4 = arith.constant 0 : index
    %get3A_5 = vector.load %arg1[%get3A_2, %get3A_3, %get3A_4] : memref<2x2000x128xf32, #tpu.memory_space<vmem>>, vector<1x2000x128xf32>
    %get3A_6 = vector.shape_cast %get3A_5 : vector<1x2000x128xf32> to vector<2000x128xf32>
    %get3A_7 = arith.constant 1 : index
    %get3A_8 = arith.constant 0 : index
    %get3A_9 = arith.constant 0 : index
    %get3A_10 = vector.load %arg1[%get3A_7, %get3A_8, %get3A_9] : memref<2x2000x128xf32, #tpu.memory_space<vmem>>, vector<1x2000x128xf32>
    %get3A_11 = vector.shape_cast %get3A_10 : vector<1x2000x128xf32> to vector<2000x128xf32>
    %add3A = arith.addf %get3A_6, %get3A_11 : vector<2000x128xf32>
    %get3A_12 = arith.constant 0 : index
    %get3A_13 = arith.constant 0 : index
    %get3A_14 = vector.load %arg2[%get3A_12, %get3A_13] : memref<2000x128xf32, #tpu.memory_space<vmem>>, vector<2000x128xf32>
    %add3A_15 = arith.addf %add3A, %get3A_14 : vector<2000x128xf32>
    %mul3A = vector.broadcast %get3A_1 : vector<2000x1xf32> to vector<2000x128xf32>
    %mul3A_16 = arith.mulf %mul3A, %add3A_15 : vector<2000x128xf32>
    %get3A_17 = arith.constant 0 : index
    %get3A_18 = arith.constant 0 : index
    %get3A_19 = vector.load %arg4[%get3A_17, %get3A_18] : memref<128x40xf32, #tpu.memory_space<vmem>>, vector<128x40xf32>
    %dot_general3A = arith.constant dense<0.000000e+00> : vector<2000x40xf32>
    %dot_general3A_20 = tpu.matmul %mul3A_16, %get3A_19, %dot_general3A {dimension_numbers = #tpu.dot_dimension_numbers<[1], [0], [0], [1], [0, 0, 1, 1], [], []>, precision = #tpu.contract_precision<fp32>, transpose_lhs_hint = false} : vector<2000x128xf32>, vector<128x40xf32>, vector<2000x40xf32> -> vector<2000x40xf32>
    %get3A_21 = arith.constant 0 : index
    %get3A_22 = arith.constant 0 : index
    %get3A_23 = vector.load %arg5[%get3A_21, %get3A_22] : memref<1x40xf32, #tpu.memory_space<vmem>>, vector<1x40xf32>
    %add3A_24 = vector.broadcast %get3A_23 : vector<1x40xf32> to vector<2000x40xf32>
    %add3A_25 = arith.addf %dot_general3A_20, %add3A_24 : vector<2000x40xf32>
    %reduce_max3A = arith.constant dense<0xFF800000> : vector<2000xf32>
    %reduce_max3A_26 = vector.multi_reduction <maximumf>, %add3A_25, %reduce_max3A [1] : vector<2000x40xf32> to vector<2000xf32>
    %broadcast_in_dim3A = vector.shape_cast %reduce_max3A_26 : vector<2000xf32> to vector<2000x1xf32>
    %sub3A = vector.broadcast %broadcast_in_dim3A : vector<2000x1xf32> to vector<2000x40xf32>
    %sub3A_27 = arith.subf %add3A_25, %sub3A : vector<2000x40xf32>
    %exp3A = math.exp %sub3A_27 : vector<2000x40xf32>
    %reduce_sum3A = arith.constant dense<0.000000e+00> : vector<2000xf32>
    %reduce_sum3A_28 = vector.multi_reduction <add>, %exp3A, %reduce_sum3A [1] : vector<2000x40xf32> to vector<2000xf32>
    %broadcast_in_dim3A_29 = vector.shape_cast %reduce_sum3A_28 : vector<2000xf32> to vector<2000x1xf32>
    %log3A = math.log %broadcast_in_dim3A_29 : vector<2000x1xf32>
    %sub3A_30 = vector.broadcast %log3A : vector<2000x1xf32> to vector<2000x40xf32>
    %sub3A_31 = arith.subf %sub3A_27, %sub3A_30 : vector<2000x40xf32>
    %swap3A = arith.constant 0 : index
    %swap3A_32 = arith.constant 0 : index
    %swap3A_33 = vector.load %arg6[%swap3A, %swap3A_32] : memref<2000x40xf32, #tpu.memory_space<vmem>>, vector<2000x40xf32>
    tpu.vector_store %arg6[%swap3A, %swap3A_32], %sub3A_31 {strides = array<i32>} : memref<2000x40xf32, #tpu.memory_space<vmem>>, vector<2000x40xf32>,
    return
  }
  func.func @transform_0(%arg0: i32) -> (i32, i32, i32) {
    %c0_i32 = arith.constant 0 : i32
    %c0_i32_0 = arith.constant 0 : i32
    %c0_i32_1 = arith.constant 0 : i32
    return %c0_i32, %arg0, %c0_i32_0 : i32, i32, i32
  }
  func.func @transform_1(%arg0: i32) -> (i32, i32) {
    %c0_i32 = arith.constant 0 : i32
    %c0_i32_0 = arith.constant 0 : i32
    return %arg0, %c0_i32 : i32, i32
  }
  func.func @transform_2(%arg0: i32) -> (i32, i32) {
    %c0_i32 = arith.constant 0 : i32
    %c0_i32_0 = arith.constant 0 : i32
    return %arg0, %c0_i32 : i32, i32
  }
  func.func @transform_3(%arg0: i32) -> (i32, i32) {
    %c0_i32 = arith.constant 0 : i32
    %c0_i32_0 = arith.constant 0 : i32
    %c0_i32_1 = arith.constant 0 : i32
    return %c0_i32, %c0_i32_0 : i32, i32
  }
  func.func @transform_4(%arg0: i32) -> (i32, i32) {
    %c0_i32 = arith.constant 0 : i32
    %c0_i32_0 = arith.constant 0 : i32
    %c0_i32_1 = arith.constant 0 : i32
    return %c0_i32, %c0_i32_0 : i32, i32
  }
  func.func @transform_5(%arg0: i32) -> (i32, i32) {
    %c0_i32 = arith.constant 0 : i32
    %c0_i32_0 = arith.constant 0 : i32
    return %arg0, %c0_i32 : i32, i32
  }
}

</mosaic_0001>

<sc_bundles>
// kernel: kernel.13.cloned.1.call-start
scs
__scs_entry_jumppad:
0x0: {  	(pc) =	sbr.rel $0x88, $3  }
0x1: {  	(tag) =	ssettag $0x0;
	lr =	simm.s32 $0x1  }
0x2: {  	[smem:$0x3F95] =	sst lr;
	_ =	strace $0xD0000000  }
0x3: {  	_ = 	snop  }
0x4: {  	_ = 	snop  }
0x5: {  	_ = 	snop  }
0x6: {  	_ = 	snop  }
0x7: {  	_ = 	snop  }
__scs_overlays_trampoline_lowered:
0x8: {  	[smem:$0x3FA4] =	sst s0  }
0x9: {  	[smem:$0x3FA5] =	sst s1  }
0xa: {  	[smem:$0x3FA6] =	sst s2  }
0xb: {  	[smem:$0x3FA7] =	sst s3  }
0xc: {  	[smem:$0x3FA8] =	sst s4  }
0xd: {  	[smem:$0x3FA9] =	sst s5  }
0xe: {  	[smem:$0x3FAA] =	sst s6  }
0xf: {  	[smem:$0x3FAB] =	sst s7  }
0x10: {  	[smem:$0x3FAC] =	sst s8  }
0x11: {  	[smem:$0x3FAD] =	sst s9;
	s0 =	simm.s32 @!p0 $0x0  }
0x12: {  	s1 =	sld [smem:$0x3F93];
	s0 =	simm.s32 @p0 $0x1  }
0x13: {  	[smem:$0x3FAE] =	sst s0;
	s0 =	simm.s32 @!p1 $0x0  }
0x14: {  	s2 =	sld [smem:$0x3F92];
	s0 =	simm.s32 @p1 $0x1  }
0x15: {  	[smem:$0x3FAF] =	sst s0;
	s0 =	simm.s32 @!p2 $0x0  }
0x16: {  	s3 =	sld [smem:$0x3FDB];
	s0 =	simm.s32 @p2 $0x1  }
0x17: {  	s4 =	simm.s32 $0x1BF5;
	[smem:$0x3FB1] =	sst s0  }
0x18: {  	s0 =	sld [smem:$0x3F94];
	_ =	swait.ge [sflag:s4], $0x0  }
0x19: {  	s7 =	sld [smem:$0x3F95]  }
0x1a: {  	s8 =	sadd.s32 $0xFFFFE003, lr  }
0x1b: {  	s9 =	sadd.s32 $0xFFFFFEF7, lr;
	s5 =	simm.s32 $0xFFFFFFFF;
	p2 =	slt.u32 s8, $0xFFFFF086  }
0x1c: {  	p1 =	slt.u32 s9, $0xF7A;
	s5 =	simm.s32 @!p2 $0x0  }
0x1d: {  	s5 =	simm.s32 @p1 $0x1;
	p0 =	seq.s32 s7, s2  }
0x1e: {  	s7 =	smul.u32 @!p0 $0xF7A, s2;
	p2 =	seq.s32 @!p0 s5, $0x0  }
0x1f: {  	s9 =	smul.u32 $0xF7A, s1;
	s8 =	simm.s32 @!p0 $0x1BF5;
	p2 =	por !p2, p0  }
0x20: {  	[sflag:s8] =	ssyncset.s32 @!p0 $0xFFFFF086;
	s6 =	sadd.s32 @!p0 s3, s7;
	s7 =	simm.s32 @!p0 $0x108  }
0x21: {  	s3 =	sadd.s32 s3, s9;
	s6 =	sadd.s32 @!p0 $0x88, s6;
	s7 =	simm.s32 @p2 $0x1082  }
0x22: {  	[simem:s7], [sflag:s8] =	dma.local @!p0 [hbm:s6], $0xF7A  }
0x23: {  	s9 =	sor.u32 $0xD0000000, s2;
	s6 =	simm.s32 $0x108;
	_ =	swait.ge @!p0 [sflag:s8], $0x0  }
0x24: {  	s3 =	sadd.s32 $0x88, s3;
	s6 =	simm.s32 @!p1 $0x1082;
	[sflag:s4] =	ssyncset.s32 $0xFFFFF086  }
0x25: {  	[simem:s6], [sflag:s4] =	dma.local [hbm:s3], $0xF7A  }
0x26: {  	[smem:$0x3F95] =	sst s1;
	(tag) =	ssettag s2;
	_ =	strace s9  }
0x27: {  	s1 =	sld [smem:$0x3FA5]  }
0x28: {  	s2 =	sld [smem:$0x3FA6]  }
0x29: {  	s4 =	sld [smem:$0x3FA8]  }
0x2a: {  	p0 =	seq.s32 s5, $0x0;
	s5 =	sld [smem:$0x3FA9]  }
0x2b: {  	s6 =	sld [smem:$0x3FAA]  }
0x2c: {  	s7 =	sld [smem:$0x3FAB]  }
0x2d: {  	s3 =	simm.s32 $0x108;
	s8 =	sld [smem:$0x3FAC]  }
0x2e: {  	s3 =	simm.s32 @!p0 $0x1082;
	s9 =	sld [smem:$0x3FAD]  }
0x2f: {  	lr =	sadd.s32 s0, s3;
	s0 =	sld [smem:$0x3FA4]  }
0x30: {  	s3 =	sld [smem:$0x3FA7]  }
0x31: {  	[smem:$0x3FB0] =	sst s10  }
0x32: {  	s10 =	sld [smem:$0x3FAE];
	_ =	sdelay $0x3  }
0x33: {  	p0 =	seq.s32 s10, $0x1;
	s10 =	sld [smem:$0x3FB0];
	_ =	sdelay $0x3  }
0x34: {  	[smem:$0x3FB0] =	sst s10  }
0x35: {  	s10 =	sld [smem:$0x3FAF];
	_ =	sdelay $0x3  }
0x36: {  	p1 =	seq.s32 s10, $0x1;
	s10 =	sld [smem:$0x3FB0];
	_ =	sdelay $0x3  }
0x37: {  	[smem:$0x3FB0] =	sst s10  }
0x38: {  	s10 =	sld [smem:$0x3FB1]  }
0x39: {  	_ = 	snop;
	(pc) =	sbr.ind lr, $3  }
0x3a: {  	_ = 	snop  }
0x3b: {  	_ = 	snop  }
0x3c: {  	p2 =	seq.s32 s10, $0x1;
	s10 =	sld [smem:$0x3FB0]  }
0x3d: {  	_ =	shalt  }
0x3e: {  	_ =	shalt  }
0x3f: {  	_ =	shalt  }
0x40: {  	_ =	shalt  }
0x41: {  	_ =	shalt  }
0x42: {  	_ =	shalt  }
0x43: {  	_ =	shalt  }
0x44: {  	_ =	shalt  }
0x45: {  	_ =	shalt  }
0x46: {  	_ =	shalt  }
0x47: {  	_ =	shalt  }
0x48: {  	_ =	shalt  }
0x49: {  	_ =	shalt  }
0x4a: {  	_ =	shalt  }
0x4b: {  	_ =	shalt  }
0x4c: {  	_ =	shalt  }
0x4d: {  	_ =	shalt  }
0x4e: {  	_ =	shalt  }
0x4f: {  	_ =	shalt  }
0x50: {  	_ =	shalt  }
0x51: {  	_ =	shalt  }
0x52: {  	_ =	shalt  }
0x53: {  	_ =	shalt  }
0x54: {  	_ =	shalt  }
0x55: {  	_ =	shalt  }
0x56: {  	_ =	shalt  }
0x57: {  	_ =	shalt  }
0x58: {  	_ =	shalt  }
0x59: {  	_ =	shalt  }
0x5a: {  	_ =	shalt  }
0x5b: {  	_ =	shalt  }
0x5c: {  	_ =	shalt  }
0x5d: {  	_ =	shalt  }
0x5e: {  	_ =	shalt  }
0x5f: {  	_ =	shalt  }
0x60: {  	_ =	shalt  }
0x61: {  	_ =	shalt  }
0x62: {  	_ =	shalt  }
0x63: {  	_ =	shalt  }
0x64: {  	_ =	shalt  }
0x65: {  	_ =	shalt  }
0x66: {  	_ =	shalt  }
0x67: {  	_ =	shalt  }
0x68: {  	_ =	shalt  }
0x69: {  	_ =	shalt  }
0x6a: {  	_ =	shalt  }
0x6b: {  	_ =	shalt  }
0x6c: {  	_ =	shalt  }
0x6d: {  	_ =	shalt  }
0x6e: {  	_ =	shalt  }
0x6f: {  	_ =	shalt  }
0x70: {  	_ =	shalt  }
0x71: {  	_ =	shalt  }
0x72: {  	_ =	shalt  }
0x73: {  	_ =	shalt  }
0x74: {  	_ =	shalt  }
0x75: {  	_ =	shalt  }
0x76: {  	_ =	shalt  }
0x77: {  	_ =	shalt  }
0x78: {  	_ =	shalt  }
0x79: {  	_ =	shalt  }
0x7a: {  	_ =	shalt  }
0x7b: {  	_ =	shalt  }
0x7c: {  	_ =	shalt  }
0x7d: {  	_ =	shalt  }
0x7e: {  	_ =	shalt  }
0x7f: {  	_ =	shalt  }
0x80: {  	_ =	shalt  }
0x81: {  	_ =	shalt  }
0x82: {  	_ =	shalt  }
0x83: {  	_ =	shalt  }
0x84: {  	_ =	shalt  }
0x85: {  	_ =	shalt  }
0x86: {  	_ =	shalt  }
0x87: {  	_ =	shalt  }
.Lfunc_end0:
.L_simem_size_0:
called_computation_lowered:
.L_overlay_start_0:
0x88: {  	s2 =	sld [smem:$0x3FD9]  }
0x89: {  	s3 =	sld [smem:$0x3FFE];
	_ =	sdelay $0x1  }
0x8a: {  	s1 =	srdreg.scid  }
0x8b: {  	s0 =	sand.u32 $0x1, s1  }
0x8c: {  	s17 =	sshll.u32 s0, $0xA;
	s2 =	sadd.s32 s3, s2  }
0x8d: {  	s2 =	sadd.s32 s2, s17  }
0x8e: {  	[smem:$0x3FBC] =	sst s2  }
0x8f: {  	_ = 	snop  }
0x90: {  	s2 =	sld [smem:$0x3FD0];
	(tm) =	ssettm $0x1  }
0x91: {  	s18 =	sld [smem:$0x3FFB];
	_ =	sdelay $0x3  }
0x92: {  	_ =	strace s18  }
0x93: {  	s3 =	sld [smem:$0x3FFC];
	_ =	sdelay $0x3  }
0x94: {  	_ =	strace s3  }
0x95: {  	s3 =	sld [smem:$0x3FFD];
	_ =	sdelay $0x3  }
0x96: {  	_ =	strace s3  }
0x97: {  	_ =	strace $0x8FFFFFFF  }
0x98: {  	s19 =	sld [smem:$0x3FDB];
	_ =	sdelay $0x1  }
0x99: {  	s4 =	simm.s32 $_scs_section_size  }
0x9a: {  	s5 =	simm.s32 $_size__tile_overlayer_lowered;
	s6 =	simm.s32 $_tile_overlayer_lowered  }
0x9b: {  	s22 =	simm.s32 $0x1BFF;
	s21 =	sshll.u32 s6, $0x1;
	s3 =	sadd.s32 s4, s19  }
0x9c: {  	s7 =	simm.s32 $0x0;
	s20 =	sshll.u32 s5, $0x1;
	s5 =	sadd.s32 s21, s3  }
0x9d: {  	[timem:s7], [sflag:s22] =	dma.local [hbm:s5], s20  }
0x9e: {  	_ =	swait.ge [sflag:s22], s20  }
0x9f: {  	s4 =	ssub.s32 $0x0, s20;
	[sflag:s22] =	ssyncset.done $0x0  }
0xa0: {  	[sflag:s22] =	ssyncadd.s32 s4;
	_ =	sdelay $0x1  }
0xa1: {  	s23 =	simm.s32 $0x1B8B  }
0xa2: {  	_ =	swait.ge [sflag:s23], $0x1  }
0xa3: {  	[sflag:s23] =	ssyncset.done $0x0  }
0xa4: {  	s25 =	simm.s32 $0x1B8E;
	s24 =	sld [smem:$0x3FFE];
	[sflag:s23] =	ssyncadd.s32 $0xFFFFFFFF  }
0xa5: {  	s26 =	simm.s32 $execute0_lowered;
	[smem:$0x3FD2] =	sst s25  }
0xa6: {  	s5 =	sshll.u32 s26, $0x1;
	_ =	strace $0x80000046;
	[dreg:$0x1] =	wrdreg $0xFFFFFFFF  }
0xa7: {  	s28 =	simm.s32 $_size_execute0_lowered;
	s3 =	sadd.s32 s3, s5;
	[dreg:$0x0] =	wrdreg $0x0  }
0xa8: {  	s5 =	sshll.u32 s28, $0x1;
	[dreg:$0x2] =	wrdreg s3  }
0xa9: {  	[dreg:$0x3] =	wrdreg s5  }
0xaa: {  	[dreg:$0x4] =	wrdreg $0xC0  }
0xab: {  	_ =	task [dreg:s7], $0x5FFFF  }
0xac: {  	[dreg:$0x1] =	wrdreg $0xFFFFFFFF  }
0xad: {  	[dreg:$0x0] =	wrdreg $0x60  }
0xae: {  	[dreg:$0x2] =	wrdreg s2  }
0xaf: {  	[dreg:$0x3] =	wrdreg s24  }
0xb0: {  	[dreg:$0x4] =	wrdreg $0x9  }
0xb1: {  	_ =	task.clear_ibuf [dreg:s7], $0x5FFFF;
	_ =	strace $0x90000046  }
0xb2: {  	s29 =	simm.s32 $0x9;
	_ =	strace $0x80000048  }
0xb3: {  	_ =	swait.ge [sflag:s29], $0x1  }
0xb4: {  	[sflag:s29] =	ssyncadd.s32 $0xFFFFFFFF  }
0xb5: {  	_ =	strace $0x90000048  }
0xb6: {  	_ =	sfence  }
0xb7: {  	s30 =	sld [smem:$0x0];
	_ =	sdelay $0x2  }
0xb8: {  	s31 =	sshll.u32 s1, $0xD;
	s1 =	sshrl.u32 s1, $0x2  }
0xb9: {  	s3 =	sand.u32 $0x4000, s31;
	s1 =	sadd.s32 s1, s30  }
0xba: {  	s0 =	sor.u32 s3, s0;
	s1 =	sshll.u32 s1, $0x11  }
0xbb: {  	s0 =	sor.u32 s1, s0  }
0xbc: {  	s0 =	sadd.s32 $0x8F2B, s0  }
0xbd: {  	[sflag:s0] =	ssyncadd.remote.s32 $0x1  }
0xbe: {  	_ =	sfence.sel $0xFFFF  }
0xbf: {  	[dreg:$0x0] =	wrdreg $0xFFFFFFFF;
	(pc) =	sbr.abs _section_cstart, $3  }
0xc0: {  	[dreg:$0x1] =	wrdreg $0xFFFFFFFF  }
0xc1: {  	_ =	task.clear_ibuf [dreg:s7], $0x2FFFF;
	_ =	strace $0x9FFFFFFF  }
0xc2: {  	(tm) =	ssettm $0x7FFFFFFF  }
0xc3: {  	_ =	shalt  }
tec
execute0_lowered:
.L_overlay_start_1:
0x0: {  	(tag) =	ssettag $0x1  }
0x1: {  	s3 =	rddreg [dreg:$0x0];
	s1 =	srdreg.scid  }
0x2: {  	s0 =	stileid.u32;
	s6 =	rddreg [dreg:$0x1];
	s8 =	simm.s32 $0x1  }
0x3: {  	s9 =	simm.s32 $0x2800;
	s10 =	simm.s32 $0x0;
	s4 =	sand.u32 $0x1, s1  }
0x4: {  	s29 =	sshrl.u32 s0, $0x2;
	s2 =	sshll.u32 s0, $0x8;
	s1 =	rddreg [dreg:$0x2]  }
0x5: {  	s5 =	smul.u32 $0x14000, s29;
	s30 =	sshll.u32 s4, $0x7;
	s2 =	sand.u32 $0x300, s2  }
0x6: {  	s4 =	ssub.s32 $0x2, s4;
	s7 =	sor.u32 s30, s2;
	s2 =	simm.s32 $0x0  }
0x7: {  	s31 =	sshrl.u32 s4, $0x1;
	s5 =	sor.u32 s5, s7;
	[smem:$0x7FF] =	sst s2  }
0x8: {  	s7 =	ssub.s32 s4, s31;
	s5 =	sshrl.u32 s5, $0x3;
	_ =	strace $0x80000047  }
0x9: {  	s6 =	sadd.s32 s5, s6;
	s3 =	sadd.s32 s3, s5;
	s5 =	smax.u32 s7, $0x1  }
0xa: {  	v0 =	vimm.f32 $0.0e+00;
	v1 =	vimm.f32 $1.000000000e+00;
	s7 =	simm.s32 $0x400;
	s4 =	sadd.s32 $0x3C00, s6;
	s6 =	simm.s32 $0x80  }
.LBB2_1:
0xb: {  	[tilespmem:s2], [sflag:$0x1] =	stream.strided.gather [hbm4b:s3+s6], $0x2800, s7, s6, $0x38;
	[tilespmem:$0x5000] =	vst v63  }
0xc: {  	_ =	swait.ge [sflag:s8], $0x2800  }
0xd: {  	[sflag:s8] =	ssyncset.done $0x0  }
0xe: {  	s11 =	simm.s32 $0x0;
	[sflag:s8] =	ssyncadd.s32 $0xFFFFD800  }
.LBB2_2:
0xf: {  	p0 =	sne.s32 s11, $0x9FC0  }
.Ltmp0:
0x10: {  	_ = 	snop;
	(pc) =	sbr.rel @p0 .LBB2_2-.Ltmp0, $3  }
0x11: {  	_ =	sdelay $0x1  }
0x12: {  	s12 =	sshra.s32 s11, $0x2  }
0x13: {  	s11 =	sadd.s32 $0x40, s11;
	[tilespmem:s12+$0x2800] =	vst v0  }
0x14: {  	s12 =	simm.s32 $0x0;
	s11 =	simm.s32 $0x40  }
.LBB2_4:
0x15: {  	p0 =	sne.s32 s11, $0x9FC0;
	v2 =	vld [tilespmem:s12+$0x0];
	_ =	sdelay $0x3  }
.Ltmp1:
0x16: {  	(pc) =	sbr.rel @p0 .LBB2_4-.Ltmp1, $2  }
0x17: {  	_ =	sdelay $0x2  }
0x18: {  	s12 =	sshra.s32 s11, $0x2;
	s11 =	sadd.s32 $0x40, s11;
	[tilespmem:v2+s9+$0x0] =	vst.idx.add.f32.msk $0xffff, v1  }
0x19: {  	v2 =	vld [tilespmem:s12+$0x0];
	_ =	sdelay $0x5  }
0x1a: {  	s10 =	sadd.s32 $0x1, s10  }
0x1b: {  	p0 =	sne.s32 s10, s5  }
.Ltmp2:
0x1c: {  	[tilespmem:v2+s9+$0x0] =	vst.idx.add.f32.msk $0xffff, v1;
	(pc) =	sbr.rel @p0 .LBB2_1-.Ltmp2, $4  }
0x1d: {  	[hbm4b:s4+s6] =	stream.strided.scatter [tilespmem:s9], [sflag:$0x1], $0x2800, s7, s6, $0x38;
	[tilespmem:$0x5000] =	vst v63  }
0x1e: {  	_ =	swait.ge [sflag:s8], $0x2800  }
0x1f: {  	[sflag:s8] =	ssyncset.done $0x0  }
0x20: {  	[sflag:s8] =	ssyncadd.s32 $0xFFFFD800  }
0x21: {  	_ =	sfence.sel $0x180000  }
0x22: {  	[bflag:$0x0] =	sbarrier.arrive $0xFFFF  }
0x23: {  	p0 =	sne.s32 s0, $0x0;
	_ =	strace $0x90000047  }
0x24: {  	s0 =	sadd.s32 @!p0 $0x100000, s1;
	[bflag:$0x2] =	sbarrier.arrive $0xFFFF  }
0x25: {  	[sflag:s0] =	ssyncadd.tile.s32 @!p0 $0x1;
	_ =	shalt  }
.Lfunc_end2:
_tile_overlayer_lowered:
.L_overlay_start_2:
0x26: {  	(tag) =	ssettag $0x2  }
0x27: {  	s0 =	rddreg [dreg:$0x0];
	s2 =	stileid.u32  }
0x28: {  	s1 =	rddreg [dreg:$0x1];
	p0 =	sne.s32 s2, $0x0  }
0x29: {  	s3 =	rddreg [dreg:$0x2];
	[bflag:$0x3] =	sbarrier.arrive $0xFFFF;
	s2 =	simm.s32 @!p0 $0x1C01  }
0x2a: {  	[timem:s3], [sflag:s2] =	dma.local @!p0 [hbm:s0], s1  }
0x2b: {  	s0 =	simm.s32 @!p0 $0x1  }
0x2c: {  	_ =	swait.ge @!p0 [sflag:s0], s1  }
0x2d: {  	s1 =	ssub.s32 @!p0 $0x0, s1;
	[sflag:s0] =	ssyncset.done @!p0 $0x0  }
0x2e: {  	[sflag:s0] =	ssyncadd.s32 @!p0 s1  }
0x2f: {  	[bflag:$0x3] =	sbarrier.arrive $0xFFFF  }
0x30: {  	_ =	shalt  }

// kernel: kernel.16.cloned.1.call-start
scs
__scs_entry_jumppad:
0x0: {  	(pc) =	sbr.rel $0x88, $3  }
0x1: {  	(tag) =	ssettag $0x0;
	lr =	simm.s32 $0x1  }
0x2: {  	[smem:$0x3F95] =	sst lr;
	_ =	strace $0xD0000000  }
0x3: {  	_ = 	snop  }
0x4: {  	_ = 	snop  }
0x5: {  	_ = 	snop  }
0x6: {  	_ = 	snop  }
0x7: {  	_ = 	snop  }
__scs_overlays_trampoline_lowered:
0x8: {  	[smem:$0x3FA4] =	sst s0  }
0x9: {  	[smem:$0x3FA5] =	sst s1  }
0xa: {  	[smem:$0x3FA6] =	sst s2  }
0xb: {  	[smem:$0x3FA7] =	sst s3  }
0xc: {  	[smem:$0x3FA8] =	sst s4  }
0xd: {  	[smem:$0x3FA9] =	sst s5  }
0xe: {  	[smem:$0x3FAA] =	sst s6  }
0xf: {  	[smem:$0x3FAB] =	sst s7  }
0x10: {  	[smem:$0x3FAC] =	sst s8  }
0x11: {  	[smem:$0x3FAD] =	sst s9;
	s0 =	simm.s32 @!p0 $0x0  }
0x12: {  	s1 =	sld [smem:$0x3F93];
	s0 =	simm.s32 @p0 $0x1  }
0x13: {  	[smem:$0x3FAE] =	sst s0;
	s0 =	simm.s32 @!p1 $0x0  }
0x14: {  	s2 =	sld [smem:$0x3F92];
	s0 =	simm.s32 @p1 $0x1  }
0x15: {  	[smem:$0x3FAF] =	sst s0;
	s0 =	simm.s32 @!p2 $0x0  }
0x16: {  	s3 =	sld [smem:$0x3FDB];
	s0 =	simm.s32 @p2 $0x1  }
0x17: {  	s4 =	simm.s32 $0x1BF5;
	[smem:$0x3FB1] =	sst s0  }
0x18: {  	s0 =	sld [smem:$0x3F94];
	_ =	swait.ge [sflag:s4], $0x0  }
0x19: {  	s7 =	sld [smem:$0x3F95]  }
0x1a: {  	s8 =	sadd.s32 $0xFFFFE003, lr  }
0x1b: {  	s9 =	sadd.s32 $0xFFFFFEF7, lr;
	s5 =	simm.s32 $0xFFFFFFFF;
	p2 =	slt.u32 s8, $0xFFFFF086  }
0x1c: {  	p1 =	slt.u32 s9, $0xF7A;
	s5 =	simm.s32 @!p2 $0x0  }
0x1d: {  	s5 =	simm.s32 @p1 $0x1;
	p0 =	seq.s32 s7, s2  }
0x1e: {  	s7 =	smul.u32 @!p0 $0xF7A, s2;
	p2 =	seq.s32 @!p0 s5, $0x0  }
0x1f: {  	s9 =	smul.u32 $0xF7A, s1;
	s8 =	simm.s32 @!p0 $0x1BF5;
	p2 =	por !p2, p0  }
0x20: {  	[sflag:s8] =	ssyncset.s32 @!p0 $0xFFFFF086;
	s6 =	sadd.s32 @!p0 s3, s7;
	s7 =	simm.s32 @!p0 $0x108  }
0x21: {  	s3 =	sadd.s32 s3, s9;
	s6 =	sadd.s32 @!p0 $0x88, s6;
	s7 =	simm.s32 @p2 $0x1082  }
0x22: {  	[simem:s7], [sflag:s8] =	dma.local @!p0 [hbm:s6], $0xF7A  }
0x23: {  	s9 =	sor.u32 $0xD0000000, s2;
	s6 =	simm.s32 $0x108;
	_ =	swait.ge @!p0 [sflag:s8], $0x0  }
0x24: {  	s3 =	sadd.s32 $0x88, s3;
	s6 =	simm.s32 @!p1 $0x1082;
	[sflag:s4] =	ssyncset.s32 $0xFFFFF086  }
0x25: {  	[simem:s6], [sflag:s4] =	dma.local [hbm:s3], $0xF7A  }
0x26: {  	[smem:$0x3F95] =	sst s1;
	(tag) =	ssettag s2;
	_ =	strace s9  }
0x27: {  	s1 =	sld [smem:$0x3FA5]  }
0x28: {  	s2 =	sld [smem:$0x3FA6]  }
0x29: {  	s4 =	sld [smem:$0x3FA8]  }
0x2a: {  	p0 =	seq.s32 s5, $0x0;
	s5 =	sld [smem:$0x3FA9]  }
0x2b: {  	s6 =	sld [smem:$0x3FAA]  }
0x2c: {  	s7 =	sld [smem:$0x3FAB]  }
0x2d: {  	s3 =	simm.s32 $0x108;
	s8 =	sld [smem:$0x3FAC]  }
0x2e: {  	s3 =	simm.s32 @!p0 $0x1082;
	s9 =	sld [smem:$0x3FAD]  }
0x2f: {  	lr =	sadd.s32 s0, s3;
	s0 =	sld [smem:$0x3FA4]  }
0x30: {  	s3 =	sld [smem:$0x3FA7]  }
0x31: {  	[smem:$0x3FB0] =	sst s10  }
0x32: {  	s10 =	sld [smem:$0x3FAE];
	_ =	sdelay $0x3  }
0x33: {  	p0 =	seq.s32 s10, $0x1;
	s10 =	sld [smem:$0x3FB0];
	_ =	sdelay $0x3  }
0x34: {  	[smem:$0x3FB0] =	sst s10  }
0x35: {  	s10 =	sld [smem:$0x3FAF];
	_ =	sdelay $0x3  }
0x36: {  	p1 =	seq.s32 s10, $0x1;
	s10 =	sld [smem:$0x3FB0];
	_ =	sdelay $0x3  }
0x37: {  	[smem:$0x3FB0] =	sst s10  }
0x38: {  	s10 =	sld [smem:$0x3FB1]  }
0x39: {  	_ = 	snop;
	(pc) =	sbr.ind lr, $3  }
0x3a: {  	_ = 	snop  }
0x3b: {  	_ = 	snop  }
0x3c: {  	p2 =	seq.s32 s10, $0x1;
	s10 =	sld [smem:$0x3FB0]  }
0x3d: {  	_ =	shalt  }
0x3e: {  	_ =	shalt  }
0x3f: {  	_ =	shalt  }
0x40: {  	_ =	shalt  }
0x41: {  	_ =	shalt  }
0x42: {  	_ =	shalt  }
0x43: {  	_ =	shalt  }
0x44: {  	_ =	shalt  }
0x45: {  	_ =	shalt  }
0x46: {  	_ =	shalt  }
0x47: {  	_ =	shalt  }
0x48: {  	_ =	shalt  }
0x49: {  	_ =	shalt  }
0x4a: {  	_ =	shalt  }
0x4b: {  	_ =	shalt  }
0x4c: {  	_ =	shalt  }
0x4d: {  	_ =	shalt  }
0x4e: {  	_ =	shalt  }
0x4f: {  	_ =	shalt  }
0x50: {  	_ =	shalt  }
0x51: {  	_ =	shalt  }
0x52: {  	_ =	shalt  }
0x53: {  	_ =	shalt  }
0x54: {  	_ =	shalt  }
0x55: {  	_ =	shalt  }
0x56: {  	_ =	shalt  }
0x57: {  	_ =	shalt  }
0x58: {  	_ =	shalt  }
0x59: {  	_ =	shalt  }
0x5a: {  	_ =	shalt  }
0x5b: {  	_ =	shalt  }
0x5c: {  	_ =	shalt  }
0x5d: {  	_ =	shalt  }
0x5e: {  	_ =	shalt  }
0x5f: {  	_ =	shalt  }
0x60: {  	_ =	shalt  }
0x61: {  	_ =	shalt  }
0x62: {  	_ =	shalt  }
0x63: {  	_ =	shalt  }
0x64: {  	_ =	shalt  }
0x65: {  	_ =	shalt  }
0x66: {  	_ =	shalt  }
0x67: {  	_ =	shalt  }
0x68: {  	_ =	shalt  }
0x69: {  	_ =	shalt  }
0x6a: {  	_ =	shalt  }
0x6b: {  	_ =	shalt  }
0x6c: {  	_ =	shalt  }
0x6d: {  	_ =	shalt  }
0x6e: {  	_ =	shalt  }
0x6f: {  	_ =	shalt  }
0x70: {  	_ =	shalt  }
0x71: {  	_ =	shalt  }
0x72: {  	_ =	shalt  }
0x73: {  	_ =	shalt  }
0x74: {  	_ =	shalt  }
0x75: {  	_ =	shalt  }
0x76: {  	_ =	shalt  }
0x77: {  	_ =	shalt  }
0x78: {  	_ =	shalt  }
0x79: {  	_ =	shalt  }
0x7a: {  	_ =	shalt  }
0x7b: {  	_ =	shalt  }
0x7c: {  	_ =	shalt  }
0x7d: {  	_ =	shalt  }
0x7e: {  	_ =	shalt  }
0x7f: {  	_ =	shalt  }
0x80: {  	_ =	shalt  }
0x81: {  	_ =	shalt  }
0x82: {  	_ =	shalt  }
0x83: {  	_ =	shalt  }
0x84: {  	_ =	shalt  }
0x85: {  	_ =	shalt  }
0x86: {  	_ =	shalt  }
0x87: {  	_ =	shalt  }
.Lfunc_end0:
.L_simem_size_0:
called_computation.1_lowered:
.L_overlay_start_0:
0x88: {  	s2 =	sld [smem:$0x3FD9]  }
0x89: {  	s3 =	sld [smem:$0x3FFE];
	_ =	sdelay $0x1  }
0x8a: {  	s1 =	srdreg.scid  }
0x8b: {  	s0 =	sand.u32 $0x1, s1  }
0x8c: {  	s17 =	sshll.u32 s0, $0xA;
	s2 =	sadd.s32 s3, s2  }
0x8d: {  	s2 =	sadd.s32 s2, s17  }
0x8e: {  	[smem:$0x3FBC] =	sst s2  }
0x8f: {  	_ = 	snop  }
0x90: {  	s2 =	sld [smem:$0x3FD0];
	(tm) =	ssettm $0x1  }
0x91: {  	s18 =	sld [smem:$0x3FFB];
	_ =	sdelay $0x3  }
0x92: {  	_ =	strace s18  }
0x93: {  	s3 =	sld [smem:$0x3FFC];
	_ =	sdelay $0x3  }
0x94: {  	_ =	strace s3  }
0x95: {  	s3 =	sld [smem:$0x3FFD];
	_ =	sdelay $0x3  }
0x96: {  	_ =	strace s3  }
0x97: {  	_ =	strace $0x8FFFFFFF  }
0x98: {  	s19 =	sld [smem:$0x3FDB];
	_ =	sdelay $0x1  }
0x99: {  	s4 =	simm.s32 $_scs_section_size  }
0x9a: {  	s5 =	simm.s32 $_size__tile_overlayer_lowered;
	s6 =	simm.s32 $_tile_overlayer_lowered  }
0x9b: {  	s22 =	simm.s32 $0x1BFF;
	s21 =	sshll.u32 s6, $0x1;
	s3 =	sadd.s32 s4, s19  }
0x9c: {  	s7 =	simm.s32 $0x0;
	s20 =	sshll.u32 s5, $0x1;
	s5 =	sadd.s32 s21, s3  }
0x9d: {  	[timem:s7], [sflag:s22] =	dma.local [hbm:s5], s20  }
0x9e: {  	_ =	swait.ge [sflag:s22], s20  }
0x9f: {  	s4 =	ssub.s32 $0x0, s20;
	[sflag:s22] =	ssyncset.done $0x0  }
0xa0: {  	[sflag:s22] =	ssyncadd.s32 s4;
	_ =	sdelay $0x1  }
0xa1: {  	s23 =	simm.s32 $0x1B8B  }
0xa2: {  	_ =	swait.ge [sflag:s23], $0x1  }
0xa3: {  	[sflag:s23] =	ssyncset.done $0x0  }
0xa4: {  	s25 =	simm.s32 $0x1B8E;
	s24 =	sld [smem:$0x3FFE];
	[sflag:s23] =	ssyncadd.s32 $0xFFFFFFFF  }
0xa5: {  	s26 =	simm.s32 $execute0_lowered;
	[smem:$0x3FD2] =	sst s25  }
0xa6: {  	s5 =	sshll.u32 s26, $0x1;
	_ =	strace $0x80000049;
	[dreg:$0x1] =	wrdreg $0xFFFFFFFF  }
0xa7: {  	s28 =	simm.s32 $_size_execute0_lowered;
	s3 =	sadd.s32 s3, s5;
	[dreg:$0x0] =	wrdreg $0x0  }
0xa8: {  	s5 =	sshll.u32 s28, $0x1;
	[dreg:$0x2] =	wrdreg s3  }
0xa9: {  	[dreg:$0x3] =	wrdreg s5  }
0xaa: {  	[dreg:$0x4] =	wrdreg $0xC0  }
0xab: {  	_ =	task [dreg:s7], $0x5FFFF  }
0xac: {  	[dreg:$0x1] =	wrdreg $0xFFFFFFFF  }
0xad: {  	[dreg:$0x0] =	wrdreg $0x60  }
0xae: {  	[dreg:$0x2] =	wrdreg s24  }
0xaf: {  	[dreg:$0x3] =	wrdreg s2  }
0xb0: {  	[dreg:$0x4] =	wrdreg $0xA8000  }
0xb1: {  	[dreg:$0x5] =	wrdreg $0x9  }
0xb2: {  	_ =	task.clear_ibuf [dreg:s7], $0x6FFFF;
	_ =	strace $0x90000049  }
0xb3: {  	s29 =	simm.s32 $0x9;
	_ =	strace $0x8000004B  }
0xb4: {  	_ =	swait.ge [sflag:s29], $0x1  }
0xb5: {  	[sflag:s29] =	ssyncadd.s32 $0xFFFFFFFF  }
0xb6: {  	_ =	strace $0x9000004B  }
0xb7: {  	_ =	sfence  }
0xb8: {  	s30 =	sld [smem:$0x0];
	_ =	sdelay $0x2  }
0xb9: {  	s31 =	sshll.u32 s1, $0xD;
	s1 =	sshrl.u32 s1, $0x2  }
0xba: {  	s3 =	sand.u32 $0x4000, s31;
	s1 =	sadd.s32 s1, s30  }
0xbb: {  	s0 =	sor.u32 s3, s0;
	s1 =	sshll.u32 s1, $0x11  }
0xbc: {  	s0 =	sor.u32 s1, s0  }
0xbd: {  	s0 =	sadd.s32 $0x8F2B, s0  }
0xbe: {  	[sflag:s0] =	ssyncadd.remote.s32 $0x1  }
0xbf: {  	_ =	sfence.sel $0xFFFF  }
0xc0: {  	[dreg:$0x0] =	wrdreg $0xFFFFFFFF;
	(pc) =	sbr.abs _section_cstart, $3  }
0xc1: {  	[dreg:$0x1] =	wrdreg $0xFFFFFFFF  }
0xc2: {  	_ =	task.clear_ibuf [dreg:s7], $0x2FFFF;
	_ =	strace $0x9FFFFFFF  }
0xc3: {  	(tm) =	ssettm $0x7FFFFFFF  }
tec
execute0_lowered:
.L_overlay_start_1:
0x0: {  	(tag) =	ssettag $0x1  }
0x1: {  	s0 =	rddreg [dreg:$0x0]  }
0x2: {  	s2 =	rddreg [dreg:$0x2];
	s4 =	simm.s32 $0x0;
	s3 =	srdreg.scid  }
0x3: {  	s1 =	stileid.u32;
	s16 =	simm.s32 $0x40;
	s17 =	simm.s32 $0x2800  }
0x4: {  	s18 =	simm.s32 $0x4800;
	s19 =	simm.s32 $0x6800;
	s20 =	simm.s32 $0x1  }
0x5: {  	s21 =	simm.s32 $0x3;
	s22 =	simm.s32 $0x8800;
	s23 =	simm.s32 $0x80  }
0x6: {  	s24 =	simm.s32 $0x2;
	s28 =	simm.s32 $0x13C0;
	s29 =	simm.s32 $0x2700  }
0x7: {  	s30 =	simm.s32 $0x2780;
	s31 =	simm.s32 $0x0;
	[smem:$0x7FF] =	sst s4  }
0x8: {  	s7 =	sand.u32 $0x1, s3;
	s9 =	smul.u32 $0x14000, s1;
	s10 =	sshll.u32 s1, $0x1  }
0x9: {  	s5 =	sadd.s32 $0x21C00, s0;
	s6 =	sadd.s32 $0x17C00, s0;
	s13 =	smul.u32 $0x50000, s1  }
0xa: {  	s8 =	smul.u32 $0x140000, s7;
	_ =	strace $0x8000004A;
	s10 =	sor.u32 s7, s10  }
0xb: {  	s25 =	ssub.s32 $0x2, s7;
	s7 =	sadd.s32 $0xDC00, s0;
	s11 =	smul.u32 $0x500, s10  }
0xc: {  	s12 =	sshrl.u32 s25, $0x1;
	s26 =	sshrl.u32 s13, $0x2;
	s8 =	sadd.s32 s9, s8  }
0xd: {  	s14 =	ssub.s32 s25, s12;
	s25 =	simm.s32 $0x4;
	s8 =	sshrl.u32 s8, $0x3  }
0xe: {  	s9 =	sadd.s32 s6, s11;
	s13 =	smax.u32 s14, $0x1;
	s14 =	simm.s32 $0x5  }
0xf: {  	s0 =	sadd.s32 s8, s0;
	s8 =	smul.u32 $0x50, s10;
	s10 =	sadd.s32 s7, s11  }
0x10: {  	s11 =	sadd.s32 s26, s2;
	s26 =	simm.s32 $0x1380;
	s12 =	sadd.s32 $0x48E00, s0  }
.LBB2_1:
0x11: {  	[tilespmem:s4], [sflag:$0x5] =	stream.linear.gather [hbm4b:s9+s4], $0x1400, $0x38;
	[tilespmem:$0x1E800] =	vst v63  }
0x12: {  	_ =	swait.ge [sflag:s14], $0x1400  }
0x13: {  	[sflag:s14] =	ssyncset.done $0x0  }
0x14: {  	s0 =	simm.s32 $0x1400;
	[sflag:s14] =	ssyncadd.s32 $0xFFFFEC00  }
0x15: {  	[tilespmem:s0], [sflag:$0x5] =	stream.linear.gather [hbm4b:s10+s4], $0x1400, $0x38;
	[tilespmem:$0x1E800] =	vst v63  }
0x16: {  	_ =	swait.ge [sflag:s14], $0x1400  }
0x17: {  	[sflag:s14] =	ssyncset.done $0x0  }
0x18: {  	[sflag:s14] =	ssyncadd.s32 $0xFFFFEC00  }
0x19: {  	[tilespmem:s17], [sflag:$0x1] =	stream.indirect.gather [hbm4b:s5+s16], $0x80, s4, s16, $0xb8;
	[tilespmem:$0x1E800] =	vst v63  }
0x1a: {  	_ = 	snop  }
0x1b: {  	[tilespmem:s18], [sflag:$0x3] =	stream.indirect.gather [hbm4b:s5+s16], $0x80, s16, s16, $0xb8;
	[tilespmem:$0x1E800] =	vst v63  }
0x1c: {  	s3 =	rddreg [dreg:$0x1]  }
0x1d: {  	[tilespmem:s19], [sflag:$0x5] =	stream.linear.gather [hbm4b:s3+s4], $0x4000, $0x38;
	[tilespmem:$0x1E800] =	vst v63  }
0x1e: {  	_ =	swait.ge [sflag:s14], $0x4000  }
0x1f: {  	[sflag:s14] =	ssyncset.done $0x0  }
0x20: {  	s15 =	sadd.s32 $0x0, s11;
	[sflag:s14] =	ssyncadd.s32 $0xFFFFC000  }
0x21: {  	[spmem:s15] =	stream.linear.scatter [tilespmem:s19], [sflag:$0x5], $0x800, $0x38;
	[tilespmem:$0x1E800] =	vst v63  }
0x22: {  	s0 =	simm.s32 $0x2000;
	_ =	swait.ge [sflag:s14], $0x800  }
.LBB2_2:
0x23: {  	s1 =	sshra.s32 s0, $0x2;
	[sflag:s14] =	ssyncset.done $0x0;
	p0 =	sne.s32 s0, $0x4E000  }
.Ltmp0:
0x24: {  	s1 =	sadd.s32 s1, s11;
	[sflag:s14] =	ssyncadd.s32 $0xFFFFF800;
	(pc) =	sbr.rel @p0 .LBB2_2-.Ltmp0, $3  }
0x25: {  	[spmem:s1] =	stream.linear.scatter [tilespmem:s19], [sflag:$0x5], $0x800, $0x38;
	[tilespmem:$0x1E800] =	vst v63  }
0x26: {  	s0 =	sadd.s32 $0x2000, s0;
	_ =	sdelay $0x1  }
0x27: {  	_ =	swait.ge [sflag:s14], $0x800  }
0x28: {  	[sflag:s14] =	ssyncset.done $0x0  }
0x29: {  	[sflag:s14] =	ssyncadd.s32 $0xFFFFF800  }
0x2a: {  	s0 =	simm.s32 $0x0;
	p1 =	por $0x1, $0x1;
	[bflag:$0x0] =	sbarrier.arrive $0xFFFF  }
.LBB2_4:
0x2b: {  	s0 =	sadd.s32 @!p1 s8, s0  }
0x2c: {  	s0 =	sshll.u32 @!p1 s0, $0x4  }
0x2d: {  	s15 =	simm.s32 @!p1 $0x0;
	s1 =	sadd.s32 @!p1 s6, s0  }
0x2e: {  	[tilespmem:s15], [sflag:$0x5] =	stream.linear.gather @!p1 [hbm4b:s1+s15], $0x1400, $0x38;
	[tilespmem:$0x1E800] =	vst v63  }
0x2f: {  	s1 =	simm.s32 @!p1 $0x5  }
0x30: {  	_ =	swait.ge @!p1 [sflag:s1], $0x1400  }
0x31: {  	[sflag:s1] =	ssyncset.done @!p1 $0x0  }
0x32: {  	s3 =	simm.s32 @!p1 $0x1400;
	s0 =	sadd.s32 @!p1 s7, s0;
	[sflag:s1] =	ssyncadd.s32 @!p1 $0xFFFFEC00  }
0x33: {  	[tilespmem:s3], [sflag:$0x5] =	stream.linear.gather @!p1 [hbm4b:s0+s15], $0x1400, $0x38;
	[tilespmem:$0x1E800] =	vst v63  }
0x34: {  	_ =	swait.ge @!p1 [sflag:s1], $0x1400  }
0x35: {  	[sflag:s1] =	ssyncset.done @!p1 $0x0  }
0x36: {  	s0 =	simm.s32 @!p1 $0x40;
	[sflag:s1] =	ssyncadd.s32 @!p1 $0xFFFFEC00;
	s1 =	simm.s32 @!p1 $0x2800  }
0x37: {  	[tilespmem:s1], [sflag:$0x1] =	stream.indirect.gather @!p1 [hbm4b:s5+s0], $0x80, s15, s0, $0xb8;
	[tilespmem:$0x1E800] =	vst v63  }
0x38: {  	s1 =	simm.s32 @!p1 $0x4800  }
0x39: {  	[tilespmem:s1], [sflag:$0x3] =	stream.indirect.gather @!p1 [hbm4b:s5+s0], $0x80, s0, s0, $0xb8;
	[tilespmem:$0x1E800] =	vst v63  }
0x3a: {  	_ =	swait.ge [sflag:s20], $0x2000  }
0x3b: {  	[sflag:s20] =	ssyncset.done $0x0  }
0x3c: {  	[sflag:s20] =	ssyncadd.s32 $0xFFFFE000  }
0x3d: {  	_ =	swait.ge [sflag:s21], $0x2000  }
0x3e: {  	[sflag:s21] =	ssyncset.done $0x0  }
0x3f: {  	s1 =	simm.s32 $0x80;
	[sflag:s21] =	ssyncadd.s32 $0xFFFFE000  }
0x40: {  	[tilespmem:s19], [sflag:$0x2] =	stream.indirect.gather [hbm4b:s5+s16], $0x80, s1, s16, $0xb8;
	[tilespmem:$0x1E800] =	vst v63  }
0x41: {  	s3 =	simm.s32 $0xC0  }
0x42: {  	[tilespmem:s22], [sflag:$0x4] =	stream.indirect.gather [hbm4b:s5+s16], $0x80, s3, s16, $0xb8;
	[tilespmem:$0x1E800] =	vst v63  }
0x43: {  	s15 =	simm.s32 $0x1400  }
0x44: {  	[spmem:s2] =	stream.indirect.scatter.add.f32 [tilespmem:s17], [sflag:$0x5], $0x80, s15, s23, $0xb8;
	[tilespmem:$0x1E800] =	vst v63  }
0x45: {  	_ =	swait.ge [sflag:s14], $0x4000  }
0x46: {  	[sflag:s14] =	ssyncset.done $0x0  }
0x47: {  	[sflag:s14] =	ssyncadd.s32 $0xFFFFC000  }
0x48: {  	_ =	swait.ge [sflag:s24], $0x2000  }
0x49: {  	[sflag:s24] =	ssyncset.done $0x0  }
0x4a: {  	[sflag:s24] =	ssyncadd.s32 $0xFFFFE000  }
0x4b: {  	_ =	swait.ge [sflag:s25], $0x2000  }
0x4c: {  	[sflag:s25] =	ssyncset.done $0x0  }
0x4d: {  	s1 =	simm.s32 $0x100;
	[sflag:s25] =	ssyncadd.s32 $0xFFFFE000  }
0x4e: {  	[tilespmem:s17], [sflag:$0x1] =	stream.indirect.gather [hbm4b:s5+s16], $0x80, s1, s16, $0xb8;
	[tilespmem:$0x1E800] =	vst v63  }
0x4f: {  	s3 =	simm.s32 $0x140  }
0x50: {  	[tilespmem:s18], [sflag:$0x3] =	stream.indirect.gather [hbm4b:s5+s16], $0x80, s3, s16, $0xb8;
	[tilespmem:$0x1E800] =	vst v63  }
0x51: {  	s15 =	simm.s32 $0x1480  }
0x52: {  	[spmem:s2] =	stream.indirect.scatter.add.f32 [tilespmem:s19], [sflag:$0x5], $0x80, s15, s23, $0xb8;
	[tilespmem:$0x1E800] =	vst v63  }
0x53: {  	_ =	swait.ge [sflag:s14], $0x4000  }
0x54: {  	p0 =	por p1, p1;
	s0 =	simm.s32 $0x400;
	[sflag:s14] =	ssyncset.done $0x0  }
.LBB2_5:
0x55: {  	p1 =	sne.s32 s0, $0x4800  }
0x56: {  	[sflag:s14] =	ssyncadd.s32 $0xFFFFC000;
	s1 =	smov.u32 s0;
	s0 =	sadd.s32 $0x400, s0  }
0x57: {  	_ = 	snop  }
0x58: {  	_ =	swait.ge [sflag:s20], $0x2000  }
0x59: {  	[sflag:s20] =	ssyncset.done $0x0  }
0x5a: {  	[sflag:s20] =	ssyncadd.s32 $0xFFFFE000  }
0x5b: {  	_ =	swait.ge [sflag:s21], $0x2000  }
0x5c: {  	s1 =	sshra.s32 s1, $0x2;
	[sflag:s21] =	ssyncset.done $0x0  }
0x5d: {  	s3 =	sadd.s32 $0x80, s1;
	[sflag:s21] =	ssyncadd.s32 $0xFFFFE000  }
0x5e: {  	[tilespmem:s19], [sflag:$0x2] =	stream.indirect.gather [hbm4b:s5+s16], $0x80, s3, s16, $0xb8;
	[tilespmem:$0x1E800] =	vst v63  }
0x5f: {  	s3 =	sadd.s32 $0xC0, s1  }
0x60: {  	[tilespmem:s22], [sflag:$0x4] =	stream.indirect.gather [hbm4b:s5+s16], $0x80, s3, s16, $0xb8;
	[tilespmem:$0x1E800] =	vst v63  }
0x61: {  	s3 =	sadd.s32 $0x1400, s1  }
0x62: {  	[spmem:s2] =	stream.indirect.scatter.add.f32 [tilespmem:s17], [sflag:$0x5], $0x80, s3, s23, $0xb8;
	[tilespmem:$0x1E800] =	vst v63  }
0x63: {  	_ =	swait.ge [sflag:s14], $0x4000  }
0x64: {  	[sflag:s14] =	ssyncset.done $0x0  }
0x65: {  	[sflag:s14] =	ssyncadd.s32 $0xFFFFC000  }
0x66: {  	_ =	swait.ge [sflag:s24], $0x2000  }
0x67: {  	[sflag:s24] =	ssyncset.done $0x0  }
0x68: {  	[sflag:s24] =	ssyncadd.s32 $0xFFFFE000  }
0x69: {  	_ =	swait.ge [sflag:s25], $0x2000  }
0x6a: {  	[sflag:s25] =	ssyncset.done $0x0  }
0x6b: {  	s3 =	sadd.s32 $0x100, s1;
	[sflag:s25] =	ssyncadd.s32 $0xFFFFE000  }
0x6c: {  	[tilespmem:s17], [sflag:$0x1] =	stream.indirect.gather [hbm4b:s5+s16], $0x80, s3, s16, $0xb8;
	[tilespmem:$0x1E800] =	vst v63  }
0x6d: {  	s3 =	sadd.s32 $0x140, s1  }
0x6e: {  	[tilespmem:s18], [sflag:$0x3] =	stream.indirect.gather [hbm4b:s5+s16], $0x80, s3, s16, $0xb8;
	[tilespmem:$0x1E800] =	vst v63  }
.Ltmp1:
0x6f: {  	_ = 	snop;
	(pc) =	sbr.rel @p1 .LBB2_5-.Ltmp1, $4  }
0x70: {  	s1 =	sadd.s32 $0x1480, s1  }
0x71: {  	[spmem:s2] =	stream.indirect.scatter.add.f32 [tilespmem:s19], [sflag:$0x5], $0x80, s1, s23, $0xb8;
	[tilespmem:$0x1E800] =	vst v63  }
0x72: {  	_ =	swait.ge [sflag:s14], $0x4000  }
0x73: {  	[sflag:s14] =	ssyncset.done $0x0  }
0x74: {  	[sflag:s14] =	ssyncadd.s32 $0xFFFFC000  }
0x75: {  	_ =	swait.ge [sflag:s20], $0x2000  }
0x76: {  	[sflag:s20] =	ssyncset.done $0x0  }
0x77: {  	[sflag:s20] =	ssyncadd.s32 $0xFFFFE000  }
0x78: {  	_ =	swait.ge [sflag:s21], $0x2000  }
0x79: {  	[sflag:s21] =	ssyncset.done $0x0  }
0x7a: {  	[sflag:s21] =	ssyncadd.s32 $0xFFFFE000  }
0x7b: {  	[tilespmem:s19], [sflag:$0x2] =	stream.indirect.gather [hbm4b:s5+s16], $0x80, s26, s16, $0xb8;
	[tilespmem:$0x1E800] =	vst v63  }
0x7c: {  	_ = 	snop  }
0x7d: {  	[tilespmem:s22], [sflag:$0x4] =	stream.indirect.gather [hbm4b:s5+s16], $0x80, s28, s16, $0xb8;
	[tilespmem:$0x1E800] =	vst v63  }
0x7e: {  	_ = 	snop  }
0x7f: {  	[spmem:s2] =	stream.indirect.scatter.add.f32 [tilespmem:s17], [sflag:$0x5], $0x80, s29, s23, $0xb8;
	[tilespmem:$0x1E800] =	vst v63  }
0x80: {  	_ =	swait.ge [sflag:s14], $0x4000  }
0x81: {  	[sflag:s14] =	ssyncset.done $0x0  }
0x82: {  	[sflag:s14] =	ssyncadd.s32 $0xFFFFC000  }
0x83: {  	_ =	swait.ge [sflag:s24], $0x2000  }
0x84: {  	[sflag:s24] =	ssyncset.done $0x0  }
0x85: {  	[sflag:s24] =	ssyncadd.s32 $0xFFFFE000  }
0x86: {  	_ =	swait.ge [sflag:s25], $0x2000  }
0x87: {  	[sflag:s25] =	ssyncset.done $0x0  }
.Ltmp2:
0x88: {  	[sflag:s25] =	ssyncadd.s32 $0xFFFFE000;
	(pc) =	sbr.rel @p0 .LBB2_4-.Ltmp2, $4  }
0x89: {  	[spmem:s2] =	stream.indirect.scatter.add.f32 [tilespmem:s19], [sflag:$0x5], $0x80, s30, s23, $0xb8;
	[tilespmem:$0x1E800] =	vst v63  }
0x8a: {  	_ =	swait.ge [sflag:s14], $0x4000  }
0x8b: {  	[sflag:s14] =	ssyncset.done $0x0  }
0x8c: {  	s0 =	simm.s32 $0x28;
	p1 =	por $0x0, $0x0;
	[sflag:s14] =	ssyncadd.s32 $0xFFFFC000  }
0x8d: {  	s0 =	stileid.u32;
	s31 =	sadd.s32 $0x1, s31  }
0x8e: {  	[bflag:$0x0] =	sbarrier.arrive $0xFFFF;
	s0 =	sshll.u32 s0, $0x6;
	p0 =	sne.s32 s31, s13  }
.Ltmp3:
0x8f: {  	s1 =	sshrl.u32 s11, $0x3;
	s0 =	sor.u32 $0x1C05, s0;
	(pc) =	sbr.rel @p0 .LBB2_1-.Ltmp3, $4  }
0x90: {  	[hbm:s12], [sflag:s0] =	dma.local [spmem:s1], $0x2800  }
0x91: {  	_ =	swait.ge [sflag:s14], $0x2800  }
0x92: {  	[sflag:s14] =	ssyncset.done $0x0  }
0x93: {  	[sflag:s14] =	ssyncadd.s32 $0xFFFFD800  }
0x94: {  	_ =	sfence.sel $0x180000  }
0x95: {  	[bflag:$0x0] =	sbarrier.arrive $0xFFFF  }
0x96: {  	_ =	strace $0x9000004A  }
0x97: {  	s0 =	stileid.u32;
	[bflag:$0x2] =	sbarrier.arrive $0xFFFF  }
0x98: {  	p0 =	sne.s32 s0, $0x0;
	s0 =	rddreg [dreg:$0x3]  }
0x99: {  	s0 =	sadd.s32 @!p0 $0x100000, s0  }
0x9a: {  	[sflag:s0] =	ssyncadd.tile.s32 @!p0 $0x1;
	_ =	shalt  }
.Lfunc_end2:
_tile_overlayer_lowered:
.L_overlay_start_2:
0x9b: {  	(tag) =	ssettag $0x2  }
0x9c: {  	s0 =	rddreg [dreg:$0x0];
	s2 =	stileid.u32  }
0x9d: {  	s1 =	rddreg [dreg:$0x1];
	p0 =	sne.s32 s2, $0x0  }
0x9e: {  	s3 =	rddreg [dreg:$0x2];
	[bflag:$0x3] =	sbarrier.arrive $0xFFFF;
	s2 =	simm.s32 @!p0 $0x1C05  }
0x9f: {  	[timem:s3], [sflag:s2] =	dma.local @!p0 [hbm:s0], s1  }
0xa0: {  	s0 =	simm.s32 @!p0 $0x5  }
0xa1: {  	_ =	swait.ge @!p0 [sflag:s0], s1  }
0xa2: {  	s1 =	ssub.s32 @!p0 $0x0, s1;
	[sflag:s0] =	ssyncset.done @!p0 $0x0  }
0xa3: {  	[sflag:s0] =	ssyncadd.s32 @!p0 s1  }
0xa4: {  	[bflag:$0x3] =	sbarrier.arrive $0xFFFF  }
0xa5: {  	_ =	shalt  }

// kernel: kernel.19.cloned.1.call-start
scs
__scs_entry_jumppad:
0x0: {  	(pc) =	sbr.rel $0x88, $3  }
0x1: {  	(tag) =	ssettag $0x0;
	lr =	simm.s32 $0x1  }
0x2: {  	[smem:$0x3F95] =	sst lr;
	_ =	strace $0xD0000000  }
0x3: {  	_ = 	snop  }
0x4: {  	_ = 	snop  }
0x5: {  	_ = 	snop  }
0x6: {  	_ = 	snop  }
0x7: {  	_ = 	snop  }
__scs_overlays_trampoline_lowered:
0x8: {  	[smem:$0x3FA4] =	sst s0  }
0x9: {  	[smem:$0x3FA5] =	sst s1  }
0xa: {  	[smem:$0x3FA6] =	sst s2  }
0xb: {  	[smem:$0x3FA7] =	sst s3  }
0xc: {  	[smem:$0x3FA8] =	sst s4  }
0xd: {  	[smem:$0x3FA9] =	sst s5  }
0xe: {  	[smem:$0x3FAA] =	sst s6  }
0xf: {  	[smem:$0x3FAB] =	sst s7  }
0x10: {  	[smem:$0x3FAC] =	sst s8  }
0x11: {  	[smem:$0x3FAD] =	sst s9;
	s0 =	simm.s32 @!p0 $0x0  }
0x12: {  	s1 =	sld [smem:$0x3F93];
	s0 =	simm.s32 @p0 $0x1  }
0x13: {  	[smem:$0x3FAE] =	sst s0;
	s0 =	simm.s32 @!p1 $0x0  }
0x14: {  	s2 =	sld [smem:$0x3F92];
	s0 =	simm.s32 @p1 $0x1  }
0x15: {  	[smem:$0x3FAF] =	sst s0;
	s0 =	simm.s32 @!p2 $0x0  }
0x16: {  	s3 =	sld [smem:$0x3FDB];
	s0 =	simm.s32 @p2 $0x1  }
0x17: {  	s4 =	simm.s32 $0x1BF5;
	[smem:$0x3FB1] =	sst s0  }
0x18: {  	s0 =	sld [smem:$0x3F94];
	_ =	swait.ge [sflag:s4], $0x0  }
0x19: {  	s7 =	sld [smem:$0x3F95]  }
0x1a: {  	s8 =	sadd.s32 $0xFFFFE003, lr  }
0x1b: {  	s9 =	sadd.s32 $0xFFFFFEF7, lr;
	s5 =	simm.s32 $0xFFFFFFFF;
	p2 =	slt.u32 s8, $0xFFFFF086  }
0x1c: {  	p1 =	slt.u32 s9, $0xF7A;
	s5 =	simm.s32 @!p2 $0x0  }
0x1d: {  	s5 =	simm.s32 @p1 $0x1;
	p0 =	seq.s32 s7, s2  }
0x1e: {  	s7 =	smul.u32 @!p0 $0xF7A, s2;
	p2 =	seq.s32 @!p0 s5, $0x0  }
0x1f: {  	s9 =	smul.u32 $0xF7A, s1;
	s8 =	simm.s32 @!p0 $0x1BF5;
	p2 =	por !p2, p0  }
0x20: {  	[sflag:s8] =	ssyncset.s32 @!p0 $0xFFFFF086;
	s6 =	sadd.s32 @!p0 s3, s7;
	s7 =	simm.s32 @!p0 $0x108  }
0x21: {  	s3 =	sadd.s32 s3, s9;
	s6 =	sadd.s32 @!p0 $0x88, s6;
	s7 =	simm.s32 @p2 $0x1082  }
0x22: {  	[simem:s7], [sflag:s8] =	dma.local @!p0 [hbm:s6], $0xF7A  }
0x23: {  	s9 =	sor.u32 $0xD0000000, s2;
	s6 =	simm.s32 $0x108;
	_ =	swait.ge @!p0 [sflag:s8], $0x0  }
0x24: {  	s3 =	sadd.s32 $0x88, s3;
	s6 =	simm.s32 @!p1 $0x1082;
	[sflag:s4] =	ssyncset.s32 $0xFFFFF086  }
0x25: {  	[simem:s6], [sflag:s4] =	dma.local [hbm:s3], $0xF7A  }
0x26: {  	[smem:$0x3F95] =	sst s1;
	(tag) =	ssettag s2;
	_ =	strace s9  }
0x27: {  	s1 =	sld [smem:$0x3FA5]  }
0x28: {  	s2 =	sld [smem:$0x3FA6]  }
0x29: {  	s4 =	sld [smem:$0x3FA8]  }
0x2a: {  	p0 =	seq.s32 s5, $0x0;
	s5 =	sld [smem:$0x3FA9]  }
0x2b: {  	s6 =	sld [smem:$0x3FAA]  }
0x2c: {  	s7 =	sld [smem:$0x3FAB]  }
0x2d: {  	s3 =	simm.s32 $0x108;
	s8 =	sld [smem:$0x3FAC]  }
0x2e: {  	s3 =	simm.s32 @!p0 $0x1082;
	s9 =	sld [smem:$0x3FAD]  }
0x2f: {  	lr =	sadd.s32 s0, s3;
	s0 =	sld [smem:$0x3FA4]  }
0x30: {  	s3 =	sld [smem:$0x3FA7]  }
0x31: {  	[smem:$0x3FB0] =	sst s10  }
0x32: {  	s10 =	sld [smem:$0x3FAE];
	_ =	sdelay $0x3  }
0x33: {  	p0 =	seq.s32 s10, $0x1;
	s10 =	sld [smem:$0x3FB0];
	_ =	sdelay $0x3  }
0x34: {  	[smem:$0x3FB0] =	sst s10  }
0x35: {  	s10 =	sld [smem:$0x3FAF];
	_ =	sdelay $0x3  }
0x36: {  	p1 =	seq.s32 s10, $0x1;
	s10 =	sld [smem:$0x3FB0];
	_ =	sdelay $0x3  }
0x37: {  	[smem:$0x3FB0] =	sst s10  }
0x38: {  	s10 =	sld [smem:$0x3FB1]  }
0x39: {  	_ = 	snop;
	(pc) =	sbr.ind lr, $3  }
0x3a: {  	_ = 	snop  }
0x3b: {  	_ = 	snop  }
0x3c: {  	p2 =	seq.s32 s10, $0x1;
	s10 =	sld [smem:$0x3FB0]  }
0x3d: {  	_ =	shalt  }
0x3e: {  	_ =	shalt  }
0x3f: {  	_ =	shalt  }
0x40: {  	_ =	shalt  }
0x41: {  	_ =	shalt  }
0x42: {  	_ =	shalt  }
0x43: {  	_ =	shalt  }
0x44: {  	_ =	shalt  }
0x45: {  	_ =	shalt  }
0x46: {  	_ =	shalt  }
0x47: {  	_ =	shalt  }
0x48: {  	_ =	shalt  }
0x49: {  	_ =	shalt  }
0x4a: {  	_ =	shalt  }
0x4b: {  	_ =	shalt  }
0x4c: {  	_ =	shalt  }
0x4d: {  	_ =	shalt  }
0x4e: {  	_ =	shalt  }
0x4f: {  	_ =	shalt  }
0x50: {  	_ =	shalt  }
0x51: {  	_ =	shalt  }
0x52: {  	_ =	shalt  }
0x53: {  	_ =	shalt  }
0x54: {  	_ =	shalt  }
0x55: {  	_ =	shalt  }
0x56: {  	_ =	shalt  }
0x57: {  	_ =	shalt  }
0x58: {  	_ =	shalt  }
0x59: {  	_ =	shalt  }
0x5a: {  	_ =	shalt  }
0x5b: {  	_ =	shalt  }
0x5c: {  	_ =	shalt  }
0x5d: {  	_ =	shalt  }
0x5e: {  	_ =	shalt  }
0x5f: {  	_ =	shalt  }
0x60: {  	_ =	shalt  }
0x61: {  	_ =	shalt  }
0x62: {  	_ =	shalt  }
0x63: {  	_ =	shalt  }
0x64: {  	_ =	shalt  }
0x65: {  	_ =	shalt  }
0x66: {  	_ =	shalt  }
0x67: {  	_ =	shalt  }
0x68: {  	_ =	shalt  }
0x69: {  	_ =	shalt  }
0x6a: {  	_ =	shalt  }
0x6b: {  	_ =	shalt  }
0x6c: {  	_ =	shalt  }
0x6d: {  	_ =	shalt  }
0x6e: {  	_ =	shalt  }
0x6f: {  	_ =	shalt  }
0x70: {  	_ =	shalt  }
0x71: {  	_ =	shalt  }
0x72: {  	_ =	shalt  }
0x73: {  	_ =	shalt  }
0x74: {  	_ =	shalt  }
0x75: {  	_ =	shalt  }
0x76: {  	_ =	shalt  }
0x77: {  	_ =	shalt  }
0x78: {  	_ =	shalt  }
0x79: {  	_ =	shalt  }
0x7a: {  	_ =	shalt  }
0x7b: {  	_ =	shalt  }
0x7c: {  	_ =	shalt  }
0x7d: {  	_ =	shalt  }
0x7e: {  	_ =	shalt  }
0x7f: {  	_ =	shalt  }
0x80: {  	_ =	shalt  }
0x81: {  	_ =	shalt  }
0x82: {  	_ =	shalt  }
0x83: {  	_ =	shalt  }
0x84: {  	_ =	shalt  }
0x85: {  	_ =	shalt  }
0x86: {  	_ =	shalt  }
0x87: {  	_ =	shalt  }
.Lfunc_end0:
.L_simem_size_0:
called_computation.2_lowered:
.L_overlay_start_0:
0x88: {  	s2 =	sld [smem:$0x3FD9]  }
0x89: {  	s3 =	sld [smem:$0x3FFE];
	_ =	sdelay $0x1  }
0x8a: {  	s1 =	srdreg.scid  }
0x8b: {  	s0 =	sand.u32 $0x1, s1  }
0x8c: {  	s17 =	sshll.u32 s0, $0xA;
	s2 =	sadd.s32 s3, s2  }
0x8d: {  	s2 =	sadd.s32 s2, s17  }
0x8e: {  	[smem:$0x3FBC] =	sst s2  }
0x8f: {  	_ = 	snop  }
0x90: {  	s2 =	sld [smem:$0x3FD0];
	(tm) =	ssettm $0x1  }
0x91: {  	s18 =	sld [smem:$0x3FFB];
	_ =	sdelay $0x3  }
0x92: {  	_ =	strace s18  }
0x93: {  	s3 =	sld [smem:$0x3FFC];
	_ =	sdelay $0x3  }
0x94: {  	_ =	strace s3  }
0x95: {  	s3 =	sld [smem:$0x3FFD];
	_ =	sdelay $0x3  }
0x96: {  	_ =	strace s3  }
0x97: {  	_ =	strace $0x8FFFFFFF  }
0x98: {  	s19 =	sld [smem:$0x3FDB];
	_ =	sdelay $0x1  }
0x99: {  	s4 =	simm.s32 $_scs_section_size  }
0x9a: {  	s5 =	simm.s32 $_size__tile_overlayer_lowered;
	s6 =	simm.s32 $_tile_overlayer_lowered  }
0x9b: {  	s22 =	simm.s32 $0x1BFF;
	s21 =	sshll.u32 s6, $0x1;
	s3 =	sadd.s32 s4, s19  }
0x9c: {  	s7 =	simm.s32 $0x0;
	s20 =	sshll.u32 s5, $0x1;
	s5 =	sadd.s32 s21, s3  }
0x9d: {  	[timem:s7], [sflag:s22] =	dma.local [hbm:s5], s20  }
0x9e: {  	_ =	swait.ge [sflag:s22], s20  }
0x9f: {  	s4 =	ssub.s32 $0x0, s20;
	[sflag:s22] =	ssyncset.done $0x0  }
0xa0: {  	[sflag:s22] =	ssyncadd.s32 s4;
	_ =	sdelay $0x1  }
0xa1: {  	s23 =	simm.s32 $0x1B8B  }
0xa2: {  	_ =	swait.ge [sflag:s23], $0x1  }
0xa3: {  	[sflag:s23] =	ssyncset.done $0x0  }
0xa4: {  	s25 =	simm.s32 $0x1B8E;
	s24 =	sld [smem:$0x3FFE];
	[sflag:s23] =	ssyncadd.s32 $0xFFFFFFFF  }
0xa5: {  	s26 =	simm.s32 $execute0_lowered;
	[smem:$0x3FD2] =	sst s25  }
0xa6: {  	s5 =	sshll.u32 s26, $0x1;
	_ =	strace $0x8000004C;
	[dreg:$0x1] =	wrdreg $0xFFFFFFFF  }
0xa7: {  	s28 =	simm.s32 $_size_execute0_lowered;
	s3 =	sadd.s32 s3, s5;
	[dreg:$0x0] =	wrdreg $0x0  }
0xa8: {  	s5 =	sshll.u32 s28, $0x1;
	[dreg:$0x2] =	wrdreg s3  }
0xa9: {  	[dreg:$0x3] =	wrdreg s5  }
0xaa: {  	[dreg:$0x4] =	wrdreg $0xC0  }
0xab: {  	_ =	task [dreg:s7], $0x5FFFF  }
0xac: {  	[dreg:$0x1] =	wrdreg $0xFFFFFFFF  }
0xad: {  	[dreg:$0x0] =	wrdreg $0x60  }
0xae: {  	[dreg:$0x2] =	wrdreg s24  }
0xaf: {  	[dreg:$0x3] =	wrdreg s2  }
0xb0: {  	[dreg:$0x4] =	wrdreg $0xA8000  }
0xb1: {  	[dreg:$0x5] =	wrdreg $0x9  }
0xb2: {  	_ =	task.clear_ibuf [dreg:s7], $0x6FFFF;
	_ =	strace $0x9000004C  }
0xb3: {  	s29 =	simm.s32 $0x9;
	_ =	strace $0x8000004E  }
0xb4: {  	_ =	swait.ge [sflag:s29], $0x1  }
0xb5: {  	[sflag:s29] =	ssyncadd.s32 $0xFFFFFFFF  }
0xb6: {  	_ =	strace $0x9000004E  }
0xb7: {  	_ =	sfence  }
0xb8: {  	s30 =	sld [smem:$0x0];
	_ =	sdelay $0x2  }
0xb9: {  	s31 =	sshll.u32 s1, $0xD;
	s1 =	sshrl.u32 s1, $0x2  }
0xba: {  	s3 =	sand.u32 $0x4000, s31;
	s1 =	sadd.s32 s1, s30  }
0xbb: {  	s0 =	sor.u32 s3, s0;
	s1 =	sshll.u32 s1, $0x11  }
0xbc: {  	s0 =	sor.u32 s1, s0  }
0xbd: {  	s0 =	sadd.s32 $0x8F2B, s0  }
0xbe: {  	[sflag:s0] =	ssyncadd.remote.s32 $0x1  }
0xbf: {  	_ =	sfence.sel $0xFFFF  }
0xc0: {  	[dreg:$0x0] =	wrdreg $0xFFFFFFFF;
	(pc) =	sbr.abs _section_cstart, $3  }
0xc1: {  	[dreg:$0x1] =	wrdreg $0xFFFFFFFF  }
0xc2: {  	_ =	task.clear_ibuf [dreg:s7], $0x2FFFF;
	_ =	strace $0x9FFFFFFF  }
0xc3: {  	(tm) =	ssettm $0x7FFFFFFF  }
tec
execute0_lowered:
.L_overlay_start_1:
0x0: {  	(tag) =	ssettag $0x1  }
0x1: {  	s0 =	rddreg [dreg:$0x0]  }
0x2: {  	s2 =	rddreg [dreg:$0x2];
	s4 =	simm.s32 $0x0;
	s3 =	srdreg.scid  }
0x3: {  	s1 =	stileid.u32;
	s16 =	simm.s32 $0x40;
	s17 =	simm.s32 $0x2800  }
0x4: {  	s18 =	simm.s32 $0x4800;
	s19 =	simm.s32 $0x6800;
	s20 =	simm.s32 $0x1  }
0x5: {  	s21 =	simm.s32 $0x3;
	s22 =	simm.s32 $0x8800;
	s23 =	simm.s32 $0x80  }
0x6: {  	s24 =	simm.s32 $0x2;
	s28 =	simm.s32 $0x13C0;
	s29 =	simm.s32 $0x2700  }
0x7: {  	s30 =	simm.s32 $0x2780;
	s31 =	simm.s32 $0x0;
	[smem:$0x7FF] =	sst s4  }
0x8: {  	s7 =	sand.u32 $0x1, s3;
	s9 =	smul.u32 $0x14000, s1;
	s10 =	sshll.u32 s1, $0x1  }
0x9: {  	s5 =	sadd.s32 $0x21C00, s0;
	s6 =	sadd.s32 $0x17C00, s0;
	s13 =	smul.u32 $0x50000, s1  }
0xa: {  	s8 =	smul.u32 $0x140000, s7;
	_ =	strace $0x8000004D;
	s10 =	sor.u32 s7, s10  }
0xb: {  	s25 =	ssub.s32 $0x2, s7;
	s7 =	sadd.s32 $0xDC00, s0;
	s11 =	smul.u32 $0x500, s10  }
0xc: {  	s12 =	sshrl.u32 s25, $0x1;
	s26 =	sshrl.u32 s13, $0x2;
	s8 =	sadd.s32 s9, s8  }
0xd: {  	s14 =	ssub.s32 s25, s12;
	s25 =	simm.s32 $0x4;
	s8 =	sshrl.u32 s8, $0x3  }
0xe: {  	s9 =	sadd.s32 s6, s11;
	s13 =	smax.u32 s14, $0x1;
	s14 =	simm.s32 $0x5  }
0xf: {  	s0 =	sadd.s32 s8, s0;
	s8 =	smul.u32 $0x50, s10;
	s10 =	sadd.s32 s7, s11  }
0x10: {  	s11 =	sadd.s32 s26, s2;
	s26 =	simm.s32 $0x1380;
	s12 =	sadd.s32 $0x48E00, s0  }
.LBB2_1:
0x11: {  	[tilespmem:s4], [sflag:$0x5] =	stream.linear.gather [hbm4b:s9+s4], $0x1400, $0x38;
	[tilespmem:$0x1E800] =	vst v63  }
0x12: {  	_ =	swait.ge [sflag:s14], $0x1400  }
0x13: {  	[sflag:s14] =	ssyncset.done $0x0  }
0x14: {  	s0 =	simm.s32 $0x1400;
	[sflag:s14] =	ssyncadd.s32 $0xFFFFEC00  }
0x15: {  	[tilespmem:s0], [sflag:$0x5] =	stream.linear.gather [hbm4b:s10+s4], $0x1400, $0x38;
	[tilespmem:$0x1E800] =	vst v63  }
0x16: {  	_ =	swait.ge [sflag:s14], $0x1400  }
0x17: {  	[sflag:s14] =	ssyncset.done $0x0  }
0x18: {  	[sflag:s14] =	ssyncadd.s32 $0xFFFFEC00  }
0x19: {  	[tilespmem:s17], [sflag:$0x1] =	stream.indirect.gather [hbm4b:s5+s16], $0x80, s4, s16, $0xb8;
	[tilespmem:$0x1E800] =	vst v63  }
0x1a: {  	_ = 	snop  }
0x1b: {  	[tilespmem:s18], [sflag:$0x3] =	stream.indirect.gather [hbm4b:s5+s16], $0x80, s16, s16, $0xb8;
	[tilespmem:$0x1E800] =	vst v63  }
0x1c: {  	s3 =	rddreg [dreg:$0x1]  }
0x1d: {  	[tilespmem:s19], [sflag:$0x5] =	stream.linear.gather [hbm4b:s3+s4], $0x4000, $0x38;
	[tilespmem:$0x1E800] =	vst v63  }
0x1e: {  	_ =	swait.ge [sflag:s14], $0x4000  }
0x1f: {  	[sflag:s14] =	ssyncset.done $0x0  }
0x20: {  	s15 =	sadd.s32 $0x0, s11;
	[sflag:s14] =	ssyncadd.s32 $0xFFFFC000  }
0x21: {  	[spmem:s15] =	stream.linear.scatter [tilespmem:s19], [sflag:$0x5], $0x800, $0x38;
	[tilespmem:$0x1E800] =	vst v63  }
0x22: {  	s0 =	simm.s32 $0x2000;
	_ =	swait.ge [sflag:s14], $0x800  }
.LBB2_2:
0x23: {  	s1 =	sshra.s32 s0, $0x2;
	[sflag:s14] =	ssyncset.done $0x0;
	p0 =	sne.s32 s0, $0x4E000  }
.Ltmp0:
0x24: {  	s1 =	sadd.s32 s1, s11;
	[sflag:s14] =	ssyncadd.s32 $0xFFFFF800;
	(pc) =	sbr.rel @p0 .LBB2_2-.Ltmp0, $3  }
0x25: {  	[spmem:s1] =	stream.linear.scatter [tilespmem:s19], [sflag:$0x5], $0x800, $0x38;
	[tilespmem:$0x1E800] =	vst v63  }
0x26: {  	s0 =	sadd.s32 $0x2000, s0;
	_ =	sdelay $0x1  }
0x27: {  	_ =	swait.ge [sflag:s14], $0x800  }
0x28: {  	[sflag:s14] =	ssyncset.done $0x0  }
0x29: {  	[sflag:s14] =	ssyncadd.s32 $0xFFFFF800  }
0x2a: {  	s0 =	simm.s32 $0x0;
	p1 =	por $0x1, $0x1;
	[bflag:$0x0] =	sbarrier.arrive $0xFFFF  }
.LBB2_4:
0x2b: {  	s0 =	sadd.s32 @!p1 s8, s0  }
0x2c: {  	s0 =	sshll.u32 @!p1 s0, $0x4  }
0x2d: {  	s15 =	simm.s32 @!p1 $0x0;
	s1 =	sadd.s32 @!p1 s6, s0  }
0x2e: {  	[tilespmem:s15], [sflag:$0x5] =	stream.linear.gather @!p1 [hbm4b:s1+s15], $0x1400, $0x38;
	[tilespmem:$0x1E800] =	vst v63  }
0x2f: {  	s1 =	simm.s32 @!p1 $0x5  }
0x30: {  	_ =	swait.ge @!p1 [sflag:s1], $0x1400  }
0x31: {  	[sflag:s1] =	ssyncset.done @!p1 $0x0  }
0x32: {  	s3 =	simm.s32 @!p1 $0x1400;
	s0 =	sadd.s32 @!p1 s7, s0;
	[sflag:s1] =	ssyncadd.s32 @!p1 $0xFFFFEC00  }
0x33: {  	[tilespmem:s3], [sflag:$0x5] =	stream.linear.gather @!p1 [hbm4b:s0+s15], $0x1400, $0x38;
	[tilespmem:$0x1E800] =	vst v63  }
0x34: {  	_ =	swait.ge @!p1 [sflag:s1], $0x1400  }
0x35: {  	[sflag:s1] =	ssyncset.done @!p1 $0x0  }
0x36: {  	s0 =	simm.s32 @!p1 $0x40;
	[sflag:s1] =	ssyncadd.s32 @!p1 $0xFFFFEC00;
	s1 =	simm.s32 @!p1 $0x2800  }
0x37: {  	[tilespmem:s1], [sflag:$0x1] =	stream.indirect.gather @!p1 [hbm4b:s5+s0], $0x80, s15, s0, $0xb8;
	[tilespmem:$0x1E800] =	vst v63  }
0x38: {  	s1 =	simm.s32 @!p1 $0x4800  }
0x39: {  	[tilespmem:s1], [sflag:$0x3] =	stream.indirect.gather @!p1 [hbm4b:s5+s0], $0x80, s0, s0, $0xb8;
	[tilespmem:$0x1E800] =	vst v63  }
0x3a: {  	_ =	swait.ge [sflag:s20], $0x2000  }
0x3b: {  	[sflag:s20] =	ssyncset.done $0x0  }
0x3c: {  	[sflag:s20] =	ssyncadd.s32 $0xFFFFE000  }
0x3d: {  	_ =	swait.ge [sflag:s21], $0x2000  }
0x3e: {  	[sflag:s21] =	ssyncset.done $0x0  }
0x3f: {  	s1 =	simm.s32 $0x80;
	[sflag:s21] =	ssyncadd.s32 $0xFFFFE000  }
0x40: {  	[tilespmem:s19], [sflag:$0x2] =	stream.indirect.gather [hbm4b:s5+s16], $0x80, s1, s16, $0xb8;
	[tilespmem:$0x1E800] =	vst v63  }
0x41: {  	s3 =	simm.s32 $0xC0  }
0x42: {  	[tilespmem:s22], [sflag:$0x4] =	stream.indirect.gather [hbm4b:s5+s16], $0x80, s3, s16, $0xb8;
	[tilespmem:$0x1E800] =	vst v63  }
0x43: {  	s15 =	simm.s32 $0x1400  }
0x44: {  	[spmem:s2] =	stream.indirect.scatter.add.f32 [tilespmem:s17], [sflag:$0x5], $0x80, s15, s23, $0xb8;
	[tilespmem:$0x1E800] =	vst v63  }
0x45: {  	_ =	swait.ge [sflag:s14], $0x4000  }
0x46: {  	[sflag:s14] =	ssyncset.done $0x0  }
0x47: {  	[sflag:s14] =	ssyncadd.s32 $0xFFFFC000  }
0x48: {  	_ =	swait.ge [sflag:s24], $0x2000  }
0x49: {  	[sflag:s24] =	ssyncset.done $0x0  }
0x4a: {  	[sflag:s24] =	ssyncadd.s32 $0xFFFFE000  }
0x4b: {  	_ =	swait.ge [sflag:s25], $0x2000  }
0x4c: {  	[sflag:s25] =	ssyncset.done $0x0  }
0x4d: {  	s1 =	simm.s32 $0x100;
	[sflag:s25] =	ssyncadd.s32 $0xFFFFE000  }
0x4e: {  	[tilespmem:s17], [sflag:$0x1] =	stream.indirect.gather [hbm4b:s5+s16], $0x80, s1, s16, $0xb8;
	[tilespmem:$0x1E800] =	vst v63  }
0x4f: {  	s3 =	simm.s32 $0x140  }
0x50: {  	[tilespmem:s18], [sflag:$0x3] =	stream.indirect.gather [hbm4b:s5+s16], $0x80, s3, s16, $0xb8;
	[tilespmem:$0x1E800] =	vst v63  }
0x51: {  	s15 =	simm.s32 $0x1480  }
0x52: {  	[spmem:s2] =	stream.indirect.scatter.add.f32 [tilespmem:s19], [sflag:$0x5], $0x80, s15, s23, $0xb8;
	[tilespmem:$0x1E800] =	vst v63  }
0x53: {  	_ =	swait.ge [sflag:s14], $0x4000  }
0x54: {  	p0 =	por p1, p1;
	s0 =	simm.s32 $0x400;
	[sflag:s14] =	ssyncset.done $0x0  }
.LBB2_5:
0x55: {  	p1 =	sne.s32 s0, $0x4800  }
0x56: {  	[sflag:s14] =	ssyncadd.s32 $0xFFFFC000;
	s1 =	smov.u32 s0;
	s0 =	sadd.s32 $0x400, s0  }
0x57: {  	_ = 	snop  }
0x58: {  	_ =	swait.ge [sflag:s20], $0x2000  }
0x59: {  	[sflag:s20] =	ssyncset.done $0x0  }
0x5a: {  	[sflag:s20] =	ssyncadd.s32 $0xFFFFE000  }
0x5b: {  	_ =	swait.ge [sflag:s21], $0x2000  }
0x5c: {  	s1 =	sshra.s32 s1, $0x2;
	[sflag:s21] =	ssyncset.done $0x0  }
0x5d: {  	s3 =	sadd.s32 $0x80, s1;
	[sflag:s21] =	ssyncadd.s32 $0xFFFFE000  }
0x5e: {  	[tilespmem:s19], [sflag:$0x2] =	stream.indirect.gather [hbm4b:s5+s16], $0x80, s3, s16, $0xb8;
	[tilespmem:$0x1E800] =	vst v63  }
0x5f: {  	s3 =	sadd.s32 $0xC0, s1  }
0x60: {  	[tilespmem:s22], [sflag:$0x4] =	stream.indirect.gather [hbm4b:s5+s16], $0x80, s3, s16, $0xb8;
	[tilespmem:$0x1E800] =	vst v63  }
0x61: {  	s3 =	sadd.s32 $0x1400, s1  }
0x62: {  	[spmem:s2] =	stream.indirect.scatter.add.f32 [tilespmem:s17], [sflag:$0x5], $0x80, s3, s23, $0xb8;
	[tilespmem:$0x1E800] =	vst v63  }
0x63: {  	_ =	swait.ge [sflag:s14], $0x4000  }
0x64: {  	[sflag:s14] =	ssyncset.done $0x0  }
0x65: {  	[sflag:s14] =	ssyncadd.s32 $0xFFFFC000  }
0x66: {  	_ =	swait.ge [sflag:s24], $0x2000  }
0x67: {  	[sflag:s24] =	ssyncset.done $0x0  }
0x68: {  	[sflag:s24] =	ssyncadd.s32 $0xFFFFE000  }
0x69: {  	_ =	swait.ge [sflag:s25], $0x2000  }
0x6a: {  	[sflag:s25] =	ssyncset.done $0x0  }
0x6b: {  	s3 =	sadd.s32 $0x100, s1;
	[sflag:s25] =	ssyncadd.s32 $0xFFFFE000  }
0x6c: {  	[tilespmem:s17], [sflag:$0x1] =	stream.indirect.gather [hbm4b:s5+s16], $0x80, s3, s16, $0xb8;
	[tilespmem:$0x1E800] =	vst v63  }
0x6d: {  	s3 =	sadd.s32 $0x140, s1  }
0x6e: {  	[tilespmem:s18], [sflag:$0x3] =	stream.indirect.gather [hbm4b:s5+s16], $0x80, s3, s16, $0xb8;
	[tilespmem:$0x1E800] =	vst v63  }
.Ltmp1:
0x6f: {  	_ = 	snop;
	(pc) =	sbr.rel @p1 .LBB2_5-.Ltmp1, $4  }
0x70: {  	s1 =	sadd.s32 $0x1480, s1  }
0x71: {  	[spmem:s2] =	stream.indirect.scatter.add.f32 [tilespmem:s19], [sflag:$0x5], $0x80, s1, s23, $0xb8;
	[tilespmem:$0x1E800] =	vst v63  }
0x72: {  	_ =	swait.ge [sflag:s14], $0x4000  }
0x73: {  	[sflag:s14] =	ssyncset.done $0x0  }
0x74: {  	[sflag:s14] =	ssyncadd.s32 $0xFFFFC000  }
0x75: {  	_ =	swait.ge [sflag:s20], $0x2000  }
0x76: {  	[sflag:s20] =	ssyncset.done $0x0  }
0x77: {  	[sflag:s20] =	ssyncadd.s32 $0xFFFFE000  }
0x78: {  	_ =	swait.ge [sflag:s21], $0x2000  }
0x79: {  	[sflag:s21] =	ssyncset.done $0x0  }
0x7a: {  	[sflag:s21] =	ssyncadd.s32 $0xFFFFE000  }
0x7b: {  	[tilespmem:s19], [sflag:$0x2] =	stream.indirect.gather [hbm4b:s5+s16], $0x80, s26, s16, $0xb8;
	[tilespmem:$0x1E800] =	vst v63  }
0x7c: {  	_ = 	snop  }
0x7d: {  	[tilespmem:s22], [sflag:$0x4] =	stream.indirect.gather [hbm4b:s5+s16], $0x80, s28, s16, $0xb8;
	[tilespmem:$0x1E800] =	vst v63  }
0x7e: {  	_ = 	snop  }
0x7f: {  	[spmem:s2] =	stream.indirect.scatter.add.f32 [tilespmem:s17], [sflag:$0x5], $0x80, s29, s23, $0xb8;
	[tilespmem:$0x1E800] =	vst v63  }
0x80: {  	_ =	swait.ge [sflag:s14], $0x4000  }
0x81: {  	[sflag:s14] =	ssyncset.done $0x0  }
0x82: {  	[sflag:s14] =	ssyncadd.s32 $0xFFFFC000  }
0x83: {  	_ =	swait.ge [sflag:s24], $0x2000  }
0x84: {  	[sflag:s24] =	ssyncset.done $0x0  }
0x85: {  	[sflag:s24] =	ssyncadd.s32 $0xFFFFE000  }
0x86: {  	_ =	swait.ge [sflag:s25], $0x2000  }
0x87: {  	[sflag:s25] =	ssyncset.done $0x0  }
.Ltmp2:
0x88: {  	[sflag:s25] =	ssyncadd.s32 $0xFFFFE000;
	(pc) =	sbr.rel @p0 .LBB2_4-.Ltmp2, $4  }
0x89: {  	[spmem:s2] =	stream.indirect.scatter.add.f32 [tilespmem:s19], [sflag:$0x5], $0x80, s30, s23, $0xb8;
	[tilespmem:$0x1E800] =	vst v63  }
0x8a: {  	_ =	swait.ge [sflag:s14], $0x4000  }
0x8b: {  	[sflag:s14] =	ssyncset.done $0x0  }
0x8c: {  	s0 =	simm.s32 $0x28;
	p1 =	por $0x0, $0x0;
	[sflag:s14] =	ssyncadd.s32 $0xFFFFC000  }
0x8d: {  	s0 =	stileid.u32;
	s31 =	sadd.s32 $0x1, s31  }
0x8e: {  	[bflag:$0x0] =	sbarrier.arrive $0xFFFF;
	s0 =	sshll.u32 s0, $0x6;
	p0 =	sne.s32 s31, s13  }
.Ltmp3:
0x8f: {  	s1 =	sshrl.u32 s11, $0x3;
	s0 =	sor.u32 $0x1C05, s0;
	(pc) =	sbr.rel @p0 .LBB2_1-.Ltmp3, $4  }
0x90: {  	[hbm:s12], [sflag:s0] =	dma.local [spmem:s1], $0x2800  }
0x91: {  	_ =	swait.ge [sflag:s14], $0x2800  }
0x92: {  	[sflag:s14] =	ssyncset.done $0x0  }
0x93: {  	[sflag:s14] =	ssyncadd.s32 $0xFFFFD800  }
0x94: {  	_ =	sfence.sel $0x180000  }
0x95: {  	[bflag:$0x0] =	sbarrier.arrive $0xFFFF  }
0x96: {  	_ =	strace $0x9000004D  }
0x97: {  	s0 =	stileid.u32;
	[bflag:$0x2] =	sbarrier.arrive $0xFFFF  }
0x98: {  	p0 =	sne.s32 s0, $0x0;
	s0 =	rddreg [dreg:$0x3]  }
0x99: {  	s0 =	sadd.s32 @!p0 $0x100000, s0  }
0x9a: {  	[sflag:s0] =	ssyncadd.tile.s32 @!p0 $0x1;
	_ =	shalt  }
.Lfunc_end2:
_tile_overlayer_lowered:
.L_overlay_start_2:
0x9b: {  	(tag) =	ssettag $0x2  }
0x9c: {  	s0 =	rddreg [dreg:$0x0];
	s2 =	stileid.u32  }
0x9d: {  	s1 =	rddreg [dreg:$0x1];
	p0 =	sne.s32 s2, $0x0  }
0x9e: {  	s3 =	rddreg [dreg:$0x2];
	[bflag:$0x3] =	sbarrier.arrive $0xFFFF;
	s2 =	simm.s32 @!p0 $0x1C05  }
0x9f: {  	[timem:s3], [sflag:s2] =	dma.local @!p0 [hbm:s0], s1  }
0xa0: {  	s0 =	simm.s32 @!p0 $0x5  }
0xa1: {  	_ =	swait.ge @!p0 [sflag:s0], s1  }
0xa2: {  	s1 =	ssub.s32 @!p0 $0x0, s1;
	[sflag:s0] =	ssyncset.done @!p0 $0x0  }
0xa3: {  	[sflag:s0] =	ssyncadd.s32 @!p0 s1  }
0xa4: {  	[bflag:$0x3] =	sbarrier.arrive $0xFFFF  }
0xa5: {  	_ =	shalt  }

// kernel: kernel.22.cloned.1.call-start
scs
__scs_entry_jumppad:
0x0: {  	(pc) =	sbr.rel $0x88, $3  }
0x1: {  	(tag) =	ssettag $0x0;
	lr =	simm.s32 $0x1  }
0x2: {  	[smem:$0x3F95] =	sst lr;
	_ =	strace $0xD0000000  }
0x3: {  	_ = 	snop  }
0x4: {  	_ = 	snop  }
0x5: {  	_ = 	snop  }
0x6: {  	_ = 	snop  }
0x7: {  	_ = 	snop  }
__scs_overlays_trampoline_lowered:
0x8: {  	[smem:$0x3FA4] =	sst s0  }
0x9: {  	[smem:$0x3FA5] =	sst s1  }
0xa: {  	[smem:$0x3FA6] =	sst s2  }
0xb: {  	[smem:$0x3FA7] =	sst s3  }
0xc: {  	[smem:$0x3FA8] =	sst s4  }
0xd: {  	[smem:$0x3FA9] =	sst s5  }
0xe: {  	[smem:$0x3FAA] =	sst s6  }
0xf: {  	[smem:$0x3FAB] =	sst s7  }
0x10: {  	[smem:$0x3FAC] =	sst s8  }
0x11: {  	[smem:$0x3FAD] =	sst s9;
	s0 =	simm.s32 @!p0 $0x0  }
0x12: {  	s1 =	sld [smem:$0x3F93];
	s0 =	simm.s32 @p0 $0x1  }
0x13: {  	[smem:$0x3FAE] =	sst s0;
	s0 =	simm.s32 @!p1 $0x0  }
0x14: {  	s2 =	sld [smem:$0x3F92];
	s0 =	simm.s32 @p1 $0x1  }
0x15: {  	[smem:$0x3FAF] =	sst s0;
	s0 =	simm.s32 @!p2 $0x0  }
0x16: {  	s3 =	sld [smem:$0x3FDB];
	s0 =	simm.s32 @p2 $0x1  }
0x17: {  	s4 =	simm.s32 $0x1BF5;
	[smem:$0x3FB1] =	sst s0  }
0x18: {  	s0 =	sld [smem:$0x3F94];
	_ =	swait.ge [sflag:s4], $0x0  }
0x19: {  	s7 =	sld [smem:$0x3F95]  }
0x1a: {  	s8 =	sadd.s32 $0xFFFFE003, lr  }
0x1b: {  	s9 =	sadd.s32 $0xFFFFFEF7, lr;
	s5 =	simm.s32 $0xFFFFFFFF;
	p2 =	slt.u32 s8, $0xFFFFF086  }
0x1c: {  	p1 =	slt.u32 s9, $0xF7A;
	s5 =	simm.s32 @!p2 $0x0  }
0x1d: {  	s5 =	simm.s32 @p1 $0x1;
	p0 =	seq.s32 s7, s2  }
0x1e: {  	s7 =	smul.u32 @!p0 $0xF7A, s2;
	p2 =	seq.s32 @!p0 s5, $0x0  }
0x1f: {  	s9 =	smul.u32 $0xF7A, s1;
	s8 =	simm.s32 @!p0 $0x1BF5;
	p2 =	por !p2, p0  }
0x20: {  	[sflag:s8] =	ssyncset.s32 @!p0 $0xFFFFF086;
	s6 =	sadd.s32 @!p0 s3, s7;
	s7 =	simm.s32 @!p0 $0x108  }
0x21: {  	s3 =	sadd.s32 s3, s9;
	s6 =	sadd.s32 @!p0 $0x88, s6;
	s7 =	simm.s32 @p2 $0x1082  }
0x22: {  	[simem:s7], [sflag:s8] =	dma.local @!p0 [hbm:s6], $0xF7A  }
0x23: {  	s9 =	sor.u32 $0xD0000000, s2;
	s6 =	simm.s32 $0x108;
	_ =	swait.ge @!p0 [sflag:s8], $0x0  }
0x24: {  	s3 =	sadd.s32 $0x88, s3;
	s6 =	simm.s32 @!p1 $0x1082;
	[sflag:s4] =	ssyncset.s32 $0xFFFFF086  }
0x25: {  	[simem:s6], [sflag:s4] =	dma.local [hbm:s3], $0xF7A  }
0x26: {  	[smem:$0x3F95] =	sst s1;
	(tag) =	ssettag s2;
	_ =	strace s9  }
0x27: {  	s1 =	sld [smem:$0x3FA5]  }
0x28: {  	s2 =	sld [smem:$0x3FA6]  }
0x29: {  	s4 =	sld [smem:$0x3FA8]  }
0x2a: {  	p0 =	seq.s32 s5, $0x0;
	s5 =	sld [smem:$0x3FA9]  }
0x2b: {  	s6 =	sld [smem:$0x3FAA]  }
0x2c: {  	s7 =	sld [smem:$0x3FAB]  }
0x2d: {  	s3 =	simm.s32 $0x108;
	s8 =	sld [smem:$0x3FAC]  }
0x2e: {  	s3 =	simm.s32 @!p0 $0x1082;
	s9 =	sld [smem:$0x3FAD]  }
0x2f: {  	lr =	sadd.s32 s0, s3;
	s0 =	sld [smem:$0x3FA4]  }
0x30: {  	s3 =	sld [smem:$0x3FA7]  }
0x31: {  	[smem:$0x3FB0] =	sst s10  }
0x32: {  	s10 =	sld [smem:$0x3FAE];
	_ =	sdelay $0x3  }
0x33: {  	p0 =	seq.s32 s10, $0x1;
	s10 =	sld [smem:$0x3FB0];
	_ =	sdelay $0x3  }
0x34: {  	[smem:$0x3FB0] =	sst s10  }
0x35: {  	s10 =	sld [smem:$0x3FAF];
	_ =	sdelay $0x3  }
0x36: {  	p1 =	seq.s32 s10, $0x1;
	s10 =	sld [smem:$0x3FB0];
	_ =	sdelay $0x3  }
0x37: {  	[smem:$0x3FB0] =	sst s10  }
0x38: {  	s10 =	sld [smem:$0x3FB1]  }
0x39: {  	_ = 	snop;
	(pc) =	sbr.ind lr, $3  }
0x3a: {  	_ = 	snop  }
0x3b: {  	_ = 	snop  }
0x3c: {  	p2 =	seq.s32 s10, $0x1;
	s10 =	sld [smem:$0x3FB0]  }
0x3d: {  	_ =	shalt  }
0x3e: {  	_ =	shalt  }
0x3f: {  	_ =	shalt  }
0x40: {  	_ =	shalt  }
0x41: {  	_ =	shalt  }
0x42: {  	_ =	shalt  }
0x43: {  	_ =	shalt  }
0x44: {  	_ =	shalt  }
0x45: {  	_ =	shalt  }
0x46: {  	_ =	shalt  }
0x47: {  	_ =	shalt  }
0x48: {  	_ =	shalt  }
0x49: {  	_ =	shalt  }
0x4a: {  	_ =	shalt  }
0x4b: {  	_ =	shalt  }
0x4c: {  	_ =	shalt  }
0x4d: {  	_ =	shalt  }
0x4e: {  	_ =	shalt  }
0x4f: {  	_ =	shalt  }
0x50: {  	_ =	shalt  }
0x51: {  	_ =	shalt  }
0x52: {  	_ =	shalt  }
0x53: {  	_ =	shalt  }
0x54: {  	_ =	shalt  }
0x55: {  	_ =	shalt  }
0x56: {  	_ =	shalt  }
0x57: {  	_ =	shalt  }
0x58: {  	_ =	shalt  }
0x59: {  	_ =	shalt  }
0x5a: {  	_ =	shalt  }
0x5b: {  	_ =	shalt  }
0x5c: {  	_ =	shalt  }
0x5d: {  	_ =	shalt  }
0x5e: {  	_ =	shalt  }
0x5f: {  	_ =	shalt  }
0x60: {  	_ =	shalt  }
0x61: {  	_ =	shalt  }
0x62: {  	_ =	shalt  }
0x63: {  	_ =	shalt  }
0x64: {  	_ =	shalt  }
0x65: {  	_ =	shalt  }
0x66: {  	_ =	shalt  }
0x67: {  	_ =	shalt  }
0x68: {  	_ =	shalt  }
0x69: {  	_ =	shalt  }
0x6a: {  	_ =	shalt  }
0x6b: {  	_ =	shalt  }
0x6c: {  	_ =	shalt  }
0x6d: {  	_ =	shalt  }
0x6e: {  	_ =	shalt  }
0x6f: {  	_ =	shalt  }
0x70: {  	_ =	shalt  }
0x71: {  	_ =	shalt  }
0x72: {  	_ =	shalt  }
0x73: {  	_ =	shalt  }
0x74: {  	_ =	shalt  }
0x75: {  	_ =	shalt  }
0x76: {  	_ =	shalt  }
0x77: {  	_ =	shalt  }
0x78: {  	_ =	shalt  }
0x79: {  	_ =	shalt  }
0x7a: {  	_ =	shalt  }
0x7b: {  	_ =	shalt  }
0x7c: {  	_ =	shalt  }
0x7d: {  	_ =	shalt  }
0x7e: {  	_ =	shalt  }
0x7f: {  	_ =	shalt  }
0x80: {  	_ =	shalt  }
0x81: {  	_ =	shalt  }
0x82: {  	_ =	shalt  }
0x83: {  	_ =	shalt  }
0x84: {  	_ =	shalt  }
0x85: {  	_ =	shalt  }
0x86: {  	_ =	shalt  }
0x87: {  	_ =	shalt  }
.Lfunc_end0:
.L_simem_size_0:
called_computation.3_lowered:
.L_overlay_start_0:
0x88: {  	s2 =	sld [smem:$0x3FD9]  }
0x89: {  	s3 =	sld [smem:$0x3FFE];
	_ =	sdelay $0x1  }
0x8a: {  	s1 =	srdreg.scid  }
0x8b: {  	s0 =	sand.u32 $0x1, s1  }
0x8c: {  	s17 =	sshll.u32 s0, $0xA;
	s2 =	sadd.s32 s3, s2  }
0x8d: {  	s2 =	sadd.s32 s2, s17  }
0x8e: {  	[smem:$0x3FBC] =	sst s2  }
0x8f: {  	_ = 	snop  }
0x90: {  	s2 =	sld [smem:$0x3FD0];
	(tm) =	ssettm $0x1  }
0x91: {  	s18 =	sld [smem:$0x3FFB];
	_ =	sdelay $0x3  }
0x92: {  	_ =	strace s18  }
0x93: {  	s3 =	sld [smem:$0x3FFC];
	_ =	sdelay $0x3  }
0x94: {  	_ =	strace s3  }
0x95: {  	s3 =	sld [smem:$0x3FFD];
	_ =	sdelay $0x3  }
0x96: {  	_ =	strace s3  }
0x97: {  	_ =	strace $0x8FFFFFFF  }
0x98: {  	s19 =	sld [smem:$0x3FDB];
	_ =	sdelay $0x1  }
0x99: {  	s4 =	simm.s32 $_scs_section_size  }
0x9a: {  	s5 =	simm.s32 $_size__tile_overlayer_lowered;
	s6 =	simm.s32 $_tile_overlayer_lowered  }
0x9b: {  	s22 =	simm.s32 $0x1BFF;
	s21 =	sshll.u32 s6, $0x1;
	s3 =	sadd.s32 s4, s19  }
0x9c: {  	s7 =	simm.s32 $0x0;
	s20 =	sshll.u32 s5, $0x1;
	s5 =	sadd.s32 s21, s3  }
0x9d: {  	[timem:s7], [sflag:s22] =	dma.local [hbm:s5], s20  }
0x9e: {  	_ =	swait.ge [sflag:s22], s20  }
0x9f: {  	s4 =	ssub.s32 $0x0, s20;
	[sflag:s22] =	ssyncset.done $0x0  }
0xa0: {  	[sflag:s22] =	ssyncadd.s32 s4;
	_ =	sdelay $0x1  }
0xa1: {  	s23 =	simm.s32 $0x1B8B  }
0xa2: {  	_ =	swait.ge [sflag:s23], $0x1  }
0xa3: {  	[sflag:s23] =	ssyncset.done $0x0  }
0xa4: {  	s25 =	simm.s32 $0x1B8E;
	s24 =	sld [smem:$0x3FFE];
	[sflag:s23] =	ssyncadd.s32 $0xFFFFFFFF  }
0xa5: {  	s26 =	simm.s32 $execute0_lowered;
	[smem:$0x3FD2] =	sst s25  }
0xa6: {  	s5 =	sshll.u32 s26, $0x1;
	_ =	strace $0x8000004F;
	[dreg:$0x1] =	wrdreg $0xFFFFFFFF  }
0xa7: {  	s28 =	simm.s32 $_size_execute0_lowered;
	s3 =	sadd.s32 s3, s5;
	[dreg:$0x0] =	wrdreg $0x0  }
0xa8: {  	s5 =	sshll.u32 s28, $0x1;
	[dreg:$0x2] =	wrdreg s3  }
0xa9: {  	[dreg:$0x3] =	wrdreg s5  }
0xaa: {  	[dreg:$0x4] =	wrdreg $0xC0  }
0xab: {  	_ =	task [dreg:s7], $0x5FFFF  }
0xac: {  	[dreg:$0x1] =	wrdreg $0xFFFFFFFF  }
0xad: {  	[dreg:$0x0] =	wrdreg $0x60  }
0xae: {  	[dreg:$0x2] =	wrdreg s24  }
0xaf: {  	[dreg:$0x3] =	wrdreg s2  }
0xb0: {  	[dreg:$0x4] =	wrdreg $0xA8000  }
0xb1: {  	[dreg:$0x5] =	wrdreg $0x9  }
0xb2: {  	_ =	task.clear_ibuf [dreg:s7], $0x6FFFF;
	_ =	strace $0x9000004F  }
0xb3: {  	s29 =	simm.s32 $0x9;
	_ =	strace $0x80000051  }
0xb4: {  	_ =	swait.ge [sflag:s29], $0x1  }
0xb5: {  	[sflag:s29] =	ssyncadd.s32 $0xFFFFFFFF  }
0xb6: {  	_ =	strace $0x90000051  }
0xb7: {  	_ =	sfence  }
0xb8: {  	s30 =	sld [smem:$0x0];
	_ =	sdelay $0x2  }
0xb9: {  	s31 =	sshll.u32 s1, $0xD;
	s1 =	sshrl.u32 s1, $0x2  }
0xba: {  	s3 =	sand.u32 $0x4000, s31;
	s1 =	sadd.s32 s1, s30  }
0xbb: {  	s0 =	sor.u32 s3, s0;
	s1 =	sshll.u32 s1, $0x11  }
0xbc: {  	s0 =	sor.u32 s1, s0  }
0xbd: {  	s0 =	sadd.s32 $0x8F2B, s0  }
0xbe: {  	[sflag:s0] =	ssyncadd.remote.s32 $0x1  }
0xbf: {  	_ =	sfence.sel $0xFFFF  }
0xc0: {  	[dreg:$0x0] =	wrdreg $0xFFFFFFFF;
	(pc) =	sbr.abs _section_cstart, $3  }
0xc1: {  	[dreg:$0x1] =	wrdreg $0xFFFFFFFF  }
0xc2: {  	_ =	task.clear_ibuf [dreg:s7], $0x2FFFF;
	_ =	strace $0x9FFFFFFF  }
0xc3: {  	(tm) =	ssettm $0x7FFFFFFF  }
tec
execute0_lowered:
.L_overlay_start_1:
0x0: {  	(tag) =	ssettag $0x1  }
0x1: {  	s0 =	rddreg [dreg:$0x0]  }
0x2: {  	s2 =	rddreg [dreg:$0x2];
	s4 =	simm.s32 $0x0;
	s3 =	srdreg.scid  }
0x3: {  	s1 =	stileid.u32;
	s16 =	simm.s32 $0x40;
	s17 =	simm.s32 $0x2800  }
0x4: {  	s18 =	simm.s32 $0x4800;
	s19 =	simm.s32 $0x6800;
	s20 =	simm.s32 $0x1  }
0x5: {  	s21 =	simm.s32 $0x3;
	s22 =	simm.s32 $0x8800;
	s23 =	simm.s32 $0x80  }
0x6: {  	s24 =	simm.s32 $0x2;
	s28 =	simm.s32 $0x13C0;
	s29 =	simm.s32 $0x2700  }
0x7: {  	s30 =	simm.s32 $0x2780;
	s31 =	simm.s32 $0x0;
	[smem:$0x7FF] =	sst s4  }
0x8: {  	s7 =	sand.u32 $0x1, s3;
	s9 =	smul.u32 $0x14000, s1;
	s10 =	sshll.u32 s1, $0x1  }
0x9: {  	s5 =	sadd.s32 $0x21C00, s0;
	s6 =	sadd.s32 $0x17C00, s0;
	s13 =	smul.u32 $0x50000, s1  }
0xa: {  	s8 =	smul.u32 $0x140000, s7;
	_ =	strace $0x80000050;
	s10 =	sor.u32 s7, s10  }
0xb: {  	s25 =	ssub.s32 $0x2, s7;
	s7 =	sadd.s32 $0xDC00, s0;
	s11 =	smul.u32 $0x500, s10  }
0xc: {  	s12 =	sshrl.u32 s25, $0x1;
	s26 =	sshrl.u32 s13, $0x2;
	s8 =	sadd.s32 s9, s8  }
0xd: {  	s14 =	ssub.s32 s25, s12;
	s25 =	simm.s32 $0x4;
	s8 =	sshrl.u32 s8, $0x3  }
0xe: {  	s9 =	sadd.s32 s6, s11;
	s13 =	smax.u32 s14, $0x1;
	s14 =	simm.s32 $0x5  }
0xf: {  	s0 =	sadd.s32 s8, s0;
	s8 =	smul.u32 $0x50, s10;
	s10 =	sadd.s32 s7, s11  }
0x10: {  	s11 =	sadd.s32 s26, s2;
	s26 =	simm.s32 $0x1380;
	s12 =	sadd.s32 $0x48E00, s0  }
.LBB2_1:
0x11: {  	[tilespmem:s4], [sflag:$0x5] =	stream.linear.gather [hbm4b:s9+s4], $0x1400, $0x38;
	[tilespmem:$0x1E800] =	vst v63  }
0x12: {  	_ =	swait.ge [sflag:s14], $0x1400  }
0x13: {  	[sflag:s14] =	ssyncset.done $0x0  }
0x14: {  	s0 =	simm.s32 $0x1400;
	[sflag:s14] =	ssyncadd.s32 $0xFFFFEC00  }
0x15: {  	[tilespmem:s0], [sflag:$0x5] =	stream.linear.gather [hbm4b:s10+s4], $0x1400, $0x38;
	[tilespmem:$0x1E800] =	vst v63  }
0x16: {  	_ =	swait.ge [sflag:s14], $0x1400  }
0x17: {  	[sflag:s14] =	ssyncset.done $0x0  }
0x18: {  	[sflag:s14] =	ssyncadd.s32 $0xFFFFEC00  }
0x19: {  	[tilespmem:s17], [sflag:$0x1] =	stream.indirect.gather [hbm4b:s5+s16], $0x80, s4, s16, $0xb8;
	[tilespmem:$0x1E800] =	vst v63  }
0x1a: {  	_ = 	snop  }
0x1b: {  	[tilespmem:s18], [sflag:$0x3] =	stream.indirect.gather [hbm4b:s5+s16], $0x80, s16, s16, $0xb8;
	[tilespmem:$0x1E800] =	vst v63  }
0x1c: {  	s3 =	rddreg [dreg:$0x1]  }
0x1d: {  	[tilespmem:s19], [sflag:$0x5] =	stream.linear.gather [hbm4b:s3+s4], $0x4000, $0x38;
	[tilespmem:$0x1E800] =	vst v63  }
0x1e: {  	_ =	swait.ge [sflag:s14], $0x4000  }
0x1f: {  	[sflag:s14] =	ssyncset.done $0x0  }
0x20: {  	s15 =	sadd.s32 $0x0, s11;
	[sflag:s14] =	ssyncadd.s32 $0xFFFFC000  }
0x21: {  	[spmem:s15] =	stream.linear.scatter [tilespmem:s19], [sflag:$0x5], $0x800, $0x38;
	[tilespmem:$0x1E800] =	vst v63  }
0x22: {  	s0 =	simm.s32 $0x2000;
	_ =	swait.ge [sflag:s14], $0x800  }
.LBB2_2:
0x23: {  	s1 =	sshra.s32 s0, $0x2;
	[sflag:s14] =	ssyncset.done $0x0;
	p0 =	sne.s32 s0, $0x4E000  }
.Ltmp0:
0x24: {  	s1 =	sadd.s32 s1, s11;
	[sflag:s14] =	ssyncadd.s32 $0xFFFFF800;
	(pc) =	sbr.rel @p0 .LBB2_2-.Ltmp0, $3  }
0x25: {  	[spmem:s1] =	stream.linear.scatter [tilespmem:s19], [sflag:$0x5], $0x800, $0x38;
	[tilespmem:$0x1E800] =	vst v63  }
0x26: {  	s0 =	sadd.s32 $0x2000, s0;
	_ =	sdelay $0x1  }
0x27: {  	_ =	swait.ge [sflag:s14], $0x800  }
0x28: {  	[sflag:s14] =	ssyncset.done $0x0  }
0x29: {  	[sflag:s14] =	ssyncadd.s32 $0xFFFFF800  }
0x2a: {  	s0 =	simm.s32 $0x0;
	p1 =	por $0x1, $0x1;
	[bflag:$0x0] =	sbarrier.arrive $0xFFFF  }
.LBB2_4:
0x2b: {  	s0 =	sadd.s32 @!p1 s8, s0  }
0x2c: {  	s0 =	sshll.u32 @!p1 s0, $0x4  }
0x2d: {  	s15 =	simm.s32 @!p1 $0x0;
	s1 =	sadd.s32 @!p1 s6, s0  }
0x2e: {  	[tilespmem:s15], [sflag:$0x5] =	stream.linear.gather @!p1 [hbm4b:s1+s15], $0x1400, $0x38;
	[tilespmem:$0x1E800] =	vst v63  }
0x2f: {  	s1 =	simm.s32 @!p1 $0x5  }
0x30: {  	_ =	swait.ge @!p1 [sflag:s1], $0x1400  }
0x31: {  	[sflag:s1] =	ssyncset.done @!p1 $0x0  }
0x32: {  	s3 =	simm.s32 @!p1 $0x1400;
	s0 =	sadd.s32 @!p1 s7, s0;
	[sflag:s1] =	ssyncadd.s32 @!p1 $0xFFFFEC00  }
0x33: {  	[tilespmem:s3], [sflag:$0x5] =	stream.linear.gather @!p1 [hbm4b:s0+s15], $0x1400, $0x38;
	[tilespmem:$0x1E800] =	vst v63  }
0x34: {  	_ =	swait.ge @!p1 [sflag:s1], $0x1400  }
0x35: {  	[sflag:s1] =	ssyncset.done @!p1 $0x0  }
0x36: {  	s0 =	simm.s32 @!p1 $0x40;
	[sflag:s1] =	ssyncadd.s32 @!p1 $0xFFFFEC00;
	s1 =	simm.s32 @!p1 $0x2800  }
0x37: {  	[tilespmem:s1], [sflag:$0x1] =	stream.indirect.gather @!p1 [hbm4b:s5+s0], $0x80, s15, s0, $0xb8;
	[tilespmem:$0x1E800] =	vst v63  }
0x38: {  	s1 =	simm.s32 @!p1 $0x4800  }
0x39: {  	[tilespmem:s1], [sflag:$0x3] =	stream.indirect.gather @!p1 [hbm4b:s5+s0], $0x80, s0, s0, $0xb8;
	[tilespmem:$0x1E800] =	vst v63  }
0x3a: {  	_ =	swait.ge [sflag:s20], $0x2000  }
0x3b: {  	[sflag:s20] =	ssyncset.done $0x0  }
0x3c: {  	[sflag:s20] =	ssyncadd.s32 $0xFFFFE000  }
0x3d: {  	_ =	swait.ge [sflag:s21], $0x2000  }
0x3e: {  	[sflag:s21] =	ssyncset.done $0x0  }
0x3f: {  	s1 =	simm.s32 $0x80;
	[sflag:s21] =	ssyncadd.s32 $0xFFFFE000  }
0x40: {  	[tilespmem:s19], [sflag:$0x2] =	stream.indirect.gather [hbm4b:s5+s16], $0x80, s1, s16, $0xb8;
	[tilespmem:$0x1E800] =	vst v63  }
0x41: {  	s3 =	simm.s32 $0xC0  }
0x42: {  	[tilespmem:s22], [sflag:$0x4] =	stream.indirect.gather [hbm4b:s5+s16], $0x80, s3, s16, $0xb8;
	[tilespmem:$0x1E800] =	vst v63  }
0x43: {  	s15 =	simm.s32 $0x1400  }
0x44: {  	[spmem:s2] =	stream.indirect.scatter.add.f32 [tilespmem:s17], [sflag:$0x5], $0x80, s15, s23, $0xb8;
	[tilespmem:$0x1E800] =	vst v63  }
0x45: {  	_ =	swait.ge [sflag:s14], $0x4000  }
0x46: {  	[sflag:s14] =	ssyncset.done $0x0  }
0x47: {  	[sflag:s14] =	ssyncadd.s32 $0xFFFFC000  }
0x48: {  	_ =	swait.ge [sflag:s24], $0x2000  }
0x49: {  	[sflag:s24] =	ssyncset.done $0x0  }
0x4a: {  	[sflag:s24] =	ssyncadd.s32 $0xFFFFE000  }
0x4b: {  	_ =	swait.ge [sflag:s25], $0x2000  }
0x4c: {  	[sflag:s25] =	ssyncset.done $0x0  }
0x4d: {  	s1 =	simm.s32 $0x100;
	[sflag:s25] =	ssyncadd.s32 $0xFFFFE000  }
0x4e: {  	[tilespmem:s17], [sflag:$0x1] =	stream.indirect.gather [hbm4b:s5+s16], $0x80, s1, s16, $0xb8;
	[tilespmem:$0x1E800] =	vst v63  }
0x4f: {  	s3 =	simm.s32 $0x140  }
0x50: {  	[tilespmem:s18], [sflag:$0x3] =	stream.indirect.gather [hbm4b:s5+s16], $0x80, s3, s16, $0xb8;
	[tilespmem:$0x1E800] =	vst v63  }
0x51: {  	s15 =	simm.s32 $0x1480  }
0x52: {  	[spmem:s2] =	stream.indirect.scatter.add.f32 [tilespmem:s19], [sflag:$0x5], $0x80, s15, s23, $0xb8;
	[tilespmem:$0x1E800] =	vst v63  }
0x53: {  	_ =	swait.ge [sflag:s14], $0x4000  }
0x54: {  	p0 =	por p1, p1;
	s0 =	simm.s32 $0x400;
	[sflag:s14] =	ssyncset.done $0x0  }
.LBB2_5:
0x55: {  	p1 =	sne.s32 s0, $0x4800  }
0x56: {  	[sflag:s14] =	ssyncadd.s32 $0xFFFFC000;
	s1 =	smov.u32 s0;
	s0 =	sadd.s32 $0x400, s0  }
0x57: {  	_ = 	snop  }
0x58: {  	_ =	swait.ge [sflag:s20], $0x2000  }
0x59: {  	[sflag:s20] =	ssyncset.done $0x0  }
0x5a: {  	[sflag:s20] =	ssyncadd.s32 $0xFFFFE000  }
0x5b: {  	_ =	swait.ge [sflag:s21], $0x2000  }
0x5c: {  	s1 =	sshra.s32 s1, $0x2;
	[sflag:s21] =	ssyncset.done $0x0  }
0x5d: {  	s3 =	sadd.s32 $0x80, s1;
	[sflag:s21] =	ssyncadd.s32 $0xFFFFE000  }
0x5e: {  	[tilespmem:s19], [sflag:$0x2] =	stream.indirect.gather [hbm4b:s5+s16], $0x80, s3, s16, $0xb8;
	[tilespmem:$0x1E800] =	vst v63  }
0x5f: {  	s3 =	sadd.s32 $0xC0, s1  }
0x60: {  	[tilespmem:s22], [sflag:$0x4] =	stream.indirect.gather [hbm4b:s5+s16], $0x80, s3, s16, $0xb8;
	[tilespmem:$0x1E800] =	vst v63  }
0x61: {  	s3 =	sadd.s32 $0x1400, s1  }
0x62: {  	[spmem:s2] =	stream.indirect.scatter.add.f32 [tilespmem:s17], [sflag:$0x5], $0x80, s3, s23, $0xb8;
	[tilespmem:$0x1E800] =	vst v63  }
0x63: {  	_ =	swait.ge [sflag:s14], $0x4000  }
0x64: {  	[sflag:s14] =	ssyncset.done $0x0  }
0x65: {  	[sflag:s14] =	ssyncadd.s32 $0xFFFFC000  }
0x66: {  	_ =	swait.ge [sflag:s24], $0x2000  }
0x67: {  	[sflag:s24] =	ssyncset.done $0x0  }
0x68: {  	[sflag:s24] =	ssyncadd.s32 $0xFFFFE000  }
0x69: {  	_ =	swait.ge [sflag:s25], $0x2000  }
0x6a: {  	[sflag:s25] =	ssyncset.done $0x0  }
0x6b: {  	s3 =	sadd.s32 $0x100, s1;
	[sflag:s25] =	ssyncadd.s32 $0xFFFFE000  }
0x6c: {  	[tilespmem:s17], [sflag:$0x1] =	stream.indirect.gather [hbm4b:s5+s16], $0x80, s3, s16, $0xb8;
	[tilespmem:$0x1E800] =	vst v63  }
0x6d: {  	s3 =	sadd.s32 $0x140, s1  }
0x6e: {  	[tilespmem:s18], [sflag:$0x3] =	stream.indirect.gather [hbm4b:s5+s16], $0x80, s3, s16, $0xb8;
	[tilespmem:$0x1E800] =	vst v63  }
.Ltmp1:
0x6f: {  	_ = 	snop;
	(pc) =	sbr.rel @p1 .LBB2_5-.Ltmp1, $4  }
0x70: {  	s1 =	sadd.s32 $0x1480, s1  }
0x71: {  	[spmem:s2] =	stream.indirect.scatter.add.f32 [tilespmem:s19], [sflag:$0x5], $0x80, s1, s23, $0xb8;
	[tilespmem:$0x1E800] =	vst v63  }
0x72: {  	_ =	swait.ge [sflag:s14], $0x4000  }
0x73: {  	[sflag:s14] =	ssyncset.done $0x0  }
0x74: {  	[sflag:s14] =	ssyncadd.s32 $0xFFFFC000  }
0x75: {  	_ =	swait.ge [sflag:s20], $0x2000  }
0x76: {  	[sflag:s20] =	ssyncset.done $0x0  }
0x77: {  	[sflag:s20] =	ssyncadd.s32 $0xFFFFE000  }
0x78: {  	_ =	swait.ge [sflag:s21], $0x2000  }
0x79: {  	[sflag:s21] =	ssyncset.done $0x0  }
0x7a: {  	[sflag:s21] =	ssyncadd.s32 $0xFFFFE000  }
0x7b: {  	[tilespmem:s19], [sflag:$0x2] =	stream.indirect.gather [hbm4b:s5+s16], $0x80, s26, s16, $0xb8;
	[tilespmem:$0x1E800] =	vst v63  }
0x7c: {  	_ = 	snop  }
0x7d: {  	[tilespmem:s22], [sflag:$0x4] =	stream.indirect.gather [hbm4b:s5+s16], $0x80, s28, s16, $0xb8;
	[tilespmem:$0x1E800] =	vst v63  }
0x7e: {  	_ = 	snop  }
0x7f: {  	[spmem:s2] =	stream.indirect.scatter.add.f32 [tilespmem:s17], [sflag:$0x5], $0x80, s29, s23, $0xb8;
	[tilespmem:$0x1E800] =	vst v63  }
0x80: {  	_ =	swait.ge [sflag:s14], $0x4000  }
0x81: {  	[sflag:s14] =	ssyncset.done $0x0  }
0x82: {  	[sflag:s14] =	ssyncadd.s32 $0xFFFFC000  }
0x83: {  	_ =	swait.ge [sflag:s24], $0x2000  }
0x84: {  	[sflag:s24] =	ssyncset.done $0x0  }
0x85: {  	[sflag:s24] =	ssyncadd.s32 $0xFFFFE000  }
0x86: {  	_ =	swait.ge [sflag:s25], $0x2000  }
0x87: {  	[sflag:s25] =	ssyncset.done $0x0  }
.Ltmp2:
0x88: {  	[sflag:s25] =	ssyncadd.s32 $0xFFFFE000;
	(pc) =	sbr.rel @p0 .LBB2_4-.Ltmp2, $4  }
0x89: {  	[spmem:s2] =	stream.indirect.scatter.add.f32 [tilespmem:s19], [sflag:$0x5], $0x80, s30, s23, $0xb8;
	[tilespmem:$0x1E800] =	vst v63  }
0x8a: {  	_ =	swait.ge [sflag:s14], $0x4000  }
0x8b: {  	[sflag:s14] =	ssyncset.done $0x0  }
0x8c: {  	s0 =	simm.s32 $0x28;
	p1 =	por $0x0, $0x0;
	[sflag:s14] =	ssyncadd.s32 $0xFFFFC000  }
0x8d: {  	s0 =	stileid.u32;
	s31 =	sadd.s32 $0x1, s31  }
0x8e: {  	[bflag:$0x0] =	sbarrier.arrive $0xFFFF;
	s0 =	sshll.u32 s0, $0x6;
	p0 =	sne.s32 s31, s13  }
.Ltmp3:
0x8f: {  	s1 =	sshrl.u32 s11, $0x3;
	s0 =	sor.u32 $0x1C05, s0;
	(pc) =	sbr.rel @p0 .LBB2_1-.Ltmp3, $4  }
0x90: {  	[hbm:s12], [sflag:s0] =	dma.local [spmem:s1], $0x2800  }
0x91: {  	_ =	swait.ge [sflag:s14], $0x2800  }
0x92: {  	[sflag:s14] =	ssyncset.done $0x0  }
0x93: {  	[sflag:s14] =	ssyncadd.s32 $0xFFFFD800  }
0x94: {  	_ =	sfence.sel $0x180000  }
0x95: {  	[bflag:$0x0] =	sbarrier.arrive $0xFFFF  }
0x96: {  	_ =	strace $0x90000050  }
0x97: {  	s0 =	stileid.u32;
	[bflag:$0x2] =	sbarrier.arrive $0xFFFF  }
0x98: {  	p0 =	sne.s32 s0, $0x0;
	s0 =	rddreg [dreg:$0x3]  }
0x99: {  	s0 =	sadd.s32 @!p0 $0x100000, s0  }
0x9a: {  	[sflag:s0] =	ssyncadd.tile.s32 @!p0 $0x1;
	_ =	shalt  }
.Lfunc_end2:
_tile_overlayer_lowered:
.L_overlay_start_2:
0x9b: {  	(tag) =	ssettag $0x2  }
0x9c: {  	s0 =	rddreg [dreg:$0x0];
	s2 =	stileid.u32  }
0x9d: {  	s1 =	rddreg [dreg:$0x1];
	p0 =	sne.s32 s2, $0x0  }
0x9e: {  	s3 =	rddreg [dreg:$0x2];
	[bflag:$0x3] =	sbarrier.arrive $0xFFFF;
	s2 =	simm.s32 @!p0 $0x1C05  }
0x9f: {  	[timem:s3], [sflag:s2] =	dma.local @!p0 [hbm:s0], s1  }
0xa0: {  	s0 =	simm.s32 @!p0 $0x5  }
0xa1: {  	_ =	swait.ge @!p0 [sflag:s0], s1  }
0xa2: {  	s1 =	ssub.s32 @!p0 $0x0, s1;
	[sflag:s0] =	ssyncset.done @!p0 $0x0  }
0xa3: {  	[sflag:s0] =	ssyncadd.s32 @!p0 s1  }
0xa4: {  	[bflag:$0x3] =	sbarrier.arrive $0xFFFF  }
0xa5: {  	_ =	shalt  }

</sc_bundles>
